<compile_context>
chip_gen: v7x
topology: tpu7x:2x2x1
jax: 0.10.2.dev20260603
libtpu: 0.0.44.dev20260713+nightly
codegen_flags: <defaults>
</compile_context>

<pallas_src>
import functools

import jax
import jax.numpy as jnp
from jax import lax
from jax.experimental import pallas as pl
from jax.experimental.pallas import tpu as pltpu
from jax.experimental.pallas import tpu_sc as plsc

NC = 2
NS = 16
L = 16
NW = NC * NS

B = 4096
S = 50
E = 64
O = 128
V = 1000000

PAIR_ROWS = V // 2
ZPAD = 4096
PR = PAIR_ROWS + ZPAD
ZROW = PAIR_ROWS

CHUNK_C = 128
N_CHUNKS = V // CHUNK_C
TAIL_C = V - N_CHUNKS * CHUNK_C
PAIR_LOOP = 122

SEQ_PER_W = B // NW


def _sc_prep(tab_t, tail_pairs):
  mesh = plsc.VectorSubcoreMesh(
      core_axis_name="c", subcore_axis_name="s", num_cores=NC, num_subcores=NS)

  @functools.partial(
      pl.kernel,
      out_type=jax.ShapeDtypeStruct((PR, 128), jnp.float32),
      mesh=mesh,
      scratch_types=[
          pltpu.VMEM((E, CHUNK_C), jnp.float32),
          pltpu.VMEM((E, CHUNK_C), jnp.float32),
          pltpu.VMEM((E, 128), jnp.float32),
          pltpu.VMEM((E, 128), jnp.float32),
          pltpu.SemaphoreType.DMA,
          pltpu.SemaphoreType.DMA,
          pltpu.SemaphoreType.DMA,
          pltpu.SemaphoreType.DMA,
      ],
      compiler_params=pltpu.CompilerParams(needs_layout_passes=False),
  )
  def k(tab_hbm, tail_hbm, pairs_hbm, in0, in1, ob0, ob1, si0, si1, so0, so1):
    wid = lax.axis_index("s") * NC + lax.axis_index("c")

    row_vecs = [lax.iota(jnp.int32, L) + (g * L) for g in range(E // L)]

    def zero_out(ob):
      z = jnp.zeros((L,), jnp.float32)

      def zb(r, carry):
        for g in range(8):
          ob[r, pl.ds(g * L, L)] = z
        return carry

      lax.fori_loop(0, E, zb, 0)

    def start_in(inb, sem, c):
      pltpu.async_copy(
          tab_hbm.at[pl.ds(0, E), pl.ds(c * CHUNK_C, CHUNK_C)], inb, sem)

    def wait_in(inb, sem):
      pltpu.make_async_copy(
          tab_hbm.at[pl.ds(0, E), pl.ds(0, CHUNK_C)], inb, sem).wait()

    def transpose(inb, ob, ncols):
      @plsc.parallel_loop(0, ncols // 2, unroll=4)
      def _(r):
        for g in range(8):
          col = 2 * r + (1 if g >= 4 else 0)
          vals = plsc.load_gather(
              inb, [row_vecs[g % 4], jnp.full((L,), col, jnp.int32)])
          ob[r, pl.ds(g * L, L)] = vals

    def start_out(ob, sem, row0, nrows):
      pltpu.async_copy(ob.at[pl.ds(0, nrows)],
                       pairs_hbm.at[pl.ds(row0, nrows)], sem)

    def wait_out(ob, sem, nrows):
      pltpu.make_async_copy(ob.at[pl.ds(0, nrows)],
                            pairs_hbm.at[pl.ds(ZROW, nrows)], sem).wait()

    zero_out(ob0)
    zero_out(ob1)
    start_out(ob0, so0, ZROW + wid * 128, E)
    start_out(ob1, so1, ZROW + wid * 128 + E, E)
    start_in(in0, si0, wid)
    start_in(in1, si1, wid + 32)

    def body(kk, carry):
      c0 = wid + 64 * kk
      c1 = c0 + 32
      wait_in(in0, si0)
      wait_out(ob0, so0, E)
      transpose(in0, ob0, CHUNK_C)
      start_out(ob0, so0, c0 * (CHUNK_C // 2), E)

      @pl.when(c0 + 64 <= N_CHUNKS - 1)
      def _():
        start_in(in0, si0, c0 + 64)

      wait_in(in1, si1)
      wait_out(ob1, so1, E)
      transpose(in1, ob1, CHUNK_C)
      start_out(ob1, so1, c1 * (CHUNK_C // 2), E)

      @pl.when(c1 + 64 <= N_CHUNKS - 1)
      def _():
        start_in(in1, si1, c1 + 64)

      return carry

    lax.fori_loop(0, PAIR_LOOP, body, 0)

    @pl.when(wid <= 3)
    def _():
      c = wid + 64 * PAIR_LOOP
      wait_in(in0, si0)
      wait_out(ob0, so0, E)
      transpose(in0, ob0, CHUNK_C)
      start_out(ob0, so0, c * (CHUNK_C // 2), E)

    @pl.when(wid == 4)
    def _():
      pltpu.sync_copy(tail_hbm, in0.at[pl.ds(0, TAIL_C // 2)])
      wait_out(ob0, so0, E)
      pltpu.async_copy(in0.at[pl.ds(0, TAIL_C // 2)],
                       pairs_hbm.at[pl.ds(N_CHUNKS * (CHUNK_C // 2),
                                          TAIL_C // 2)], so0)

    @pl.when(wid <= 3)
    def _():
      wait_out(ob0, so0, E)

    @pl.when(wid == 4)
    def _():
      wait_out(ob0, so0, TAIL_C // 2)

    @pl.when(wid >= 5)
    def _():
      wait_out(ob0, so0, E)

    wait_out(ob1, so1, E)

  return k(tab_t, tail_pairs)


def _sc_pool(pairs, tids_t):
  mesh = plsc.VectorSubcoreMesh(
      core_axis_name="c", subcore_axis_name="s", num_cores=NC, num_subcores=NS)

  @functools.partial(
      pl.kernel,
      out_type=jax.ShapeDtypeStruct((B, E), jnp.float32),
      mesh=mesh,
      scratch_types=[
          pltpu.VMEM((S, SEQ_PER_W), jnp.int32),
          pltpu.VMEM((S, SEQ_PER_W), jnp.int32),
          pltpu.VMEM((S, SEQ_PER_W), jnp.int32),
          pltpu.VMEM((SEQ_PER_W, 128), jnp.float32),
          pltpu.VMEM((SEQ_PER_W, 128), jnp.float32),
          pltpu.VMEM((SEQ_PER_W, 128), jnp.float32),
          pltpu.VMEM((SEQ_PER_W, 128), jnp.float32),
          pltpu.VMEM((SEQ_PER_W, E), jnp.float32),
          pltpu.SemaphoreType.DMA,
          pltpu.SemaphoreType.DMA,
          pltpu.SemaphoreType.DMA,
          pltpu.SemaphoreType.DMA,
      ],
      compiler_params=pltpu.CompilerParams(needs_layout_passes=False),
  )
  def k(pairs_hbm, tid_hbm, out_hbm, idx_v, idx_e, idx_o,
        be0, be1, bo0, bo1, pooled_v, se0, se1, so0, so1):
    wid = lax.axis_index("s") * NC + lax.axis_index("c")
    base = wid * SEQ_PER_W
    pltpu.sync_copy(tid_hbm.at[pl.ds(0, S), pl.ds(base, SEQ_PER_W)], idx_v)

    one = jnp.full((L,), 1, jnp.int32)

    def prep_body(t, carry):
      for kk in range(SEQ_PER_W // L):
        v = idx_v[t, pl.ds(kk * L, L)]
        w = lax.shift_right_logical(v, one)
        p = lax.bitwise_and(v, one)
        zbase = ZROW + lax.rem(t * 128 + kk * L, ZPAD)
        z = lax.iota(jnp.int32, L) + zbase
        idx_e[t, pl.ds(kk * L, L)] = jnp.where(p == 0, w, z)
        idx_o[t, pl.ds(kk * L, L)] = jnp.where(p == 1, w, z)
      return carry

    lax.fori_loop(0, S, prep_body, 0)

    def zero_body(j, carry):
      z = jnp.zeros((L,), jnp.float32)
      for d in range(E // L):
        pooled_v[j, pl.ds(d * L, L)] = z
      return carry

    lax.fori_loop(0, SEQ_PER_W, zero_body, 0)

    ebufs, obufs = [be0, be1], [bo0, bo1]
    esems, osems = [se0, se1], [so0, so1]

    def start(t, par):
      pltpu.async_copy(pairs_hbm.at[idx_e.at[t]], ebufs[par], esems[par])
      pltpu.async_copy(pairs_hbm.at[idx_o.at[t]], obufs[par], osems[par])

    def wait(par):
      pltpu.make_async_copy(pairs_hbm.at[idx_e.at[0]], ebufs[par],
                            esems[par]).wait()
      pltpu.make_async_copy(pairs_hbm.at[idx_o.at[0]], obufs[par],
                            osems[par]).wait()

    def accum(par):
      be, bo = ebufs[par], obufs[par]

      @plsc.parallel_loop(0, SEQ_PER_W, unroll=4)
      def _(j):
        for d in range(E // L):
          plsc.addupdate(pooled_v.at[j, pl.ds(d * L, L)],
                         be[j, pl.ds(d * L, L)] + bo[j, pl.ds(E + d * L, L)])

    def step(t, par):
      wait(par)
      accum(par)

      @pl.when(t + 2 < S)
      def _():
        start(t + 2, par)

    start(0, 0)
    start(1, 1)

    def tbody(tt, carry):
      step(2 * tt, 0)
      step(2 * tt + 1, 1)
      return carry

    lax.fori_loop(0, S // 2, tbody, 0)

    pltpu.sync_copy(pooled_v, out_hbm.at[pl.ds(base, SEQ_PER_W)])

  return k(pairs, tids_t)


def _tc_proj_body(x_ref, w_ref, b_ref, o_ref):
  x = x_ref[...] * jnp.float32(1.0 / S)
  o_ref[...] = jnp.tanh(
      jnp.dot(x, w_ref[...], preferred_element_type=jnp.float32) + b_ref[...])


def _tc_proj(pooled, W, b):
  blk = 512
  return pl.pallas_call(
      _tc_proj_body,
      grid=(B // blk,),
      in_specs=[
          pl.BlockSpec((blk, E), lambda i: (i, 0)),
          pl.BlockSpec((E, O), lambda i: (0, 0)),
          pl.BlockSpec((1, O), lambda i: (0, 0)),
      ],
      out_specs=pl.BlockSpec((blk, O), lambda i: (i, 0)),
      out_shape=jax.ShapeDtypeStruct((B, O), jnp.float32),
  )(pooled, W, b.reshape(1, O))


@jax.jit
def kernel(token_ids, table, W, b):
  tids_t = token_ids.astype(jnp.int32).T
  tail_pairs = table[V - TAIL_C:].reshape(TAIL_C // 2, 128)
  pairs = _sc_prep(table.T, tail_pairs)
  pooled = _sc_pool(pairs, tids_t)
  return _tc_proj(pooled, W, b)

# --- scband reference (transcript-rebuilt; emitter-appended) ---
"""Pipeline reference for scband-text-encoder-53712861004172 (READ-ONLY COPY).

The authoritative reference and input builder live on the scoring server;
editing this copy changes nothing except your own understanding.
"""

import jax, jax.numpy as jnp
import numpy as np

VOCAB = 1000000
EMBED_DIM = 64
INPUT_DIM = 128

def setup_inputs(seed: int = 0) -> dict:
    key = jax.random.key(seed)
    k1, k2, k3, k4 = jax.random.split(key, 4)
    token_ids = jax.random.randint(k1, (4096, 50), 0, VOCAB, dtype=jnp.int64 if jax.config.jax_enable_x64 else jnp.int32)
    table = jax.random.normal(k2, (VOCAB, EMBED_DIM), dtype=jnp.float32)
    # nn.Linear default init: U(-1/sqrt(fan_in), 1/sqrt(fan_in))
    bound = 1.0 / np.sqrt(EMBED_DIM)
    W = jax.random.uniform(k3, (EMBED_DIM, INPUT_DIM), minval=-bound, maxval=bound, dtype=jnp.float32)
    b = jax.random.uniform(k4, (INPUT_DIM,), minval=-bound, maxval=bound, dtype=jnp.float32)
    return {"token_ids": token_ids, "table": table, "W": W, "b": b}

def reference(token_ids, table, W, b):
    # embedding lookup: [B, S] -> [B, S, E]
    emb = jnp.take(table, token_ids, axis=0)
    # mean over sequence dim if 3D
    if emb.ndim == 3:
        emb = emb.mean(axis=1)
    # projection: Linear + Tanh
    out = jnp.tanh(emb @ W + b)
    return out

if __name__ == "__main__":
    import jax
    _d = setup_inputs()
    print(jax.jit(kernel)(*tuple(_d.values())))

</pallas_src>

<mosaic_0001>
#map = affine_map<(d0, d1) -> (0, 0)>
module attributes {stable_mosaic.version = 14 : i64} {
  func.func @k(%arg0: i32, %arg1: i32, %arg2: memref<504096x128xf32, #tpu.memory_space<hbm>>, %arg3: memref<50x4096xi32, #tpu.memory_space<hbm>>, %arg4: memref<4096x64xf32, #tpu.memory_space<hbm>>, %arg5: memref<50x128xi32, #tpu.memory_space<vmem>>, %arg6: memref<50x128xi32, #tpu.memory_space<vmem>>, %arg7: memref<50x128xi32, #tpu.memory_space<vmem>>, %arg8: memref<128x128xf32, #tpu.memory_space<vmem>>, %arg9: memref<128x128xf32, #tpu.memory_space<vmem>>, %arg10: memref<128x128xf32, #tpu.memory_space<vmem>>, %arg11: memref<128x128xf32, #tpu.memory_space<vmem>>, %arg12: memref<128x64xf32, #tpu.memory_space<vmem>>, %arg13: memref<!tpu.dma_semaphore, #tpu.memory_space<semaphore_mem>>, %arg14: memref<!tpu.dma_semaphore, #tpu.memory_space<semaphore_mem>>, %arg15: memref<!tpu.dma_semaphore, #tpu.memory_space<semaphore_mem>>, %arg16: memref<!tpu.dma_semaphore, #tpu.memory_space<semaphore_mem>>) attributes {dimension_semantics = [#tpu.dimension_semantics<core_parallel>, #tpu.dimension_semantics<subcore_parallel>], iteration_bounds = array<i64: 2, 16>, scalar_prefetch = 0 : i64, scratch_operands = 12 : i64, tpu.core_type = #tpu.core_type<sc_vector_subcore>, window_params = [{transform_indices = #map}, {transform_indices = #map}, {transform_indices = #map}]} {
    %mul3A = arith.constant 2 : i32
    %mul3A_0 = arith.muli %arg1, %mul3A : i32
    %add3A = arith.addi %mul3A_0, %arg0 : i32
    %mul3A_1 = arith.constant 128 : i32
    %mul3A_2 = arith.muli %add3A, %mul3A_1 : i32
    "tpu.region"() ({
      %run_scoped3A = tpu.sem_alloc : memref<!tpu.dma_semaphore, #tpu.memory_space<semaphore_mem>>
      %dma_start3A_48 = arith.constant 0 : i32
      %dma_start3A_49 = tpu.memref_slice %arg3[%dma_start3A_48, %mul3A_2] : memref<50x4096xi32, #tpu.memory_space<hbm>> -> memref<50x128xi32, #tpu.memory_space<hbm>>
      %dma_start3A_50 = arith.constant 0 : i32
      %dma_start3A_51 = tpu.memref_slice %arg3[%dma_start3A_50, %mul3A_2] : memref<50x4096xi32, #tpu.memory_space<hbm>> -> memref<50x128xi32, #tpu.memory_space<hbm>>
      tpu.enqueue_dma source(%dma_start3A_51 : memref<50x128xi32, #tpu.memory_space<hbm>>) target(%arg5 : memref<50x128xi32, #tpu.memory_space<vmem>>) target_semaphore(%run_scoped3A : memref<!tpu.dma_semaphore, #tpu.memory_space<semaphore_mem>>)
      %dma_wait3A = arith.constant 0 : i32
      %dma_wait3A_52 = tpu.memref_slice %arg3[%dma_wait3A, %mul3A_2] : memref<50x4096xi32, #tpu.memory_space<hbm>> -> memref<50x128xi32, #tpu.memory_space<hbm>>
      %dma_wait3A_53 = arith.constant 0 : i32
      %dma_wait3A_54 = tpu.memref_slice %arg3[%dma_wait3A_53, %mul3A_2] : memref<50x4096xi32, #tpu.memory_space<hbm>> -> memref<50x128xi32, #tpu.memory_space<hbm>>
      tpu.wait_dma2 semaphore(%run_scoped3A : memref<!tpu.dma_semaphore, #tpu.memory_space<semaphore_mem>>) src(%dma_wait3A_54 : memref<50x128xi32, #tpu.memory_space<hbm>>) dst(%arg5 : memref<50x128xi32, #tpu.memory_space<vmem>>)
      tpu.yield
    }) : () -> ()
    %broadcast_in_dim3A = arith.constant 1 : i32
    %broadcast_in_dim3A_3 = vector.broadcast %broadcast_in_dim3A : i32 to vector<16xi32>
    %scan3A = arith.constant 0 : i32
    %scan3A_4 = arith.constant 0 : i32
    %scan3A_5 = arith.constant 50 : i32
    %scan3A_6 = arith.addi %scan3A_4, %scan3A_5 : i32
    %scan3A_7 = arith.constant 1 : i32
    scf.for %scan3A_48 = %scan3A_4 to %scan3A_6 step %scan3A_7  : i32 {
      %get3A = arith.index_cast %scan3A_48 : i32 to index
      %get3A_49 = arith.constant 0 : index
      %get3A_50 = tpu.vector_load %arg5[%get3A, %get3A_49] {strides = array<i32>} : memref<50x128xi32, #tpu.memory_space<vmem>>, vector<16xi32>,
      %shift_right_logical3A = arith.shrui %get3A_50, %broadcast_in_dim3A_3 : vector<16xi32>
      %and3A = arith.andi %get3A_50, %broadcast_in_dim3A_3 : vector<16xi32>
      %mul3A_51 = arith.constant 128 : i32
      %mul3A_52 = arith.muli %scan3A_48, %mul3A_51 : i32
      %add3A_53 = arith.constant 0 : i32
      %add3A_54 = arith.addi %mul3A_52, %add3A_53 : i32
      %rem3A = arith.constant 4096 : i32
      %rem3A_55 = arith.remsi %add3A_54, %rem3A : i32
      %add3A_56 = arith.constant 500000 : i32
      %add3A_57 = arith.addi %add3A_56, %rem3A_55 : i32
      %iota3A = tpu.iota {dimensions = array<i32: 0>} : vector<16xi32>
      %add3A_58 = vector.broadcast %add3A_57 : i32 to vector<16xi32>
      %add3A_59 = arith.addi %iota3A, %add3A_58 : vector<16xi32>
      %eq3A = arith.constant 0 : i32
      %eq3A_60 = vector.broadcast %eq3A : i32 to vector<16xi32>
      %eq3A_61 = arith.cmpi eq, %and3A, %eq3A_60 : vector<16xi32>
      %select_n3A = arith.select %eq3A_61, %shift_right_logical3A, %add3A_59 : vector<16xi1>, vector<16xi32>
      %swap3A = arith.index_cast %scan3A_48 : i32 to index
      %swap3A_62 = arith.constant 0 : index
      %swap3A_63 = tpu.vector_load %arg6[%swap3A, %swap3A_62] {strides = array<i32>} : memref<50x128xi32, #tpu.memory_space<vmem>>, vector<16xi32>,
      tpu.vector_store %arg6[%swap3A, %swap3A_62], %select_n3A {strides = array<i32>} : memref<50x128xi32, #tpu.memory_space<vmem>>, vector<16xi32>,
      %eq3A_64 = arith.constant 1 : i32
      %eq3A_65 = vector.broadcast %eq3A_64 : i32 to vector<16xi32>
      %eq3A_66 = arith.cmpi eq, %and3A, %eq3A_65 : vector<16xi32>
      %select_n3A_67 = arith.select %eq3A_66, %shift_right_logical3A, %add3A_59 : vector<16xi1>, vector<16xi32>
      %swap3A_68 = arith.index_cast %scan3A_48 : i32 to index
      %swap3A_69 = arith.constant 0 : index
      %swap3A_70 = tpu.vector_load %arg7[%swap3A_68, %swap3A_69] {strides = array<i32>} : memref<50x128xi32, #tpu.memory_space<vmem>>, vector<16xi32>,
      tpu.vector_store %arg7[%swap3A_68, %swap3A_69], %select_n3A_67 {strides = array<i32>} : memref<50x128xi32, #tpu.memory_space<vmem>>, vector<16xi32>,
      %get3A_71 = arith.index_cast %scan3A_48 : i32 to index
      %get3A_72 = arith.constant 16 : index
      %get3A_73 = tpu.vector_load %arg5[%get3A_71, %get3A_72] {strides = array<i32>} : memref<50x128xi32, #tpu.memory_space<vmem>>, vector<16xi32>,
      %shift_right_logical3A_74 = arith.shrui %get3A_73, %broadcast_in_dim3A_3 : vector<16xi32>
      %and3A_75 = arith.andi %get3A_73, %broadcast_in_dim3A_3 : vector<16xi32>
      %mul3A_76 = arith.constant 128 : i32
      %mul3A_77 = arith.muli %scan3A_48, %mul3A_76 : i32
      %add3A_78 = arith.constant 16 : i32
      %add3A_79 = arith.addi %mul3A_77, %add3A_78 : i32
      %rem3A_80 = arith.constant 4096 : i32
      %rem3A_81 = arith.remsi %add3A_79, %rem3A_80 : i32
      %add3A_82 = arith.constant 500000 : i32
      %add3A_83 = arith.addi %add3A_82, %rem3A_81 : i32
      %iota3A_84 = tpu.iota {dimensions = array<i32: 0>} : vector<16xi32>
      %add3A_85 = vector.broadcast %add3A_83 : i32 to vector<16xi32>
      %add3A_86 = arith.addi %iota3A_84, %add3A_85 : vector<16xi32>
      %eq3A_87 = arith.constant 0 : i32
      %eq3A_88 = vector.broadcast %eq3A_87 : i32 to vector<16xi32>
      %eq3A_89 = arith.cmpi eq, %and3A_75, %eq3A_88 : vector<16xi32>
      %select_n3A_90 = arith.select %eq3A_89, %shift_right_logical3A_74, %add3A_86 : vector<16xi1>, vector<16xi32>
      %swap3A_91 = arith.index_cast %scan3A_48 : i32 to index
      %swap3A_92 = arith.constant 16 : index
      %swap3A_93 = tpu.vector_load %arg6[%swap3A_91, %swap3A_92] {strides = array<i32>} : memref<50x128xi32, #tpu.memory_space<vmem>>, vector<16xi32>,
      tpu.vector_store %arg6[%swap3A_91, %swap3A_92], %select_n3A_90 {strides = array<i32>} : memref<50x128xi32, #tpu.memory_space<vmem>>, vector<16xi32>,
      %eq3A_94 = arith.constant 1 : i32
      %eq3A_95 = vector.broadcast %eq3A_94 : i32 to vector<16xi32>
      %eq3A_96 = arith.cmpi eq, %and3A_75, %eq3A_95 : vector<16xi32>
      %select_n3A_97 = arith.select %eq3A_96, %shift_right_logical3A_74, %add3A_86 : vector<16xi1>, vector<16xi32>
      %swap3A_98 = arith.index_cast %scan3A_48 : i32 to index
      %swap3A_99 = arith.constant 16 : index
      %swap3A_100 = tpu.vector_load %arg7[%swap3A_98, %swap3A_99] {strides = array<i32>} : memref<50x128xi32, #tpu.memory_space<vmem>>, vector<16xi32>,
      tpu.vector_store %arg7[%swap3A_98, %swap3A_99], %select_n3A_97 {strides = array<i32>} : memref<50x128xi32, #tpu.memory_space<vmem>>, vector<16xi32>,
      %get3A_101 = arith.index_cast %scan3A_48 : i32 to index
      %get3A_102 = arith.constant 32 : index
      %get3A_103 = tpu.vector_load %arg5[%get3A_101, %get3A_102] {strides = array<i32>} : memref<50x128xi32, #tpu.memory_space<vmem>>, vector<16xi32>,
      %shift_right_logical3A_104 = arith.shrui %get3A_103, %broadcast_in_dim3A_3 : vector<16xi32>
      %and3A_105 = arith.andi %get3A_103, %broadcast_in_dim3A_3 : vector<16xi32>
      %mul3A_106 = arith.constant 128 : i32
      %mul3A_107 = arith.muli %scan3A_48, %mul3A_106 : i32
      %add3A_108 = arith.constant 32 : i32
      %add3A_109 = arith.addi %mul3A_107, %add3A_108 : i32
      %rem3A_110 = arith.constant 4096 : i32
      %rem3A_111 = arith.remsi %add3A_109, %rem3A_110 : i32
      %add3A_112 = arith.constant 500000 : i32
      %add3A_113 = arith.addi %add3A_112, %rem3A_111 : i32
      %iota3A_114 = tpu.iota {dimensions = array<i32: 0>} : vector<16xi32>
      %add3A_115 = vector.broadcast %add3A_113 : i32 to vector<16xi32>
      %add3A_116 = arith.addi %iota3A_114, %add3A_115 : vector<16xi32>
      %eq3A_117 = arith.constant 0 : i32
      %eq3A_118 = vector.broadcast %eq3A_117 : i32 to vector<16xi32>
      %eq3A_119 = arith.cmpi eq, %and3A_105, %eq3A_118 : vector<16xi32>
      %select_n3A_120 = arith.select %eq3A_119, %shift_right_logical3A_104, %add3A_116 : vector<16xi1>, vector<16xi32>
      %swap3A_121 = arith.index_cast %scan3A_48 : i32 to index
      %swap3A_122 = arith.constant 32 : index
      %swap3A_123 = tpu.vector_load %arg6[%swap3A_121, %swap3A_122] {strides = array<i32>} : memref<50x128xi32, #tpu.memory_space<vmem>>, vector<16xi32>,
      tpu.vector_store %arg6[%swap3A_121, %swap3A_122], %select_n3A_120 {strides = array<i32>} : memref<50x128xi32, #tpu.memory_space<vmem>>, vector<16xi32>,
      %eq3A_124 = arith.constant 1 : i32
      %eq3A_125 = vector.broadcast %eq3A_124 : i32 to vector<16xi32>
      %eq3A_126 = arith.cmpi eq, %and3A_105, %eq3A_125 : vector<16xi32>
      %select_n3A_127 = arith.select %eq3A_126, %shift_right_logical3A_104, %add3A_116 : vector<16xi1>, vector<16xi32>
      %swap3A_128 = arith.index_cast %scan3A_48 : i32 to index
      %swap3A_129 = arith.constant 32 : index
      %swap3A_130 = tpu.vector_load %arg7[%swap3A_128, %swap3A_129] {strides = array<i32>} : memref<50x128xi32, #tpu.memory_space<vmem>>, vector<16xi32>,
      tpu.vector_store %arg7[%swap3A_128, %swap3A_129], %select_n3A_127 {strides = array<i32>} : memref<50x128xi32, #tpu.memory_space<vmem>>, vector<16xi32>,
      %get3A_131 = arith.index_cast %scan3A_48 : i32 to index
      %get3A_132 = arith.constant 48 : index
      %get3A_133 = tpu.vector_load %arg5[%get3A_131, %get3A_132] {strides = array<i32>} : memref<50x128xi32, #tpu.memory_space<vmem>>, vector<16xi32>,
      %shift_right_logical3A_134 = arith.shrui %get3A_133, %broadcast_in_dim3A_3 : vector<16xi32>
      %and3A_135 = arith.andi %get3A_133, %broadcast_in_dim3A_3 : vector<16xi32>
      %mul3A_136 = arith.constant 128 : i32
      %mul3A_137 = arith.muli %scan3A_48, %mul3A_136 : i32
      %add3A_138 = arith.constant 48 : i32
      %add3A_139 = arith.addi %mul3A_137, %add3A_138 : i32
      %rem3A_140 = arith.constant 4096 : i32
      %rem3A_141 = arith.remsi %add3A_139, %rem3A_140 : i32
      %add3A_142 = arith.constant 500000 : i32
      %add3A_143 = arith.addi %add3A_142, %rem3A_141 : i32
      %iota3A_144 = tpu.iota {dimensions = array<i32: 0>} : vector<16xi32>
      %add3A_145 = vector.broadcast %add3A_143 : i32 to vector<16xi32>
      %add3A_146 = arith.addi %iota3A_144, %add3A_145 : vector<16xi32>
      %eq3A_147 = arith.constant 0 : i32
      %eq3A_148 = vector.broadcast %eq3A_147 : i32 to vector<16xi32>
      %eq3A_149 = arith.cmpi eq, %and3A_135, %eq3A_148 : vector<16xi32>
      %select_n3A_150 = arith.select %eq3A_149, %shift_right_logical3A_134, %add3A_146 : vector<16xi1>, vector<16xi32>
      %swap3A_151 = arith.index_cast %scan3A_48 : i32 to index
      %swap3A_152 = arith.constant 48 : index
      %swap3A_153 = tpu.vector_load %arg6[%swap3A_151, %swap3A_152] {strides = array<i32>} : memref<50x128xi32, #tpu.memory_space<vmem>>, vector<16xi32>,
      tpu.vector_store %arg6[%swap3A_151, %swap3A_152], %select_n3A_150 {strides = array<i32>} : memref<50x128xi32, #tpu.memory_space<vmem>>, vector<16xi32>,
      %eq3A_154 = arith.constant 1 : i32
      %eq3A_155 = vector.broadcast %eq3A_154 : i32 to vector<16xi32>
      %eq3A_156 = arith.cmpi eq, %and3A_135, %eq3A_155 : vector<16xi32>
      %select_n3A_157 = arith.select %eq3A_156, %shift_right_logical3A_134, %add3A_146 : vector<16xi1>, vector<16xi32>
      %swap3A_158 = arith.index_cast %scan3A_48 : i32 to index
      %swap3A_159 = arith.constant 48 : index
      %swap3A_160 = tpu.vector_load %arg7[%swap3A_158, %swap3A_159] {strides = array<i32>} : memref<50x128xi32, #tpu.memory_space<vmem>>, vector<16xi32>,
      tpu.vector_store %arg7[%swap3A_158, %swap3A_159], %select_n3A_157 {strides = array<i32>} : memref<50x128xi32, #tpu.memory_space<vmem>>, vector<16xi32>,
      %get3A_161 = arith.index_cast %scan3A_48 : i32 to index
      %get3A_162 = arith.constant 64 : index
      %get3A_163 = tpu.vector_load %arg5[%get3A_161, %get3A_162] {strides = array<i32>} : memref<50x128xi32, #tpu.memory_space<vmem>>, vector<16xi32>,
      %shift_right_logical3A_164 = arith.shrui %get3A_163, %broadcast_in_dim3A_3 : vector<16xi32>
      %and3A_165 = arith.andi %get3A_163, %broadcast_in_dim3A_3 : vector<16xi32>
      %mul3A_166 = arith.constant 128 : i32
      %mul3A_167 = arith.muli %scan3A_48, %mul3A_166 : i32
      %add3A_168 = arith.constant 64 : i32
      %add3A_169 = arith.addi %mul3A_167, %add3A_168 : i32
      %rem3A_170 = arith.constant 4096 : i32
      %rem3A_171 = arith.remsi %add3A_169, %rem3A_170 : i32
      %add3A_172 = arith.constant 500000 : i32
      %add3A_173 = arith.addi %add3A_172, %rem3A_171 : i32
      %iota3A_174 = tpu.iota {dimensions = array<i32: 0>} : vector<16xi32>
      %add3A_175 = vector.broadcast %add3A_173 : i32 to vector<16xi32>
      %add3A_176 = arith.addi %iota3A_174, %add3A_175 : vector<16xi32>
      %eq3A_177 = arith.constant 0 : i32
      %eq3A_178 = vector.broadcast %eq3A_177 : i32 to vector<16xi32>
      %eq3A_179 = arith.cmpi eq, %and3A_165, %eq3A_178 : vector<16xi32>
      %select_n3A_180 = arith.select %eq3A_179, %shift_right_logical3A_164, %add3A_176 : vector<16xi1>, vector<16xi32>
      %swap3A_181 = arith.index_cast %scan3A_48 : i32 to index
      %swap3A_182 = arith.constant 64 : index
      %swap3A_183 = tpu.vector_load %arg6[%swap3A_181, %swap3A_182] {strides = array<i32>} : memref<50x128xi32, #tpu.memory_space<vmem>>, vector<16xi32>,
      tpu.vector_store %arg6[%swap3A_181, %swap3A_182], %select_n3A_180 {strides = array<i32>} : memref<50x128xi32, #tpu.memory_space<vmem>>, vector<16xi32>,
      %eq3A_184 = arith.constant 1 : i32
      %eq3A_185 = vector.broadcast %eq3A_184 : i32 to vector<16xi32>
      %eq3A_186 = arith.cmpi eq, %and3A_165, %eq3A_185 : vector<16xi32>
      %select_n3A_187 = arith.select %eq3A_186, %shift_right_logical3A_164, %add3A_176 : vector<16xi1>, vector<16xi32>
      %swap3A_188 = arith.index_cast %scan3A_48 : i32 to index
      %swap3A_189 = arith.constant 64 : index
      %swap3A_190 = tpu.vector_load %arg7[%swap3A_188, %swap3A_189] {strides = array<i32>} : memref<50x128xi32, #tpu.memory_space<vmem>>, vector<16xi32>,
      tpu.vector_store %arg7[%swap3A_188, %swap3A_189], %select_n3A_187 {strides = array<i32>} : memref<50x128xi32, #tpu.memory_space<vmem>>, vector<16xi32>,
      %get3A_191 = arith.index_cast %scan3A_48 : i32 to index
      %get3A_192 = arith.constant 80 : index
      %get3A_193 = tpu.vector_load %arg5[%get3A_191, %get3A_192] {strides = array<i32>} : memref<50x128xi32, #tpu.memory_space<vmem>>, vector<16xi32>,
      %shift_right_logical3A_194 = arith.shrui %get3A_193, %broadcast_in_dim3A_3 : vector<16xi32>
      %and3A_195 = arith.andi %get3A_193, %broadcast_in_dim3A_3 : vector<16xi32>
      %mul3A_196 = arith.constant 128 : i32
      %mul3A_197 = arith.muli %scan3A_48, %mul3A_196 : i32
      %add3A_198 = arith.constant 80 : i32
      %add3A_199 = arith.addi %mul3A_197, %add3A_198 : i32
      %rem3A_200 = arith.constant 4096 : i32
      %rem3A_201 = arith.remsi %add3A_199, %rem3A_200 : i32
      %add3A_202 = arith.constant 500000 : i32
      %add3A_203 = arith.addi %add3A_202, %rem3A_201 : i32
      %iota3A_204 = tpu.iota {dimensions = array<i32: 0>} : vector<16xi32>
      %add3A_205 = vector.broadcast %add3A_203 : i32 to vector<16xi32>
      %add3A_206 = arith.addi %iota3A_204, %add3A_205 : vector<16xi32>
      %eq3A_207 = arith.constant 0 : i32
      %eq3A_208 = vector.broadcast %eq3A_207 : i32 to vector<16xi32>
      %eq3A_209 = arith.cmpi eq, %and3A_195, %eq3A_208 : vector<16xi32>
      %select_n3A_210 = arith.select %eq3A_209, %shift_right_logical3A_194, %add3A_206 : vector<16xi1>, vector<16xi32>
      %swap3A_211 = arith.index_cast %scan3A_48 : i32 to index
      %swap3A_212 = arith.constant 80 : index
      %swap3A_213 = tpu.vector_load %arg6[%swap3A_211, %swap3A_212] {strides = array<i32>} : memref<50x128xi32, #tpu.memory_space<vmem>>, vector<16xi32>,
      tpu.vector_store %arg6[%swap3A_211, %swap3A_212], %select_n3A_210 {strides = array<i32>} : memref<50x128xi32, #tpu.memory_space<vmem>>, vector<16xi32>,
      %eq3A_214 = arith.constant 1 : i32
      %eq3A_215 = vector.broadcast %eq3A_214 : i32 to vector<16xi32>
      %eq3A_216 = arith.cmpi eq, %and3A_195, %eq3A_215 : vector<16xi32>
      %select_n3A_217 = arith.select %eq3A_216, %shift_right_logical3A_194, %add3A_206 : vector<16xi1>, vector<16xi32>
      %swap3A_218 = arith.index_cast %scan3A_48 : i32 to index
      %swap3A_219 = arith.constant 80 : index
      %swap3A_220 = tpu.vector_load %arg7[%swap3A_218, %swap3A_219] {strides = array<i32>} : memref<50x128xi32, #tpu.memory_space<vmem>>, vector<16xi32>,
      tpu.vector_store %arg7[%swap3A_218, %swap3A_219], %select_n3A_217 {strides = array<i32>} : memref<50x128xi32, #tpu.memory_space<vmem>>, vector<16xi32>,
      %get3A_221 = arith.index_cast %scan3A_48 : i32 to index
      %get3A_222 = arith.constant 96 : index
      %get3A_223 = tpu.vector_load %arg5[%get3A_221, %get3A_222] {strides = array<i32>} : memref<50x128xi32, #tpu.memory_space<vmem>>, vector<16xi32>,
      %shift_right_logical3A_224 = arith.shrui %get3A_223, %broadcast_in_dim3A_3 : vector<16xi32>
      %and3A_225 = arith.andi %get3A_223, %broadcast_in_dim3A_3 : vector<16xi32>
      %mul3A_226 = arith.constant 128 : i32
      %mul3A_227 = arith.muli %scan3A_48, %mul3A_226 : i32
      %add3A_228 = arith.constant 96 : i32
      %add3A_229 = arith.addi %mul3A_227, %add3A_228 : i32
      %rem3A_230 = arith.constant 4096 : i32
      %rem3A_231 = arith.remsi %add3A_229, %rem3A_230 : i32
      %add3A_232 = arith.constant 500000 : i32
      %add3A_233 = arith.addi %add3A_232, %rem3A_231 : i32
      %iota3A_234 = tpu.iota {dimensions = array<i32: 0>} : vector<16xi32>
      %add3A_235 = vector.broadcast %add3A_233 : i32 to vector<16xi32>
      %add3A_236 = arith.addi %iota3A_234, %add3A_235 : vector<16xi32>
      %eq3A_237 = arith.constant 0 : i32
      %eq3A_238 = vector.broadcast %eq3A_237 : i32 to vector<16xi32>
      %eq3A_239 = arith.cmpi eq, %and3A_225, %eq3A_238 : vector<16xi32>
      %select_n3A_240 = arith.select %eq3A_239, %shift_right_logical3A_224, %add3A_236 : vector<16xi1>, vector<16xi32>
      %swap3A_241 = arith.index_cast %scan3A_48 : i32 to index
      %swap3A_242 = arith.constant 96 : index
      %swap3A_243 = tpu.vector_load %arg6[%swap3A_241, %swap3A_242] {strides = array<i32>} : memref<50x128xi32, #tpu.memory_space<vmem>>, vector<16xi32>,
      tpu.vector_store %arg6[%swap3A_241, %swap3A_242], %select_n3A_240 {strides = array<i32>} : memref<50x128xi32, #tpu.memory_space<vmem>>, vector<16xi32>,
      %eq3A_244 = arith.constant 1 : i32
      %eq3A_245 = vector.broadcast %eq3A_244 : i32 to vector<16xi32>
      %eq3A_246 = arith.cmpi eq, %and3A_225, %eq3A_245 : vector<16xi32>
      %select_n3A_247 = arith.select %eq3A_246, %shift_right_logical3A_224, %add3A_236 : vector<16xi1>, vector<16xi32>
      %swap3A_248 = arith.index_cast %scan3A_48 : i32 to index
      %swap3A_249 = arith.constant 96 : index
      %swap3A_250 = tpu.vector_load %arg7[%swap3A_248, %swap3A_249] {strides = array<i32>} : memref<50x128xi32, #tpu.memory_space<vmem>>, vector<16xi32>,
      tpu.vector_store %arg7[%swap3A_248, %swap3A_249], %select_n3A_247 {strides = array<i32>} : memref<50x128xi32, #tpu.memory_space<vmem>>, vector<16xi32>,
      %get3A_251 = arith.index_cast %scan3A_48 : i32 to index
      %get3A_252 = arith.constant 112 : index
      %get3A_253 = tpu.vector_load %arg5[%get3A_251, %get3A_252] {strides = array<i32>} : memref<50x128xi32, #tpu.memory_space<vmem>>, vector<16xi32>,
      %shift_right_logical3A_254 = arith.shrui %get3A_253, %broadcast_in_dim3A_3 : vector<16xi32>
      %and3A_255 = arith.andi %get3A_253, %broadcast_in_dim3A_3 : vector<16xi32>
      %mul3A_256 = arith.constant 128 : i32
      %mul3A_257 = arith.muli %scan3A_48, %mul3A_256 : i32
      %add3A_258 = arith.constant 112 : i32
      %add3A_259 = arith.addi %mul3A_257, %add3A_258 : i32
      %rem3A_260 = arith.constant 4096 : i32
      %rem3A_261 = arith.remsi %add3A_259, %rem3A_260 : i32
      %add3A_262 = arith.constant 500000 : i32
      %add3A_263 = arith.addi %add3A_262, %rem3A_261 : i32
      %iota3A_264 = tpu.iota {dimensions = array<i32: 0>} : vector<16xi32>
      %add3A_265 = vector.broadcast %add3A_263 : i32 to vector<16xi32>
      %add3A_266 = arith.addi %iota3A_264, %add3A_265 : vector<16xi32>
      %eq3A_267 = arith.constant 0 : i32
      %eq3A_268 = vector.broadcast %eq3A_267 : i32 to vector<16xi32>
      %eq3A_269 = arith.cmpi eq, %and3A_255, %eq3A_268 : vector<16xi32>
      %select_n3A_270 = arith.select %eq3A_269, %shift_right_logical3A_254, %add3A_266 : vector<16xi1>, vector<16xi32>
      %swap3A_271 = arith.index_cast %scan3A_48 : i32 to index
      %swap3A_272 = arith.constant 112 : index
      %swap3A_273 = tpu.vector_load %arg6[%swap3A_271, %swap3A_272] {strides = array<i32>} : memref<50x128xi32, #tpu.memory_space<vmem>>, vector<16xi32>,
      tpu.vector_store %arg6[%swap3A_271, %swap3A_272], %select_n3A_270 {strides = array<i32>} : memref<50x128xi32, #tpu.memory_space<vmem>>, vector<16xi32>,
      %eq3A_274 = arith.constant 1 : i32
      %eq3A_275 = vector.broadcast %eq3A_274 : i32 to vector<16xi32>
      %eq3A_276 = arith.cmpi eq, %and3A_255, %eq3A_275 : vector<16xi32>
      %select_n3A_277 = arith.select %eq3A_276, %shift_right_logical3A_254, %add3A_266 : vector<16xi1>, vector<16xi32>
      %swap3A_278 = arith.index_cast %scan3A_48 : i32 to index
      %swap3A_279 = arith.constant 112 : index
      %swap3A_280 = tpu.vector_load %arg7[%swap3A_278, %swap3A_279] {strides = array<i32>} : memref<50x128xi32, #tpu.memory_space<vmem>>, vector<16xi32>,
      tpu.vector_store %arg7[%swap3A_278, %swap3A_279], %select_n3A_277 {strides = array<i32>} : memref<50x128xi32, #tpu.memory_space<vmem>>, vector<16xi32>,
    }
    %scan3A_8 = arith.constant 50 : i32
    %scan3A_9 = arith.constant 0 : i32
    %scan3A_10 = arith.constant 0 : i32
    %scan3A_11 = arith.constant 128 : i32
    %scan3A_12 = arith.addi %scan3A_10, %scan3A_11 : i32
    %scan3A_13 = arith.constant 1 : i32
    scf.for %scan3A_48 = %scan3A_10 to %scan3A_12 step %scan3A_13  : i32 {
      %broadcast_in_dim3A_49 = arith.constant 0.000000e+00 : f32
      %broadcast_in_dim3A_50 = vector.broadcast %broadcast_in_dim3A_49 : f32 to vector<16xf32>
      %swap3A = arith.index_cast %scan3A_48 : i32 to index
      %swap3A_51 = arith.constant 0 : index
      %swap3A_52 = tpu.vector_load %arg12[%swap3A, %swap3A_51] {strides = array<i32>} : memref<128x64xf32, #tpu.memory_space<vmem>>, vector<16xf32>,
      tpu.vector_store %arg12[%swap3A, %swap3A_51], %broadcast_in_dim3A_50 {strides = array<i32>} : memref<128x64xf32, #tpu.memory_space<vmem>>, vector<16xf32>,
      %swap3A_53 = arith.index_cast %scan3A_48 : i32 to index
      %swap3A_54 = arith.constant 16 : index
      %swap3A_55 = tpu.vector_load %arg12[%swap3A_53, %swap3A_54] {strides = array<i32>} : memref<128x64xf32, #tpu.memory_space<vmem>>, vector<16xf32>,
      tpu.vector_store %arg12[%swap3A_53, %swap3A_54], %broadcast_in_dim3A_50 {strides = array<i32>} : memref<128x64xf32, #tpu.memory_space<vmem>>, vector<16xf32>,
      %swap3A_56 = arith.index_cast %scan3A_48 : i32 to index
      %swap3A_57 = arith.constant 32 : index
      %swap3A_58 = tpu.vector_load %arg12[%swap3A_56, %swap3A_57] {strides = array<i32>} : memref<128x64xf32, #tpu.memory_space<vmem>>, vector<16xf32>,
      tpu.vector_store %arg12[%swap3A_56, %swap3A_57], %broadcast_in_dim3A_50 {strides = array<i32>} : memref<128x64xf32, #tpu.memory_space<vmem>>, vector<16xf32>,
      %swap3A_59 = arith.index_cast %scan3A_48 : i32 to index
      %swap3A_60 = arith.constant 48 : index
      %swap3A_61 = tpu.vector_load %arg12[%swap3A_59, %swap3A_60] {strides = array<i32>} : memref<128x64xf32, #tpu.memory_space<vmem>>, vector<16xf32>,
      tpu.vector_store %arg12[%swap3A_59, %swap3A_60], %broadcast_in_dim3A_50 {strides = array<i32>} : memref<128x64xf32, #tpu.memory_space<vmem>>, vector<16xf32>,
    }
    %scan3A_14 = arith.constant 128 : i32
    %dma_start3A = arith.constant 0 : i32
    %dma_start3A_15 = arith.constant 0 : i32
    %dma_start3A_16 = tpu.memref_slice %arg6[%dma_start3A, %dma_start3A_15] : memref<50x128xi32, #tpu.memory_space<vmem>> -> memref<1x128xi32, #tpu.memory_space<vmem>>
    %dma_start3A_17 = tpu.memref_squeeze %dma_start3A_16 : memref<1x128xi32, #tpu.memory_space<vmem>> -> memref<128xi32, #tpu.memory_space<vmem>>
    %dma_start3A_18 = arith.constant 0 : i32
    %dma_start3A_19 = arith.constant 0 : i32
    %dma_start3A_20 = tpu.memref_slice %arg2[%dma_start3A_18, %dma_start3A_19] : memref<504096x128xf32, #tpu.memory_space<hbm>> -> memref<504096x128xf32, #tpu.memory_space<hbm>>
    tpu.enqueue_indirect_dma source(%dma_start3A_20 : memref<504096x128xf32, #tpu.memory_space<hbm>>) target(%arg8 : memref<128x128xf32, #tpu.memory_space<vmem>>) offsets(%dma_start3A_17 : memref<128xi32, #tpu.memory_space<vmem>>) semaphore(%arg13 : memref<!tpu.dma_semaphore, #tpu.memory_space<semaphore_mem>>)
    %dma_start3A_21 = arith.constant 0 : i32
    %dma_start3A_22 = arith.constant 0 : i32
    %dma_start3A_23 = tpu.memref_slice %arg7[%dma_start3A_21, %dma_start3A_22] : memref<50x128xi32, #tpu.memory_space<vmem>> -> memref<1x128xi32, #tpu.memory_space<vmem>>
    %dma_start3A_24 = tpu.memref_squeeze %dma_start3A_23 : memref<1x128xi32, #tpu.memory_space<vmem>> -> memref<128xi32, #tpu.memory_space<vmem>>
    %dma_start3A_25 = arith.constant 0 : i32
    %dma_start3A_26 = arith.constant 0 : i32
    %dma_start3A_27 = tpu.memref_slice %arg2[%dma_start3A_25, %dma_start3A_26] : memref<504096x128xf32, #tpu.memory_space<hbm>> -> memref<504096x128xf32, #tpu.memory_space<hbm>>
    tpu.enqueue_indirect_dma source(%dma_start3A_27 : memref<504096x128xf32, #tpu.memory_space<hbm>>) target(%arg10 : memref<128x128xf32, #tpu.memory_space<vmem>>) offsets(%dma_start3A_24 : memref<128xi32, #tpu.memory_space<vmem>>) semaphore(%arg15 : memref<!tpu.dma_semaphore, #tpu.memory_space<semaphore_mem>>)
    %dma_start3A_28 = arith.constant 1 : i32
    %dma_start3A_29 = arith.constant 0 : i32
    %dma_start3A_30 = tpu.memref_slice %arg6[%dma_start3A_28, %dma_start3A_29] : memref<50x128xi32, #tpu.memory_space<vmem>> -> memref<1x128xi32, #tpu.memory_space<vmem>>
    %dma_start3A_31 = tpu.memref_squeeze %dma_start3A_30 : memref<1x128xi32, #tpu.memory_space<vmem>> -> memref<128xi32, #tpu.memory_space<vmem>>
    %dma_start3A_32 = arith.constant 0 : i32
    %dma_start3A_33 = arith.constant 0 : i32
    %dma_start3A_34 = tpu.memref_slice %arg2[%dma_start3A_32, %dma_start3A_33] : memref<504096x128xf32, #tpu.memory_space<hbm>> -> memref<504096x128xf32, #tpu.memory_space<hbm>>
    tpu.enqueue_indirect_dma source(%dma_start3A_34 : memref<504096x128xf32, #tpu.memory_space<hbm>>) target(%arg9 : memref<128x128xf32, #tpu.memory_space<vmem>>) offsets(%dma_start3A_31 : memref<128xi32, #tpu.memory_space<vmem>>) semaphore(%arg14 : memref<!tpu.dma_semaphore, #tpu.memory_space<semaphore_mem>>)
    %dma_start3A_35 = arith.constant 1 : i32
    %dma_start3A_36 = arith.constant 0 : i32
    %dma_start3A_37 = tpu.memref_slice %arg7[%dma_start3A_35, %dma_start3A_36] : memref<50x128xi32, #tpu.memory_space<vmem>> -> memref<1x128xi32, #tpu.memory_space<vmem>>
    %dma_start3A_38 = tpu.memref_squeeze %dma_start3A_37 : memref<1x128xi32, #tpu.memory_space<vmem>> -> memref<128xi32, #tpu.memory_space<vmem>>
    %dma_start3A_39 = arith.constant 0 : i32
    %dma_start3A_40 = arith.constant 0 : i32
    %dma_start3A_41 = tpu.memref_slice %arg2[%dma_start3A_39, %dma_start3A_40] : memref<504096x128xf32, #tpu.memory_space<hbm>> -> memref<504096x128xf32, #tpu.memory_space<hbm>>
    tpu.enqueue_indirect_dma source(%dma_start3A_41 : memref<504096x128xf32, #tpu.memory_space<hbm>>) target(%arg11 : memref<128x128xf32, #tpu.memory_space<vmem>>) offsets(%dma_start3A_38 : memref<128xi32, #tpu.memory_space<vmem>>) semaphore(%arg16 : memref<!tpu.dma_semaphore, #tpu.memory_space<semaphore_mem>>)
    %scan3A_42 = arith.constant 0 : i32
    %scan3A_43 = arith.constant 0 : i32
    %scan3A_44 = arith.constant 25 : i32
    %scan3A_45 = arith.addi %scan3A_43, %scan3A_44 : i32
    %scan3A_46 = arith.constant 1 : i32
    scf.for %scan3A_48 = %scan3A_43 to %scan3A_45 step %scan3A_46  : i32 {
      %mul3A_49 = arith.constant 2 : i32
      %mul3A_50 = arith.muli %mul3A_49, %scan3A_48 : i32
      %dma_wait3A = arith.constant 0 : i32
      %dma_wait3A_51 = arith.constant 0 : i32
      %dma_wait3A_52 = tpu.memref_slice %arg6[%dma_wait3A, %dma_wait3A_51] : memref<50x128xi32, #tpu.memory_space<vmem>> -> memref<1x128xi32, #tpu.memory_space<vmem>>
      %dma_wait3A_53 = tpu.memref_squeeze %dma_wait3A_52 : memref<1x128xi32, #tpu.memory_space<vmem>> -> memref<128xi32, #tpu.memory_space<vmem>>
      %dma_wait3A_54 = arith.constant 0 : i32
      %dma_wait3A_55 = arith.constant 0 : i32
      %dma_wait3A_56 = tpu.memref_slice %arg2[%dma_wait3A_54, %dma_wait3A_55] : memref<504096x128xf32, #tpu.memory_space<hbm>> -> memref<504096x128xf32, #tpu.memory_space<hbm>>
      tpu.wait_indirect_dma semaphore(%arg13 : memref<!tpu.dma_semaphore, #tpu.memory_space<semaphore_mem>>) src(%dma_wait3A_56 : memref<504096x128xf32, #tpu.memory_space<hbm>>) dst(%arg8 : memref<128x128xf32, #tpu.memory_space<vmem>>)
      %dma_wait3A_57 = arith.constant 0 : i32
      %dma_wait3A_58 = arith.constant 0 : i32
      %dma_wait3A_59 = tpu.memref_slice %arg7[%dma_wait3A_57, %dma_wait3A_58] : memref<50x128xi32, #tpu.memory_space<vmem>> -> memref<1x128xi32, #tpu.memory_space<vmem>>
      %dma_wait3A_60 = tpu.memref_squeeze %dma_wait3A_59 : memref<1x128xi32, #tpu.memory_space<vmem>> -> memref<128xi32, #tpu.memory_space<vmem>>
      %dma_wait3A_61 = arith.constant 0 : i32
      %dma_wait3A_62 = arith.constant 0 : i32
      %dma_wait3A_63 = tpu.memref_slice %arg2[%dma_wait3A_61, %dma_wait3A_62] : memref<504096x128xf32, #tpu.memory_space<hbm>> -> memref<504096x128xf32, #tpu.memory_space<hbm>>
      tpu.wait_indirect_dma semaphore(%arg15 : memref<!tpu.dma_semaphore, #tpu.memory_space<semaphore_mem>>) src(%dma_wait3A_63 : memref<504096x128xf32, #tpu.memory_space<hbm>>) dst(%arg10 : memref<128x128xf32, #tpu.memory_space<vmem>>)
      %parallel_loop3A = arith.constant 0 : i32
      %parallel_loop3A_64 = arith.constant 128 : i32
      %parallel_loop3A_65 = arith.constant 1 : i32
      scf.for %parallel_loop3A_98 = %parallel_loop3A to %parallel_loop3A_64 step %parallel_loop3A_65  : i32 {
        %parallel_loop3A_99 = arith.index_cast %parallel_loop3A_98 : i32 to index
        %parallel_loop3A_100 = arith.constant 0 : index
        %parallel_loop3A_101 = tpu.vector_load %arg8[%parallel_loop3A_99, %parallel_loop3A_100] {strides = array<i32>} : memref<128x128xf32, #tpu.memory_space<vmem>>, vector<16xf32>,
        %parallel_loop3A_102 = arith.index_cast %parallel_loop3A_98 : i32 to index
        %parallel_loop3A_103 = arith.constant 64 : index
        %parallel_loop3A_104 = tpu.vector_load %arg10[%parallel_loop3A_102, %parallel_loop3A_103] {strides = array<i32>} : memref<128x128xf32, #tpu.memory_space<vmem>>, vector<16xf32>,
        %parallel_loop3A_105 = arith.addf %parallel_loop3A_101, %parallel_loop3A_104 : vector<16xf32>
        %parallel_loop3A_106 = arith.index_cast %parallel_loop3A_98 : i32 to index
        %parallel_loop3A_107 = arith.constant 0 : index
        %parallel_loop3A_108 = tpu.vector_load %arg12[%parallel_loop3A_106, %parallel_loop3A_107] {strides = array<i32>} : memref<128x64xf32, #tpu.memory_space<vmem>>, vector<16xf32>,
        tpu.vector_store %arg12[%parallel_loop3A_106, %parallel_loop3A_107], %parallel_loop3A_105 {add = true, strides = array<i32>} : memref<128x64xf32, #tpu.memory_space<vmem>>, vector<16xf32>,
        %parallel_loop3A_109 = arith.index_cast %parallel_loop3A_98 : i32 to index
        %parallel_loop3A_110 = arith.constant 16 : index
        %parallel_loop3A_111 = tpu.vector_load %arg8[%parallel_loop3A_109, %parallel_loop3A_110] {strides = array<i32>} : memref<128x128xf32, #tpu.memory_space<vmem>>, vector<16xf32>,
        %parallel_loop3A_112 = arith.index_cast %parallel_loop3A_98 : i32 to index
        %parallel_loop3A_113 = arith.constant 80 : index
        %parallel_loop3A_114 = tpu.vector_load %arg10[%parallel_loop3A_112, %parallel_loop3A_113] {strides = array<i32>} : memref<128x128xf32, #tpu.memory_space<vmem>>, vector<16xf32>,
        %parallel_loop3A_115 = arith.addf %parallel_loop3A_111, %parallel_loop3A_114 : vector<16xf32>
        %parallel_loop3A_116 = arith.index_cast %parallel_loop3A_98 : i32 to index
        %parallel_loop3A_117 = arith.constant 16 : index
        %parallel_loop3A_118 = tpu.vector_load %arg12[%parallel_loop3A_116, %parallel_loop3A_117] {strides = array<i32>} : memref<128x64xf32, #tpu.memory_space<vmem>>, vector<16xf32>,
        tpu.vector_store %arg12[%parallel_loop3A_116, %parallel_loop3A_117], %parallel_loop3A_115 {add = true, strides = array<i32>} : memref<128x64xf32, #tpu.memory_space<vmem>>, vector<16xf32>,
        %parallel_loop3A_119 = arith.index_cast %parallel_loop3A_98 : i32 to index
        %parallel_loop3A_120 = arith.constant 32 : index
        %parallel_loop3A_121 = tpu.vector_load %arg8[%parallel_loop3A_119, %parallel_loop3A_120] {strides = array<i32>} : memref<128x128xf32, #tpu.memory_space<vmem>>, vector<16xf32>,
        %parallel_loop3A_122 = arith.index_cast %parallel_loop3A_98 : i32 to index
        %parallel_loop3A_123 = arith.constant 96 : index
        %parallel_loop3A_124 = tpu.vector_load %arg10[%parallel_loop3A_122, %parallel_loop3A_123] {strides = array<i32>} : memref<128x128xf32, #tpu.memory_space<vmem>>, vector<16xf32>,
        %parallel_loop3A_125 = arith.addf %parallel_loop3A_121, %parallel_loop3A_124 : vector<16xf32>
        %parallel_loop3A_126 = arith.index_cast %parallel_loop3A_98 : i32 to index
        %parallel_loop3A_127 = arith.constant 32 : index
        %parallel_loop3A_128 = tpu.vector_load %arg12[%parallel_loop3A_126, %parallel_loop3A_127] {strides = array<i32>} : memref<128x64xf32, #tpu.memory_space<vmem>>, vector<16xf32>,
        tpu.vector_store %arg12[%parallel_loop3A_126, %parallel_loop3A_127], %parallel_loop3A_125 {add = true, strides = array<i32>} : memref<128x64xf32, #tpu.memory_space<vmem>>, vector<16xf32>,
        %parallel_loop3A_129 = arith.index_cast %parallel_loop3A_98 : i32 to index
        %parallel_loop3A_130 = arith.constant 48 : index
        %parallel_loop3A_131 = tpu.vector_load %arg8[%parallel_loop3A_129, %parallel_loop3A_130] {strides = array<i32>} : memref<128x128xf32, #tpu.memory_space<vmem>>, vector<16xf32>,
        %parallel_loop3A_132 = arith.index_cast %parallel_loop3A_98 : i32 to index
        %parallel_loop3A_133 = arith.constant 112 : index
        %parallel_loop3A_134 = tpu.vector_load %arg10[%parallel_loop3A_132, %parallel_loop3A_133] {strides = array<i32>} : memref<128x128xf32, #tpu.memory_space<vmem>>, vector<16xf32>,
        %parallel_loop3A_135 = arith.addf %parallel_loop3A_131, %parallel_loop3A_134 : vector<16xf32>
        %parallel_loop3A_136 = arith.index_cast %parallel_loop3A_98 : i32 to index
        %parallel_loop3A_137 = arith.constant 48 : index
        %parallel_loop3A_138 = tpu.vector_load %arg12[%parallel_loop3A_136, %parallel_loop3A_137] {strides = array<i32>} : memref<128x64xf32, #tpu.memory_space<vmem>>, vector<16xf32>,
        tpu.vector_store %arg12[%parallel_loop3A_136, %parallel_loop3A_137], %parallel_loop3A_135 {add = true, strides = array<i32>} : memref<128x64xf32, #tpu.memory_space<vmem>>, vector<16xf32>,
      } {sc.loop_unroll_factor = 4 : i64, sc.parallel_access}
      %add3A_66 = arith.constant 2 : i32
      %add3A_67 = arith.addi %mul3A_50, %add3A_66 : i32
      %lt3A = arith.constant 50 : i32
      %lt3A_68 = arith.cmpi slt, %add3A_67, %lt3A : i32
      %convert_element_type3A = arith.extui %lt3A_68 : i1 to i32
      %cond3A = arith.constant 0 : i32
      %cond3A_69 = arith.cmpi ne, %convert_element_type3A, %cond3A : i32
      scf.if %cond3A_69 {
        %add3A_98 = arith.constant 2 : i32
        %add3A_99 = arith.addi %mul3A_50, %add3A_98 : i32
        %dma_start3A_100 = arith.constant 0 : i32
        %dma_start3A_101 = tpu.memref_slice %arg6[%add3A_99, %dma_start3A_100] : memref<50x128xi32, #tpu.memory_space<vmem>> -> memref<1x128xi32, #tpu.memory_space<vmem>>
        %dma_start3A_102 = tpu.memref_squeeze %dma_start3A_101 : memref<1x128xi32, #tpu.memory_space<vmem>> -> memref<128xi32, #tpu.memory_space<vmem>>
        %dma_start3A_103 = arith.constant 0 : i32
        %dma_start3A_104 = arith.constant 0 : i32
        %dma_start3A_105 = tpu.memref_slice %arg2[%dma_start3A_103, %dma_start3A_104] : memref<504096x128xf32, #tpu.memory_space<hbm>> -> memref<504096x128xf32, #tpu.memory_space<hbm>>
        tpu.enqueue_indirect_dma source(%dma_start3A_105 : memref<504096x128xf32, #tpu.memory_space<hbm>>) target(%arg8 : memref<128x128xf32, #tpu.memory_space<vmem>>) offsets(%dma_start3A_102 : memref<128xi32, #tpu.memory_space<vmem>>) semaphore(%arg13 : memref<!tpu.dma_semaphore, #tpu.memory_space<semaphore_mem>>)
        %dma_start3A_106 = arith.constant 0 : i32
        %dma_start3A_107 = tpu.memref_slice %arg7[%add3A_99, %dma_start3A_106] : memref<50x128xi32, #tpu.memory_space<vmem>> -> memref<1x128xi32, #tpu.memory_space<vmem>>
        %dma_start3A_108 = tpu.memref_squeeze %dma_start3A_107 : memref<1x128xi32, #tpu.memory_space<vmem>> -> memref<128xi32, #tpu.memory_space<vmem>>
        %dma_start3A_109 = arith.constant 0 : i32
        %dma_start3A_110 = arith.constant 0 : i32
        %dma_start3A_111 = tpu.memref_slice %arg2[%dma_start3A_109, %dma_start3A_110] : memref<504096x128xf32, #tpu.memory_space<hbm>> -> memref<504096x128xf32, #tpu.memory_space<hbm>>
        tpu.enqueue_indirect_dma source(%dma_start3A_111 : memref<504096x128xf32, #tpu.memory_space<hbm>>) target(%arg10 : memref<128x128xf32, #tpu.memory_space<vmem>>) offsets(%dma_start3A_108 : memref<128xi32, #tpu.memory_space<vmem>>) semaphore(%arg15 : memref<!tpu.dma_semaphore, #tpu.memory_space<semaphore_mem>>)
      } else {
      }
      %mul3A_70 = arith.constant 2 : i32
      %mul3A_71 = arith.muli %mul3A_70, %scan3A_48 : i32
      %add3A_72 = arith.constant 1 : i32
      %add3A_73 = arith.addi %mul3A_71, %add3A_72 : i32
      %dma_wait3A_74 = arith.constant 0 : i32
      %dma_wait3A_75 = arith.constant 0 : i32
      %dma_wait3A_76 = tpu.memref_slice %arg6[%dma_wait3A_74, %dma_wait3A_75] : memref<50x128xi32, #tpu.memory_space<vmem>> -> memref<1x128xi32, #tpu.memory_space<vmem>>
      %dma_wait3A_77 = tpu.memref_squeeze %dma_wait3A_76 : memref<1x128xi32, #tpu.memory_space<vmem>> -> memref<128xi32, #tpu.memory_space<vmem>>
      %dma_wait3A_78 = arith.constant 0 : i32
      %dma_wait3A_79 = arith.constant 0 : i32
      %dma_wait3A_80 = tpu.memref_slice %arg2[%dma_wait3A_78, %dma_wait3A_79] : memref<504096x128xf32, #tpu.memory_space<hbm>> -> memref<504096x128xf32, #tpu.memory_space<hbm>>
      tpu.wait_indirect_dma semaphore(%arg14 : memref<!tpu.dma_semaphore, #tpu.memory_space<semaphore_mem>>) src(%dma_wait3A_80 : memref<504096x128xf32, #tpu.memory_space<hbm>>) dst(%arg9 : memref<128x128xf32, #tpu.memory_space<vmem>>)
      %dma_wait3A_81 = arith.constant 0 : i32
      %dma_wait3A_82 = arith.constant 0 : i32
      %dma_wait3A_83 = tpu.memref_slice %arg7[%dma_wait3A_81, %dma_wait3A_82] : memref<50x128xi32, #tpu.memory_space<vmem>> -> memref<1x128xi32, #tpu.memory_space<vmem>>
      %dma_wait3A_84 = tpu.memref_squeeze %dma_wait3A_83 : memref<1x128xi32, #tpu.memory_space<vmem>> -> memref<128xi32, #tpu.memory_space<vmem>>
      %dma_wait3A_85 = arith.constant 0 : i32
      %dma_wait3A_86 = arith.constant 0 : i32
      %dma_wait3A_87 = tpu.memref_slice %arg2[%dma_wait3A_85, %dma_wait3A_86] : memref<504096x128xf32, #tpu.memory_space<hbm>> -> memref<504096x128xf32, #tpu.memory_space<hbm>>
      tpu.wait_indirect_dma semaphore(%arg16 : memref<!tpu.dma_semaphore, #tpu.memory_space<semaphore_mem>>) src(%dma_wait3A_87 : memref<504096x128xf32, #tpu.memory_space<hbm>>) dst(%arg11 : memref<128x128xf32, #tpu.memory_space<vmem>>)
      %parallel_loop3A_88 = arith.constant 0 : i32
      %parallel_loop3A_89 = arith.constant 128 : i32
      %parallel_loop3A_90 = arith.constant 1 : i32
      scf.for %parallel_loop3A_98 = %parallel_loop3A_88 to %parallel_loop3A_89 step %parallel_loop3A_90  : i32 {
        %parallel_loop3A_99 = arith.index_cast %parallel_loop3A_98 : i32 to index
        %parallel_loop3A_100 = arith.constant 0 : index
        %parallel_loop3A_101 = tpu.vector_load %arg9[%parallel_loop3A_99, %parallel_loop3A_100] {strides = array<i32>} : memref<128x128xf32, #tpu.memory_space<vmem>>, vector<16xf32>,
        %parallel_loop3A_102 = arith.index_cast %parallel_loop3A_98 : i32 to index
        %parallel_loop3A_103 = arith.constant 64 : index
        %parallel_loop3A_104 = tpu.vector_load %arg11[%parallel_loop3A_102, %parallel_loop3A_103] {strides = array<i32>} : memref<128x128xf32, #tpu.memory_space<vmem>>, vector<16xf32>,
        %parallel_loop3A_105 = arith.addf %parallel_loop3A_101, %parallel_loop3A_104 : vector<16xf32>
        %parallel_loop3A_106 = arith.index_cast %parallel_loop3A_98 : i32 to index
        %parallel_loop3A_107 = arith.constant 0 : index
        %parallel_loop3A_108 = tpu.vector_load %arg12[%parallel_loop3A_106, %parallel_loop3A_107] {strides = array<i32>} : memref<128x64xf32, #tpu.memory_space<vmem>>, vector<16xf32>,
        tpu.vector_store %arg12[%parallel_loop3A_106, %parallel_loop3A_107], %parallel_loop3A_105 {add = true, strides = array<i32>} : memref<128x64xf32, #tpu.memory_space<vmem>>, vector<16xf32>,
        %parallel_loop3A_109 = arith.index_cast %parallel_loop3A_98 : i32 to index
        %parallel_loop3A_110 = arith.constant 16 : index
        %parallel_loop3A_111 = tpu.vector_load %arg9[%parallel_loop3A_109, %parallel_loop3A_110] {strides = array<i32>} : memref<128x128xf32, #tpu.memory_space<vmem>>, vector<16xf32>,
        %parallel_loop3A_112 = arith.index_cast %parallel_loop3A_98 : i32 to index
        %parallel_loop3A_113 = arith.constant 80 : index
        %parallel_loop3A_114 = tpu.vector_load %arg11[%parallel_loop3A_112, %parallel_loop3A_113] {strides = array<i32>} : memref<128x128xf32, #tpu.memory_space<vmem>>, vector<16xf32>,
        %parallel_loop3A_115 = arith.addf %parallel_loop3A_111, %parallel_loop3A_114 : vector<16xf32>
        %parallel_loop3A_116 = arith.index_cast %parallel_loop3A_98 : i32 to index
        %parallel_loop3A_117 = arith.constant 16 : index
        %parallel_loop3A_118 = tpu.vector_load %arg12[%parallel_loop3A_116, %parallel_loop3A_117] {strides = array<i32>} : memref<128x64xf32, #tpu.memory_space<vmem>>, vector<16xf32>,
        tpu.vector_store %arg12[%parallel_loop3A_116, %parallel_loop3A_117], %parallel_loop3A_115 {add = true, strides = array<i32>} : memref<128x64xf32, #tpu.memory_space<vmem>>, vector<16xf32>,
        %parallel_loop3A_119 = arith.index_cast %parallel_loop3A_98 : i32 to index
        %parallel_loop3A_120 = arith.constant 32 : index
        %parallel_loop3A_121 = tpu.vector_load %arg9[%parallel_loop3A_119, %parallel_loop3A_120] {strides = array<i32>} : memref<128x128xf32, #tpu.memory_space<vmem>>, vector<16xf32>,
        %parallel_loop3A_122 = arith.index_cast %parallel_loop3A_98 : i32 to index
        %parallel_loop3A_123 = arith.constant 96 : index
        %parallel_loop3A_124 = tpu.vector_load %arg11[%parallel_loop3A_122, %parallel_loop3A_123] {strides = array<i32>} : memref<128x128xf32, #tpu.memory_space<vmem>>, vector<16xf32>,
        %parallel_loop3A_125 = arith.addf %parallel_loop3A_121, %parallel_loop3A_124 : vector<16xf32>
        %parallel_loop3A_126 = arith.index_cast %parallel_loop3A_98 : i32 to index
        %parallel_loop3A_127 = arith.constant 32 : index
        %parallel_loop3A_128 = tpu.vector_load %arg12[%parallel_loop3A_126, %parallel_loop3A_127] {strides = array<i32>} : memref<128x64xf32, #tpu.memory_space<vmem>>, vector<16xf32>,
        tpu.vector_store %arg12[%parallel_loop3A_126, %parallel_loop3A_127], %parallel_loop3A_125 {add = true, strides = array<i32>} : memref<128x64xf32, #tpu.memory_space<vmem>>, vector<16xf32>,
        %parallel_loop3A_129 = arith.index_cast %parallel_loop3A_98 : i32 to index
        %parallel_loop3A_130 = arith.constant 48 : index
        %parallel_loop3A_131 = tpu.vector_load %arg9[%parallel_loop3A_129, %parallel_loop3A_130] {strides = array<i32>} : memref<128x128xf32, #tpu.memory_space<vmem>>, vector<16xf32>,
        %parallel_loop3A_132 = arith.index_cast %parallel_loop3A_98 : i32 to index
        %parallel_loop3A_133 = arith.constant 112 : index
        %parallel_loop3A_134 = tpu.vector_load %arg11[%parallel_loop3A_132, %parallel_loop3A_133] {strides = array<i32>} : memref<128x128xf32, #tpu.memory_space<vmem>>, vector<16xf32>,
        %parallel_loop3A_135 = arith.addf %parallel_loop3A_131, %parallel_loop3A_134 : vector<16xf32>
        %parallel_loop3A_136 = arith.index_cast %parallel_loop3A_98 : i32 to index
        %parallel_loop3A_137 = arith.constant 48 : index
        %parallel_loop3A_138 = tpu.vector_load %arg12[%parallel_loop3A_136, %parallel_loop3A_137] {strides = array<i32>} : memref<128x64xf32, #tpu.memory_space<vmem>>, vector<16xf32>,
        tpu.vector_store %arg12[%parallel_loop3A_136, %parallel_loop3A_137], %parallel_loop3A_135 {add = true, strides = array<i32>} : memref<128x64xf32, #tpu.memory_space<vmem>>, vector<16xf32>,
      } {sc.loop_unroll_factor = 4 : i64, sc.parallel_access}
      %add3A_91 = arith.constant 2 : i32
      %add3A_92 = arith.addi %add3A_73, %add3A_91 : i32
      %lt3A_93 = arith.constant 50 : i32
      %lt3A_94 = arith.cmpi slt, %add3A_92, %lt3A_93 : i32
      %convert_element_type3A_95 = arith.extui %lt3A_94 : i1 to i32
      %cond3A_96 = arith.constant 0 : i32
      %cond3A_97 = arith.cmpi ne, %convert_element_type3A_95, %cond3A_96 : i32
      scf.if %cond3A_97 {
        %add3A_98 = arith.constant 2 : i32
        %add3A_99 = arith.addi %add3A_73, %add3A_98 : i32
        %dma_start3A_100 = arith.constant 0 : i32
        %dma_start3A_101 = tpu.memref_slice %arg6[%add3A_99, %dma_start3A_100] : memref<50x128xi32, #tpu.memory_space<vmem>> -> memref<1x128xi32, #tpu.memory_space<vmem>>
        %dma_start3A_102 = tpu.memref_squeeze %dma_start3A_101 : memref<1x128xi32, #tpu.memory_space<vmem>> -> memref<128xi32, #tpu.memory_space<vmem>>
        %dma_start3A_103 = arith.constant 0 : i32
        %dma_start3A_104 = arith.constant 0 : i32
        %dma_start3A_105 = tpu.memref_slice %arg2[%dma_start3A_103, %dma_start3A_104] : memref<504096x128xf32, #tpu.memory_space<hbm>> -> memref<504096x128xf32, #tpu.memory_space<hbm>>
        tpu.enqueue_indirect_dma source(%dma_start3A_105 : memref<504096x128xf32, #tpu.memory_space<hbm>>) target(%arg9 : memref<128x128xf32, #tpu.memory_space<vmem>>) offsets(%dma_start3A_102 : memref<128xi32, #tpu.memory_space<vmem>>) semaphore(%arg14 : memref<!tpu.dma_semaphore, #tpu.memory_space<semaphore_mem>>)
        %dma_start3A_106 = arith.constant 0 : i32
        %dma_start3A_107 = tpu.memref_slice %arg7[%add3A_99, %dma_start3A_106] : memref<50x128xi32, #tpu.memory_space<vmem>> -> memref<1x128xi32, #tpu.memory_space<vmem>>
        %dma_start3A_108 = tpu.memref_squeeze %dma_start3A_107 : memref<1x128xi32, #tpu.memory_space<vmem>> -> memref<128xi32, #tpu.memory_space<vmem>>
        %dma_start3A_109 = arith.constant 0 : i32
        %dma_start3A_110 = arith.constant 0 : i32
        %dma_start3A_111 = tpu.memref_slice %arg2[%dma_start3A_109, %dma_start3A_110] : memref<504096x128xf32, #tpu.memory_space<hbm>> -> memref<504096x128xf32, #tpu.memory_space<hbm>>
        tpu.enqueue_indirect_dma source(%dma_start3A_111 : memref<504096x128xf32, #tpu.memory_space<hbm>>) target(%arg11 : memref<128x128xf32, #tpu.memory_space<vmem>>) offsets(%dma_start3A_108 : memref<128xi32, #tpu.memory_space<vmem>>) semaphore(%arg16 : memref<!tpu.dma_semaphore, #tpu.memory_space<semaphore_mem>>)
      } else {
      }
    }
    %scan3A_47 = arith.constant 25 : i32
    "tpu.region"() ({
      %run_scoped3A = tpu.sem_alloc : memref<!tpu.dma_semaphore, #tpu.memory_space<semaphore_mem>>
      %dma_start3A_48 = arith.constant 0 : i32
      %dma_start3A_49 = tpu.memref_slice %arg4[%mul3A_2, %dma_start3A_48] : memref<4096x64xf32, #tpu.memory_space<hbm>> -> memref<128x64xf32, #tpu.memory_space<hbm>>
      %dma_start3A_50 = arith.constant 0 : i32
      %dma_start3A_51 = tpu.memref_slice %arg4[%mul3A_2, %dma_start3A_50] : memref<4096x64xf32, #tpu.memory_space<hbm>> -> memref<128x64xf32, #tpu.memory_space<hbm>>
      tpu.enqueue_dma source(%arg12 : memref<128x64xf32, #tpu.memory_space<vmem>>) target(%dma_start3A_51 : memref<128x64xf32, #tpu.memory_space<hbm>>) target_semaphore(%run_scoped3A : memref<!tpu.dma_semaphore, #tpu.memory_space<semaphore_mem>>)
      %dma_wait3A = arith.constant 0 : i32
      %dma_wait3A_52 = tpu.memref_slice %arg4[%mul3A_2, %dma_wait3A] : memref<4096x64xf32, #tpu.memory_space<hbm>> -> memref<128x64xf32, #tpu.memory_space<hbm>>
      %dma_wait3A_53 = arith.constant 0 : i32
      %dma_wait3A_54 = tpu.memref_slice %arg4[%mul3A_2, %dma_wait3A_53] : memref<4096x64xf32, #tpu.memory_space<hbm>> -> memref<128x64xf32, #tpu.memory_space<hbm>>
      tpu.wait_dma2 semaphore(%run_scoped3A : memref<!tpu.dma_semaphore, #tpu.memory_space<semaphore_mem>>) src(%arg12 : memref<128x64xf32, #tpu.memory_space<vmem>>) dst(%dma_wait3A_54 : memref<128x64xf32, #tpu.memory_space<hbm>>)
      tpu.yield
    }) : () -> ()
    return
  }
}

#map = affine_map<(d0, d1) -> (0, 0)>
module attributes {stable_mosaic.version = 14 : i64} {
  func.func @k(%arg0: i32, %arg1: i32, %arg2: memref<64x1000000xf32, #tpu.memory_space<hbm>>, %arg3: memref<32x128xf32, #tpu.memory_space<hbm>>, %arg4: memref<504096x128xf32, #tpu.memory_space<hbm>>, %arg5: memref<64x128xf32, #tpu.memory_space<vmem>>, %arg6: memref<64x128xf32, #tpu.memory_space<vmem>>, %arg7: memref<64x128xf32, #tpu.memory_space<vmem>>, %arg8: memref<64x128xf32, #tpu.memory_space<vmem>>, %arg9: memref<!tpu.dma_semaphore, #tpu.memory_space<semaphore_mem>>, %arg10: memref<!tpu.dma_semaphore, #tpu.memory_space<semaphore_mem>>, %arg11: memref<!tpu.dma_semaphore, #tpu.memory_space<semaphore_mem>>, %arg12: memref<!tpu.dma_semaphore, #tpu.memory_space<semaphore_mem>>) attributes {dimension_semantics = [#tpu.dimension_semantics<core_parallel>, #tpu.dimension_semantics<subcore_parallel>], iteration_bounds = array<i64: 2, 16>, scalar_prefetch = 0 : i64, scratch_operands = 8 : i64, tpu.core_type = #tpu.core_type<sc_vector_subcore>, window_params = [{transform_indices = #map}, {transform_indices = #map}, {transform_indices = #map}]} {
    %mul3A = arith.constant 2 : i32
    %mul3A_0 = arith.muli %arg1, %mul3A : i32
    %add3A = arith.addi %mul3A_0, %arg0 : i32
    %iota3A = tpu.iota {dimensions = array<i32: 0>} : vector<16xi32>
    %add3A_1 = arith.constant 0 : i32
    %add3A_2 = vector.broadcast %add3A_1 : i32 to vector<16xi32>
    %add3A_3 = arith.addi %iota3A, %add3A_2 : vector<16xi32>
    %iota3A_4 = tpu.iota {dimensions = array<i32: 0>} : vector<16xi32>
    %add3A_5 = arith.constant 16 : i32
    %add3A_6 = vector.broadcast %add3A_5 : i32 to vector<16xi32>
    %add3A_7 = arith.addi %iota3A_4, %add3A_6 : vector<16xi32>
    %iota3A_8 = tpu.iota {dimensions = array<i32: 0>} : vector<16xi32>
    %add3A_9 = arith.constant 32 : i32
    %add3A_10 = vector.broadcast %add3A_9 : i32 to vector<16xi32>
    %add3A_11 = arith.addi %iota3A_8, %add3A_10 : vector<16xi32>
    %iota3A_12 = tpu.iota {dimensions = array<i32: 0>} : vector<16xi32>
    %add3A_13 = arith.constant 48 : i32
    %add3A_14 = vector.broadcast %add3A_13 : i32 to vector<16xi32>
    %add3A_15 = arith.addi %iota3A_12, %add3A_14 : vector<16xi32>
    %broadcast_in_dim3A = arith.constant 0.000000e+00 : f32
    %broadcast_in_dim3A_16 = vector.broadcast %broadcast_in_dim3A : f32 to vector<16xf32>
    %scan3A = arith.constant 0 : i32
    %scan3A_17 = arith.constant 0 : i32
    %scan3A_18 = arith.constant 64 : i32
    %scan3A_19 = arith.addi %scan3A_17, %scan3A_18 : i32
    %scan3A_20 = arith.constant 1 : i32
    scf.for %scan3A_110 = %scan3A_17 to %scan3A_19 step %scan3A_20  : i32 {
      %swap3A = arith.index_cast %scan3A_110 : i32 to index
      %swap3A_111 = arith.constant 0 : index
      %swap3A_112 = tpu.vector_load %arg7[%swap3A, %swap3A_111] {strides = array<i32>} : memref<64x128xf32, #tpu.memory_space<vmem>>, vector<16xf32>,
      tpu.vector_store %arg7[%swap3A, %swap3A_111], %broadcast_in_dim3A_16 {strides = array<i32>} : memref<64x128xf32, #tpu.memory_space<vmem>>, vector<16xf32>,
      %swap3A_113 = arith.index_cast %scan3A_110 : i32 to index
      %swap3A_114 = arith.constant 16 : index
      %swap3A_115 = tpu.vector_load %arg7[%swap3A_113, %swap3A_114] {strides = array<i32>} : memref<64x128xf32, #tpu.memory_space<vmem>>, vector<16xf32>,
      tpu.vector_store %arg7[%swap3A_113, %swap3A_114], %broadcast_in_dim3A_16 {strides = array<i32>} : memref<64x128xf32, #tpu.memory_space<vmem>>, vector<16xf32>,
      %swap3A_116 = arith.index_cast %scan3A_110 : i32 to index
      %swap3A_117 = arith.constant 32 : index
      %swap3A_118 = tpu.vector_load %arg7[%swap3A_116, %swap3A_117] {strides = array<i32>} : memref<64x128xf32, #tpu.memory_space<vmem>>, vector<16xf32>,
      tpu.vector_store %arg7[%swap3A_116, %swap3A_117], %broadcast_in_dim3A_16 {strides = array<i32>} : memref<64x128xf32, #tpu.memory_space<vmem>>, vector<16xf32>,
      %swap3A_119 = arith.index_cast %scan3A_110 : i32 to index
      %swap3A_120 = arith.constant 48 : index
      %swap3A_121 = tpu.vector_load %arg7[%swap3A_119, %swap3A_120] {strides = array<i32>} : memref<64x128xf32, #tpu.memory_space<vmem>>, vector<16xf32>,
      tpu.vector_store %arg7[%swap3A_119, %swap3A_120], %broadcast_in_dim3A_16 {strides = array<i32>} : memref<64x128xf32, #tpu.memory_space<vmem>>, vector<16xf32>,
      %swap3A_122 = arith.index_cast %scan3A_110 : i32 to index
      %swap3A_123 = arith.constant 64 : index
      %swap3A_124 = tpu.vector_load %arg7[%swap3A_122, %swap3A_123] {strides = array<i32>} : memref<64x128xf32, #tpu.memory_space<vmem>>, vector<16xf32>,
      tpu.vector_store %arg7[%swap3A_122, %swap3A_123], %broadcast_in_dim3A_16 {strides = array<i32>} : memref<64x128xf32, #tpu.memory_space<vmem>>, vector<16xf32>,
      %swap3A_125 = arith.index_cast %scan3A_110 : i32 to index
      %swap3A_126 = arith.constant 80 : index
      %swap3A_127 = tpu.vector_load %arg7[%swap3A_125, %swap3A_126] {strides = array<i32>} : memref<64x128xf32, #tpu.memory_space<vmem>>, vector<16xf32>,
      tpu.vector_store %arg7[%swap3A_125, %swap3A_126], %broadcast_in_dim3A_16 {strides = array<i32>} : memref<64x128xf32, #tpu.memory_space<vmem>>, vector<16xf32>,
      %swap3A_128 = arith.index_cast %scan3A_110 : i32 to index
      %swap3A_129 = arith.constant 96 : index
      %swap3A_130 = tpu.vector_load %arg7[%swap3A_128, %swap3A_129] {strides = array<i32>} : memref<64x128xf32, #tpu.memory_space<vmem>>, vector<16xf32>,
      tpu.vector_store %arg7[%swap3A_128, %swap3A_129], %broadcast_in_dim3A_16 {strides = array<i32>} : memref<64x128xf32, #tpu.memory_space<vmem>>, vector<16xf32>,
      %swap3A_131 = arith.index_cast %scan3A_110 : i32 to index
      %swap3A_132 = arith.constant 112 : index
      %swap3A_133 = tpu.vector_load %arg7[%swap3A_131, %swap3A_132] {strides = array<i32>} : memref<64x128xf32, #tpu.memory_space<vmem>>, vector<16xf32>,
      tpu.vector_store %arg7[%swap3A_131, %swap3A_132], %broadcast_in_dim3A_16 {strides = array<i32>} : memref<64x128xf32, #tpu.memory_space<vmem>>, vector<16xf32>,
    }
    %scan3A_21 = arith.constant 64 : i32
    %broadcast_in_dim3A_22 = arith.constant 0.000000e+00 : f32
    %broadcast_in_dim3A_23 = vector.broadcast %broadcast_in_dim3A_22 : f32 to vector<16xf32>
    %scan3A_24 = arith.constant 0 : i32
    %scan3A_25 = arith.constant 0 : i32
    %scan3A_26 = arith.constant 64 : i32
    %scan3A_27 = arith.addi %scan3A_25, %scan3A_26 : i32
    %scan3A_28 = arith.constant 1 : i32
    scf.for %scan3A_110 = %scan3A_25 to %scan3A_27 step %scan3A_28  : i32 {
      %swap3A = arith.index_cast %scan3A_110 : i32 to index
      %swap3A_111 = arith.constant 0 : index
      %swap3A_112 = tpu.vector_load %arg8[%swap3A, %swap3A_111] {strides = array<i32>} : memref<64x128xf32, #tpu.memory_space<vmem>>, vector<16xf32>,
      tpu.vector_store %arg8[%swap3A, %swap3A_111], %broadcast_in_dim3A_23 {strides = array<i32>} : memref<64x128xf32, #tpu.memory_space<vmem>>, vector<16xf32>,
      %swap3A_113 = arith.index_cast %scan3A_110 : i32 to index
      %swap3A_114 = arith.constant 16 : index
      %swap3A_115 = tpu.vector_load %arg8[%swap3A_113, %swap3A_114] {strides = array<i32>} : memref<64x128xf32, #tpu.memory_space<vmem>>, vector<16xf32>,
      tpu.vector_store %arg8[%swap3A_113, %swap3A_114], %broadcast_in_dim3A_23 {strides = array<i32>} : memref<64x128xf32, #tpu.memory_space<vmem>>, vector<16xf32>,
      %swap3A_116 = arith.index_cast %scan3A_110 : i32 to index
      %swap3A_117 = arith.constant 32 : index
      %swap3A_118 = tpu.vector_load %arg8[%swap3A_116, %swap3A_117] {strides = array<i32>} : memref<64x128xf32, #tpu.memory_space<vmem>>, vector<16xf32>,
      tpu.vector_store %arg8[%swap3A_116, %swap3A_117], %broadcast_in_dim3A_23 {strides = array<i32>} : memref<64x128xf32, #tpu.memory_space<vmem>>, vector<16xf32>,
      %swap3A_119 = arith.index_cast %scan3A_110 : i32 to index
      %swap3A_120 = arith.constant 48 : index
      %swap3A_121 = tpu.vector_load %arg8[%swap3A_119, %swap3A_120] {strides = array<i32>} : memref<64x128xf32, #tpu.memory_space<vmem>>, vector<16xf32>,
      tpu.vector_store %arg8[%swap3A_119, %swap3A_120], %broadcast_in_dim3A_23 {strides = array<i32>} : memref<64x128xf32, #tpu.memory_space<vmem>>, vector<16xf32>,
      %swap3A_122 = arith.index_cast %scan3A_110 : i32 to index
      %swap3A_123 = arith.constant 64 : index
      %swap3A_124 = tpu.vector_load %arg8[%swap3A_122, %swap3A_123] {strides = array<i32>} : memref<64x128xf32, #tpu.memory_space<vmem>>, vector<16xf32>,
      tpu.vector_store %arg8[%swap3A_122, %swap3A_123], %broadcast_in_dim3A_23 {strides = array<i32>} : memref<64x128xf32, #tpu.memory_space<vmem>>, vector<16xf32>,
      %swap3A_125 = arith.index_cast %scan3A_110 : i32 to index
      %swap3A_126 = arith.constant 80 : index
      %swap3A_127 = tpu.vector_load %arg8[%swap3A_125, %swap3A_126] {strides = array<i32>} : memref<64x128xf32, #tpu.memory_space<vmem>>, vector<16xf32>,
      tpu.vector_store %arg8[%swap3A_125, %swap3A_126], %broadcast_in_dim3A_23 {strides = array<i32>} : memref<64x128xf32, #tpu.memory_space<vmem>>, vector<16xf32>,
      %swap3A_128 = arith.index_cast %scan3A_110 : i32 to index
      %swap3A_129 = arith.constant 96 : index
      %swap3A_130 = tpu.vector_load %arg8[%swap3A_128, %swap3A_129] {strides = array<i32>} : memref<64x128xf32, #tpu.memory_space<vmem>>, vector<16xf32>,
      tpu.vector_store %arg8[%swap3A_128, %swap3A_129], %broadcast_in_dim3A_23 {strides = array<i32>} : memref<64x128xf32, #tpu.memory_space<vmem>>, vector<16xf32>,
      %swap3A_131 = arith.index_cast %scan3A_110 : i32 to index
      %swap3A_132 = arith.constant 112 : index
      %swap3A_133 = tpu.vector_load %arg8[%swap3A_131, %swap3A_132] {strides = array<i32>} : memref<64x128xf32, #tpu.memory_space<vmem>>, vector<16xf32>,
      tpu.vector_store %arg8[%swap3A_131, %swap3A_132], %broadcast_in_dim3A_23 {strides = array<i32>} : memref<64x128xf32, #tpu.memory_space<vmem>>, vector<16xf32>,
    }
    %scan3A_29 = arith.constant 64 : i32
    %mul3A_30 = arith.constant 128 : i32
    %mul3A_31 = arith.muli %add3A, %mul3A_30 : i32
    %add3A_32 = arith.constant 500000 : i32
    %add3A_33 = arith.addi %add3A_32, %mul3A_31 : i32
    %dma_start3A = arith.constant 0 : i32
    %dma_start3A_34 = arith.constant 0 : i32
    %dma_start3A_35 = tpu.memref_slice %arg7[%dma_start3A, %dma_start3A_34] : memref<64x128xf32, #tpu.memory_space<vmem>> -> memref<64x128xf32, #tpu.memory_space<vmem>>
    %dma_start3A_36 = arith.constant 0 : i32
    %dma_start3A_37 = tpu.memref_slice %arg4[%add3A_33, %dma_start3A_36] : memref<504096x128xf32, #tpu.memory_space<hbm>> -> memref<64x128xf32, #tpu.memory_space<hbm>>
    %dma_start3A_38 = arith.constant 0 : i32
    %dma_start3A_39 = tpu.memref_slice %arg4[%add3A_33, %dma_start3A_38] : memref<504096x128xf32, #tpu.memory_space<hbm>> -> memref<64x128xf32, #tpu.memory_space<hbm>>
    %dma_start3A_40 = arith.constant 0 : i32
    %dma_start3A_41 = arith.constant 0 : i32
    %dma_start3A_42 = tpu.memref_slice %arg7[%dma_start3A_40, %dma_start3A_41] : memref<64x128xf32, #tpu.memory_space<vmem>> -> memref<64x128xf32, #tpu.memory_space<vmem>>
    tpu.enqueue_dma source(%dma_start3A_42 : memref<64x128xf32, #tpu.memory_space<vmem>>) target(%dma_start3A_39 : memref<64x128xf32, #tpu.memory_space<hbm>>) target_semaphore(%arg11 : memref<!tpu.dma_semaphore, #tpu.memory_space<semaphore_mem>>)
    %mul3A_43 = arith.constant 128 : i32
    %mul3A_44 = arith.muli %add3A, %mul3A_43 : i32
    %add3A_45 = arith.constant 500000 : i32
    %add3A_46 = arith.addi %add3A_45, %mul3A_44 : i32
    %add3A_47 = arith.constant 64 : i32
    %add3A_48 = arith.addi %add3A_46, %add3A_47 : i32
    %dma_start3A_49 = arith.constant 0 : i32
    %dma_start3A_50 = arith.constant 0 : i32
    %dma_start3A_51 = tpu.memref_slice %arg8[%dma_start3A_49, %dma_start3A_50] : memref<64x128xf32, #tpu.memory_space<vmem>> -> memref<64x128xf32, #tpu.memory_space<vmem>>
    %dma_start3A_52 = arith.constant 0 : i32
    %dma_start3A_53 = tpu.memref_slice %arg4[%add3A_48, %dma_start3A_52] : memref<504096x128xf32, #tpu.memory_space<hbm>> -> memref<64x128xf32, #tpu.memory_space<hbm>>
    %dma_start3A_54 = arith.constant 0 : i32
    %dma_start3A_55 = tpu.memref_slice %arg4[%add3A_48, %dma_start3A_54] : memref<504096x128xf32, #tpu.memory_space<hbm>> -> memref<64x128xf32, #tpu.memory_space<hbm>>
    %dma_start3A_56 = arith.constant 0 : i32
    %dma_start3A_57 = arith.constant 0 : i32
    %dma_start3A_58 = tpu.memref_slice %arg8[%dma_start3A_56, %dma_start3A_57] : memref<64x128xf32, #tpu.memory_space<vmem>> -> memref<64x128xf32, #tpu.memory_space<vmem>>
    tpu.enqueue_dma source(%dma_start3A_58 : memref<64x128xf32, #tpu.memory_space<vmem>>) target(%dma_start3A_55 : memref<64x128xf32, #tpu.memory_space<hbm>>) target_semaphore(%arg12 : memref<!tpu.dma_semaphore, #tpu.memory_space<semaphore_mem>>)
    %mul3A_59 = arith.constant 128 : i32
    %mul3A_60 = arith.muli %add3A, %mul3A_59 : i32
    %dma_start3A_61 = arith.constant 0 : i32
    %dma_start3A_62 = tpu.memref_slice %arg2[%dma_start3A_61, %mul3A_60] : memref<64x1000000xf32, #tpu.memory_space<hbm>> -> memref<64x128xf32, #tpu.memory_space<hbm>>
    %dma_start3A_63 = arith.constant 0 : i32
    %dma_start3A_64 = tpu.memref_slice %arg2[%dma_start3A_63, %mul3A_60] : memref<64x1000000xf32, #tpu.memory_space<hbm>> -> memref<64x128xf32, #tpu.memory_space<hbm>>
    tpu.enqueue_dma source(%dma_start3A_64 : memref<64x128xf32, #tpu.memory_space<hbm>>) target(%arg5 : memref<64x128xf32, #tpu.memory_space<vmem>>) target_semaphore(%arg9 : memref<!tpu.dma_semaphore, #tpu.memory_space<semaphore_mem>>)
    %add3A_65 = arith.constant 32 : i32
    %add3A_66 = arith.addi %add3A, %add3A_65 : i32
    %mul3A_67 = arith.constant 128 : i32
    %mul3A_68 = arith.muli %add3A_66, %mul3A_67 : i32
    %dma_start3A_69 = arith.constant 0 : i32
    %dma_start3A_70 = tpu.memref_slice %arg2[%dma_start3A_69, %mul3A_68] : memref<64x1000000xf32, #tpu.memory_space<hbm>> -> memref<64x128xf32, #tpu.memory_space<hbm>>
    %dma_start3A_71 = arith.constant 0 : i32
    %dma_start3A_72 = tpu.memref_slice %arg2[%dma_start3A_71, %mul3A_68] : memref<64x1000000xf32, #tpu.memory_space<hbm>> -> memref<64x128xf32, #tpu.memory_space<hbm>>
    tpu.enqueue_dma source(%dma_start3A_72 : memref<64x128xf32, #tpu.memory_space<hbm>>) target(%arg6 : memref<64x128xf32, #tpu.memory_space<vmem>>) target_semaphore(%arg10 : memref<!tpu.dma_semaphore, #tpu.memory_space<semaphore_mem>>)
    %scan3A_73 = arith.constant 0 : i32
    %scan3A_74 = arith.constant 0 : i32
    %scan3A_75 = arith.constant 122 : i32
    %scan3A_76 = arith.addi %scan3A_74, %scan3A_75 : i32
    %scan3A_77 = arith.constant 1 : i32
    scf.for %scan3A_110 = %scan3A_74 to %scan3A_76 step %scan3A_77  : i32 {
      %mul3A_111 = arith.constant 64 : i32
      %mul3A_112 = arith.muli %mul3A_111, %scan3A_110 : i32
      %add3A_113 = arith.addi %add3A, %mul3A_112 : i32
      %add3A_114 = arith.constant 32 : i32
      %add3A_115 = arith.addi %add3A_113, %add3A_114 : i32
      %dma_wait3A_116 = arith.constant 0 : i32
      %dma_wait3A_117 = arith.constant 0 : i32
      %dma_wait3A_118 = tpu.memref_slice %arg2[%dma_wait3A_116, %dma_wait3A_117] : memref<64x1000000xf32, #tpu.memory_space<hbm>> -> memref<64x128xf32, #tpu.memory_space<hbm>>
      %dma_wait3A_119 = arith.constant 0 : i32
      %dma_wait3A_120 = arith.constant 0 : i32
      %dma_wait3A_121 = tpu.memref_slice %arg2[%dma_wait3A_119, %dma_wait3A_120] : memref<64x1000000xf32, #tpu.memory_space<hbm>> -> memref<64x128xf32, #tpu.memory_space<hbm>>
      tpu.wait_dma2 semaphore(%arg9 : memref<!tpu.dma_semaphore, #tpu.memory_space<semaphore_mem>>) src(%dma_wait3A_121 : memref<64x128xf32, #tpu.memory_space<hbm>>) dst(%arg5 : memref<64x128xf32, #tpu.memory_space<vmem>>)
      %dma_wait3A_122 = arith.constant 0 : i32
      %dma_wait3A_123 = arith.constant 0 : i32
      %dma_wait3A_124 = tpu.memref_slice %arg7[%dma_wait3A_122, %dma_wait3A_123] : memref<64x128xf32, #tpu.memory_space<vmem>> -> memref<64x128xf32, #tpu.memory_space<vmem>>
      %dma_wait3A_125 = arith.constant 500000 : i32
      %dma_wait3A_126 = arith.constant 0 : i32
      %dma_wait3A_127 = tpu.memref_slice %arg4[%dma_wait3A_125, %dma_wait3A_126] : memref<504096x128xf32, #tpu.memory_space<hbm>> -> memref<64x128xf32, #tpu.memory_space<hbm>>
      %dma_wait3A_128 = arith.constant 500000 : i32
      %dma_wait3A_129 = arith.constant 0 : i32
      %dma_wait3A_130 = tpu.memref_slice %arg4[%dma_wait3A_128, %dma_wait3A_129] : memref<504096x128xf32, #tpu.memory_space<hbm>> -> memref<64x128xf32, #tpu.memory_space<hbm>>
      %dma_wait3A_131 = arith.constant 0 : i32
      %dma_wait3A_132 = arith.constant 0 : i32
      %dma_wait3A_133 = tpu.memref_slice %arg7[%dma_wait3A_131, %dma_wait3A_132] : memref<64x128xf32, #tpu.memory_space<vmem>> -> memref<64x128xf32, #tpu.memory_space<vmem>>
      tpu.wait_dma2 semaphore(%arg11 : memref<!tpu.dma_semaphore, #tpu.memory_space<semaphore_mem>>) src(%dma_wait3A_133 : memref<64x128xf32, #tpu.memory_space<vmem>>) dst(%dma_wait3A_130 : memref<64x128xf32, #tpu.memory_space<hbm>>)
      %parallel_loop3A = arith.constant 0 : i32
      %parallel_loop3A_134 = arith.constant 64 : i32
      %parallel_loop3A_135 = arith.constant 1 : i32
      scf.for %parallel_loop3A_195 = %parallel_loop3A to %parallel_loop3A_134 step %parallel_loop3A_135  : i32 {
        %parallel_loop3A_196 = arith.constant 2 : i32
        %parallel_loop3A_197 = arith.muli %parallel_loop3A_196, %parallel_loop3A_195 : i32
        %parallel_loop3A_198 = arith.constant 0 : i32
        %parallel_loop3A_199 = arith.addi %parallel_loop3A_197, %parallel_loop3A_198 : i32
        %parallel_loop3A_200 = vector.broadcast %parallel_loop3A_199 : i32 to vector<16xi32>
        %parallel_loop3A_201 = tpu.vector_load_idx %arg5[%add3A_3, %parallel_loop3A_200] : memref<64x128xf32, #tpu.memory_space<vmem>>[vector<16xi32>, vector<16xi32>], vector<16xf32>,
        %parallel_loop3A_202 = arith.index_cast %parallel_loop3A_195 : i32 to index
        %parallel_loop3A_203 = arith.constant 0 : index
        %parallel_loop3A_204 = tpu.vector_load %arg7[%parallel_loop3A_202, %parallel_loop3A_203] {strides = array<i32>} : memref<64x128xf32, #tpu.memory_space<vmem>>, vector<16xf32>,
        tpu.vector_store %arg7[%parallel_loop3A_202, %parallel_loop3A_203], %parallel_loop3A_201 {strides = array<i32>} : memref<64x128xf32, #tpu.memory_space<vmem>>, vector<16xf32>,
        %parallel_loop3A_205 = arith.constant 2 : i32
        %parallel_loop3A_206 = arith.muli %parallel_loop3A_205, %parallel_loop3A_195 : i32
        %parallel_loop3A_207 = arith.constant 0 : i32
        %parallel_loop3A_208 = arith.addi %parallel_loop3A_206, %parallel_loop3A_207 : i32
        %parallel_loop3A_209 = vector.broadcast %parallel_loop3A_208 : i32 to vector<16xi32>
        %parallel_loop3A_210 = tpu.vector_load_idx %arg5[%add3A_7, %parallel_loop3A_209] : memref<64x128xf32, #tpu.memory_space<vmem>>[vector<16xi32>, vector<16xi32>], vector<16xf32>,
        %parallel_loop3A_211 = arith.index_cast %parallel_loop3A_195 : i32 to index
        %parallel_loop3A_212 = arith.constant 16 : index
        %parallel_loop3A_213 = tpu.vector_load %arg7[%parallel_loop3A_211, %parallel_loop3A_212] {strides = array<i32>} : memref<64x128xf32, #tpu.memory_space<vmem>>, vector<16xf32>,
        tpu.vector_store %arg7[%parallel_loop3A_211, %parallel_loop3A_212], %parallel_loop3A_210 {strides = array<i32>} : memref<64x128xf32, #tpu.memory_space<vmem>>, vector<16xf32>,
        %parallel_loop3A_214 = arith.constant 2 : i32
        %parallel_loop3A_215 = arith.muli %parallel_loop3A_214, %parallel_loop3A_195 : i32
        %parallel_loop3A_216 = arith.constant 0 : i32
        %parallel_loop3A_217 = arith.addi %parallel_loop3A_215, %parallel_loop3A_216 : i32
        %parallel_loop3A_218 = vector.broadcast %parallel_loop3A_217 : i32 to vector<16xi32>
        %parallel_loop3A_219 = tpu.vector_load_idx %arg5[%add3A_11, %parallel_loop3A_218] : memref<64x128xf32, #tpu.memory_space<vmem>>[vector<16xi32>, vector<16xi32>], vector<16xf32>,
        %parallel_loop3A_220 = arith.index_cast %parallel_loop3A_195 : i32 to index
        %parallel_loop3A_221 = arith.constant 32 : index
        %parallel_loop3A_222 = tpu.vector_load %arg7[%parallel_loop3A_220, %parallel_loop3A_221] {strides = array<i32>} : memref<64x128xf32, #tpu.memory_space<vmem>>, vector<16xf32>,
        tpu.vector_store %arg7[%parallel_loop3A_220, %parallel_loop3A_221], %parallel_loop3A_219 {strides = array<i32>} : memref<64x128xf32, #tpu.memory_space<vmem>>, vector<16xf32>,
        %parallel_loop3A_223 = arith.constant 2 : i32
        %parallel_loop3A_224 = arith.muli %parallel_loop3A_223, %parallel_loop3A_195 : i32
        %parallel_loop3A_225 = arith.constant 0 : i32
        %parallel_loop3A_226 = arith.addi %parallel_loop3A_224, %parallel_loop3A_225 : i32
        %parallel_loop3A_227 = vector.broadcast %parallel_loop3A_226 : i32 to vector<16xi32>
        %parallel_loop3A_228 = tpu.vector_load_idx %arg5[%add3A_15, %parallel_loop3A_227] : memref<64x128xf32, #tpu.memory_space<vmem>>[vector<16xi32>, vector<16xi32>], vector<16xf32>,
        %parallel_loop3A_229 = arith.index_cast %parallel_loop3A_195 : i32 to index
        %parallel_loop3A_230 = arith.constant 48 : index
        %parallel_loop3A_231 = tpu.vector_load %arg7[%parallel_loop3A_229, %parallel_loop3A_230] {strides = array<i32>} : memref<64x128xf32, #tpu.memory_space<vmem>>, vector<16xf32>,
        tpu.vector_store %arg7[%parallel_loop3A_229, %parallel_loop3A_230], %parallel_loop3A_228 {strides = array<i32>} : memref<64x128xf32, #tpu.memory_space<vmem>>, vector<16xf32>,
        %parallel_loop3A_232 = arith.constant 2 : i32
        %parallel_loop3A_233 = arith.muli %parallel_loop3A_232, %parallel_loop3A_195 : i32
        %parallel_loop3A_234 = arith.constant 1 : i32
        %parallel_loop3A_235 = arith.addi %parallel_loop3A_233, %parallel_loop3A_234 : i32
        %parallel_loop3A_236 = vector.broadcast %parallel_loop3A_235 : i32 to vector<16xi32>
        %parallel_loop3A_237 = tpu.vector_load_idx %arg5[%add3A_3, %parallel_loop3A_236] : memref<64x128xf32, #tpu.memory_space<vmem>>[vector<16xi32>, vector<16xi32>], vector<16xf32>,
        %parallel_loop3A_238 = arith.index_cast %parallel_loop3A_195 : i32 to index
        %parallel_loop3A_239 = arith.constant 64 : index
        %parallel_loop3A_240 = tpu.vector_load %arg7[%parallel_loop3A_238, %parallel_loop3A_239] {strides = array<i32>} : memref<64x128xf32, #tpu.memory_space<vmem>>, vector<16xf32>,
        tpu.vector_store %arg7[%parallel_loop3A_238, %parallel_loop3A_239], %parallel_loop3A_237 {strides = array<i32>} : memref<64x128xf32, #tpu.memory_space<vmem>>, vector<16xf32>,
        %parallel_loop3A_241 = arith.constant 2 : i32
        %parallel_loop3A_242 = arith.muli %parallel_loop3A_241, %parallel_loop3A_195 : i32
        %parallel_loop3A_243 = arith.constant 1 : i32
        %parallel_loop3A_244 = arith.addi %parallel_loop3A_242, %parallel_loop3A_243 : i32
        %parallel_loop3A_245 = vector.broadcast %parallel_loop3A_244 : i32 to vector<16xi32>
        %parallel_loop3A_246 = tpu.vector_load_idx %arg5[%add3A_7, %parallel_loop3A_245] : memref<64x128xf32, #tpu.memory_space<vmem>>[vector<16xi32>, vector<16xi32>], vector<16xf32>,
        %parallel_loop3A_247 = arith.index_cast %parallel_loop3A_195 : i32 to index
        %parallel_loop3A_248 = arith.constant 80 : index
        %parallel_loop3A_249 = tpu.vector_load %arg7[%parallel_loop3A_247, %parallel_loop3A_248] {strides = array<i32>} : memref<64x128xf32, #tpu.memory_space<vmem>>, vector<16xf32>,
        tpu.vector_store %arg7[%parallel_loop3A_247, %parallel_loop3A_248], %parallel_loop3A_246 {strides = array<i32>} : memref<64x128xf32, #tpu.memory_space<vmem>>, vector<16xf32>,
        %parallel_loop3A_250 = arith.constant 2 : i32
        %parallel_loop3A_251 = arith.muli %parallel_loop3A_250, %parallel_loop3A_195 : i32
        %parallel_loop3A_252 = arith.constant 1 : i32
        %parallel_loop3A_253 = arith.addi %parallel_loop3A_251, %parallel_loop3A_252 : i32
        %parallel_loop3A_254 = vector.broadcast %parallel_loop3A_253 : i32 to vector<16xi32>
        %parallel_loop3A_255 = tpu.vector_load_idx %arg5[%add3A_11, %parallel_loop3A_254] : memref<64x128xf32, #tpu.memory_space<vmem>>[vector<16xi32>, vector<16xi32>], vector<16xf32>,
        %parallel_loop3A_256 = arith.index_cast %parallel_loop3A_195 : i32 to index
        %parallel_loop3A_257 = arith.constant 96 : index
        %parallel_loop3A_258 = tpu.vector_load %arg7[%parallel_loop3A_256, %parallel_loop3A_257] {strides = array<i32>} : memref<64x128xf32, #tpu.memory_space<vmem>>, vector<16xf32>,
        tpu.vector_store %arg7[%parallel_loop3A_256, %parallel_loop3A_257], %parallel_loop3A_255 {strides = array<i32>} : memref<64x128xf32, #tpu.memory_space<vmem>>, vector<16xf32>,
        %parallel_loop3A_259 = arith.constant 2 : i32
        %parallel_loop3A_260 = arith.muli %parallel_loop3A_259, %parallel_loop3A_195 : i32
        %parallel_loop3A_261 = arith.constant 1 : i32
        %parallel_loop3A_262 = arith.addi %parallel_loop3A_260, %parallel_loop3A_261 : i32
        %parallel_loop3A_263 = vector.broadcast %parallel_loop3A_262 : i32 to vector<16xi32>
        %parallel_loop3A_264 = tpu.vector_load_idx %arg5[%add3A_15, %parallel_loop3A_263] : memref<64x128xf32, #tpu.memory_space<vmem>>[vector<16xi32>, vector<16xi32>], vector<16xf32>,
        %parallel_loop3A_265 = arith.index_cast %parallel_loop3A_195 : i32 to index
        %parallel_loop3A_266 = arith.constant 112 : index
        %parallel_loop3A_267 = tpu.vector_load %arg7[%parallel_loop3A_265, %parallel_loop3A_266] {strides = array<i32>} : memref<64x128xf32, #tpu.memory_space<vmem>>, vector<16xf32>,
        tpu.vector_store %arg7[%parallel_loop3A_265, %parallel_loop3A_266], %parallel_loop3A_264 {strides = array<i32>} : memref<64x128xf32, #tpu.memory_space<vmem>>, vector<16xf32>,
      } {sc.loop_unroll_factor = 4 : i64, sc.parallel_access}
      %mul3A_136 = arith.constant 64 : i32
      %mul3A_137 = arith.muli %add3A_113, %mul3A_136 : i32
      %dma_start3A_138 = arith.constant 0 : i32
      %dma_start3A_139 = arith.constant 0 : i32
      %dma_start3A_140 = tpu.memref_slice %arg7[%dma_start3A_138, %dma_start3A_139] : memref<64x128xf32, #tpu.memory_space<vmem>> -> memref<64x128xf32, #tpu.memory_space<vmem>>
      %dma_start3A_141 = arith.constant 0 : i32
      %dma_start3A_142 = tpu.memref_slice %arg4[%mul3A_137, %dma_start3A_141] : memref<504096x128xf32, #tpu.memory_space<hbm>> -> memref<64x128xf32, #tpu.memory_space<hbm>>
      %dma_start3A_143 = arith.constant 0 : i32
      %dma_start3A_144 = tpu.memref_slice %arg4[%mul3A_137, %dma_start3A_143] : memref<504096x128xf32, #tpu.memory_space<hbm>> -> memref<64x128xf32, #tpu.memory_space<hbm>>
      %dma_start3A_145 = arith.constant 0 : i32
      %dma_start3A_146 = arith.constant 0 : i32
      %dma_start3A_147 = tpu.memref_slice %arg7[%dma_start3A_145, %dma_start3A_146] : memref<64x128xf32, #tpu.memory_space<vmem>> -> memref<64x128xf32, #tpu.memory_space<vmem>>
      tpu.enqueue_dma source(%dma_start3A_147 : memref<64x128xf32, #tpu.memory_space<vmem>>) target(%dma_start3A_144 : memref<64x128xf32, #tpu.memory_space<hbm>>) target_semaphore(%arg11 : memref<!tpu.dma_semaphore, #tpu.memory_space<semaphore_mem>>)
      %add3A_148 = arith.constant 64 : i32
      %add3A_149 = arith.addi %add3A_113, %add3A_148 : i32
      %le3A_150 = arith.constant 7811 : i32
      %le3A_151 = arith.cmpi sle, %add3A_149, %le3A_150 : i32
      %convert_element_type3A_152 = arith.extui %le3A_151 : i1 to i32
      %cond3A_153 = arith.constant 0 : i32
      %cond3A_154 = arith.cmpi ne, %convert_element_type3A_152, %cond3A_153 : i32
      scf.if %cond3A_154 {
        %add3A_195 = arith.constant 64 : i32
        %add3A_196 = arith.addi %add3A_113, %add3A_195 : i32
        %mul3A_197 = arith.constant 128 : i32
        %mul3A_198 = arith.muli %add3A_196, %mul3A_197 : i32
        %dma_start3A_199 = arith.constant 0 : i32
        %dma_start3A_200 = tpu.memref_slice %arg2[%dma_start3A_199, %mul3A_198] : memref<64x1000000xf32, #tpu.memory_space<hbm>> -> memref<64x128xf32, #tpu.memory_space<hbm>>
        %dma_start3A_201 = arith.constant 0 : i32
        %dma_start3A_202 = tpu.memref_slice %arg2[%dma_start3A_201, %mul3A_198] : memref<64x1000000xf32, #tpu.memory_space<hbm>> -> memref<64x128xf32, #tpu.memory_space<hbm>>
        tpu.enqueue_dma source(%dma_start3A_202 : memref<64x128xf32, #tpu.memory_space<hbm>>) target(%arg5 : memref<64x128xf32, #tpu.memory_space<vmem>>) target_semaphore(%arg9 : memref<!tpu.dma_semaphore, #tpu.memory_space<semaphore_mem>>)
      } else {
      }
      %dma_wait3A_155 = arith.constant 0 : i32
      %dma_wait3A_156 = arith.constant 0 : i32
      %dma_wait3A_157 = tpu.memref_slice %arg2[%dma_wait3A_155, %dma_wait3A_156] : memref<64x1000000xf32, #tpu.memory_space<hbm>> -> memref<64x128xf32, #tpu.memory_space<hbm>>
      %dma_wait3A_158 = arith.constant 0 : i32
      %dma_wait3A_159 = arith.constant 0 : i32
      %dma_wait3A_160 = tpu.memref_slice %arg2[%dma_wait3A_158, %dma_wait3A_159] : memref<64x1000000xf32, #tpu.memory_space<hbm>> -> memref<64x128xf32, #tpu.memory_space<hbm>>
      tpu.wait_dma2 semaphore(%arg10 : memref<!tpu.dma_semaphore, #tpu.memory_space<semaphore_mem>>) src(%dma_wait3A_160 : memref<64x128xf32, #tpu.memory_space<hbm>>) dst(%arg6 : memref<64x128xf32, #tpu.memory_space<vmem>>)
      %dma_wait3A_161 = arith.constant 0 : i32
      %dma_wait3A_162 = arith.constant 0 : i32
      %dma_wait3A_163 = tpu.memref_slice %arg8[%dma_wait3A_161, %dma_wait3A_162] : memref<64x128xf32, #tpu.memory_space<vmem>> -> memref<64x128xf32, #tpu.memory_space<vmem>>
      %dma_wait3A_164 = arith.constant 500000 : i32
      %dma_wait3A_165 = arith.constant 0 : i32
      %dma_wait3A_166 = tpu.memref_slice %arg4[%dma_wait3A_164, %dma_wait3A_165] : memref<504096x128xf32, #tpu.memory_space<hbm>> -> memref<64x128xf32, #tpu.memory_space<hbm>>
      %dma_wait3A_167 = arith.constant 500000 : i32
      %dma_wait3A_168 = arith.constant 0 : i32
      %dma_wait3A_169 = tpu.memref_slice %arg4[%dma_wait3A_167, %dma_wait3A_168] : memref<504096x128xf32, #tpu.memory_space<hbm>> -> memref<64x128xf32, #tpu.memory_space<hbm>>
      %dma_wait3A_170 = arith.constant 0 : i32
      %dma_wait3A_171 = arith.constant 0 : i32
      %dma_wait3A_172 = tpu.memref_slice %arg8[%dma_wait3A_170, %dma_wait3A_171] : memref<64x128xf32, #tpu.memory_space<vmem>> -> memref<64x128xf32, #tpu.memory_space<vmem>>
      tpu.wait_dma2 semaphore(%arg12 : memref<!tpu.dma_semaphore, #tpu.memory_space<semaphore_mem>>) src(%dma_wait3A_172 : memref<64x128xf32, #tpu.memory_space<vmem>>) dst(%dma_wait3A_169 : memref<64x128xf32, #tpu.memory_space<hbm>>)
      %parallel_loop3A_173 = arith.constant 0 : i32
      %parallel_loop3A_174 = arith.constant 64 : i32
      %parallel_loop3A_175 = arith.constant 1 : i32
      scf.for %parallel_loop3A_195 = %parallel_loop3A_173 to %parallel_loop3A_174 step %parallel_loop3A_175  : i32 {
        %parallel_loop3A_196 = arith.constant 2 : i32
        %parallel_loop3A_197 = arith.muli %parallel_loop3A_196, %parallel_loop3A_195 : i32
        %parallel_loop3A_198 = arith.constant 0 : i32
        %parallel_loop3A_199 = arith.addi %parallel_loop3A_197, %parallel_loop3A_198 : i32
        %parallel_loop3A_200 = vector.broadcast %parallel_loop3A_199 : i32 to vector<16xi32>
        %parallel_loop3A_201 = tpu.vector_load_idx %arg6[%add3A_3, %parallel_loop3A_200] : memref<64x128xf32, #tpu.memory_space<vmem>>[vector<16xi32>, vector<16xi32>], vector<16xf32>,
        %parallel_loop3A_202 = arith.index_cast %parallel_loop3A_195 : i32 to index
        %parallel_loop3A_203 = arith.constant 0 : index
        %parallel_loop3A_204 = tpu.vector_load %arg8[%parallel_loop3A_202, %parallel_loop3A_203] {strides = array<i32>} : memref<64x128xf32, #tpu.memory_space<vmem>>, vector<16xf32>,
        tpu.vector_store %arg8[%parallel_loop3A_202, %parallel_loop3A_203], %parallel_loop3A_201 {strides = array<i32>} : memref<64x128xf32, #tpu.memory_space<vmem>>, vector<16xf32>,
        %parallel_loop3A_205 = arith.constant 2 : i32
        %parallel_loop3A_206 = arith.muli %parallel_loop3A_205, %parallel_loop3A_195 : i32
        %parallel_loop3A_207 = arith.constant 0 : i32
        %parallel_loop3A_208 = arith.addi %parallel_loop3A_206, %parallel_loop3A_207 : i32
        %parallel_loop3A_209 = vector.broadcast %parallel_loop3A_208 : i32 to vector<16xi32>
        %parallel_loop3A_210 = tpu.vector_load_idx %arg6[%add3A_7, %parallel_loop3A_209] : memref<64x128xf32, #tpu.memory_space<vmem>>[vector<16xi32>, vector<16xi32>], vector<16xf32>,
        %parallel_loop3A_211 = arith.index_cast %parallel_loop3A_195 : i32 to index
        %parallel_loop3A_212 = arith.constant 16 : index
        %parallel_loop3A_213 = tpu.vector_load %arg8[%parallel_loop3A_211, %parallel_loop3A_212] {strides = array<i32>} : memref<64x128xf32, #tpu.memory_space<vmem>>, vector<16xf32>,
        tpu.vector_store %arg8[%parallel_loop3A_211, %parallel_loop3A_212], %parallel_loop3A_210 {strides = array<i32>} : memref<64x128xf32, #tpu.memory_space<vmem>>, vector<16xf32>,
        %parallel_loop3A_214 = arith.constant 2 : i32
        %parallel_loop3A_215 = arith.muli %parallel_loop3A_214, %parallel_loop3A_195 : i32
        %parallel_loop3A_216 = arith.constant 0 : i32
        %parallel_loop3A_217 = arith.addi %parallel_loop3A_215, %parallel_loop3A_216 : i32
        %parallel_loop3A_218 = vector.broadcast %parallel_loop3A_217 : i32 to vector<16xi32>
        %parallel_loop3A_219 = tpu.vector_load_idx %arg6[%add3A_11, %parallel_loop3A_218] : memref<64x128xf32, #tpu.memory_space<vmem>>[vector<16xi32>, vector<16xi32>], vector<16xf32>,
        %parallel_loop3A_220 = arith.index_cast %parallel_loop3A_195 : i32 to index
        %parallel_loop3A_221 = arith.constant 32 : index
        %parallel_loop3A_222 = tpu.vector_load %arg8[%parallel_loop3A_220, %parallel_loop3A_221] {strides = array<i32>} : memref<64x128xf32, #tpu.memory_space<vmem>>, vector<16xf32>,
        tpu.vector_store %arg8[%parallel_loop3A_220, %parallel_loop3A_221], %parallel_loop3A_219 {strides = array<i32>} : memref<64x128xf32, #tpu.memory_space<vmem>>, vector<16xf32>,
        %parallel_loop3A_223 = arith.constant 2 : i32
        %parallel_loop3A_224 = arith.muli %parallel_loop3A_223, %parallel_loop3A_195 : i32
        %parallel_loop3A_225 = arith.constant 0 : i32
        %parallel_loop3A_226 = arith.addi %parallel_loop3A_224, %parallel_loop3A_225 : i32
        %parallel_loop3A_227 = vector.broadcast %parallel_loop3A_226 : i32 to vector<16xi32>
        %parallel_loop3A_228 = tpu.vector_load_idx %arg6[%add3A_15, %parallel_loop3A_227] : memref<64x128xf32, #tpu.memory_space<vmem>>[vector<16xi32>, vector<16xi32>], vector<16xf32>,
        %parallel_loop3A_229 = arith.index_cast %parallel_loop3A_195 : i32 to index
        %parallel_loop3A_230 = arith.constant 48 : index
        %parallel_loop3A_231 = tpu.vector_load %arg8[%parallel_loop3A_229, %parallel_loop3A_230] {strides = array<i32>} : memref<64x128xf32, #tpu.memory_space<vmem>>, vector<16xf32>,
        tpu.vector_store %arg8[%parallel_loop3A_229, %parallel_loop3A_230], %parallel_loop3A_228 {strides = array<i32>} : memref<64x128xf32, #tpu.memory_space<vmem>>, vector<16xf32>,
        %parallel_loop3A_232 = arith.constant 2 : i32
        %parallel_loop3A_233 = arith.muli %parallel_loop3A_232, %parallel_loop3A_195 : i32
        %parallel_loop3A_234 = arith.constant 1 : i32
        %parallel_loop3A_235 = arith.addi %parallel_loop3A_233, %parallel_loop3A_234 : i32
        %parallel_loop3A_236 = vector.broadcast %parallel_loop3A_235 : i32 to vector<16xi32>
        %parallel_loop3A_237 = tpu.vector_load_idx %arg6[%add3A_3, %parallel_loop3A_236] : memref<64x128xf32, #tpu.memory_space<vmem>>[vector<16xi32>, vector<16xi32>], vector<16xf32>,
        %parallel_loop3A_238 = arith.index_cast %parallel_loop3A_195 : i32 to index
        %parallel_loop3A_239 = arith.constant 64 : index
        %parallel_loop3A_240 = tpu.vector_load %arg8[%parallel_loop3A_238, %parallel_loop3A_239] {strides = array<i32>} : memref<64x128xf32, #tpu.memory_space<vmem>>, vector<16xf32>,
        tpu.vector_store %arg8[%parallel_loop3A_238, %parallel_loop3A_239], %parallel_loop3A_237 {strides = array<i32>} : memref<64x128xf32, #tpu.memory_space<vmem>>, vector<16xf32>,
        %parallel_loop3A_241 = arith.constant 2 : i32
        %parallel_loop3A_242 = arith.muli %parallel_loop3A_241, %parallel_loop3A_195 : i32
        %parallel_loop3A_243 = arith.constant 1 : i32
        %parallel_loop3A_244 = arith.addi %parallel_loop3A_242, %parallel_loop3A_243 : i32
        %parallel_loop3A_245 = vector.broadcast %parallel_loop3A_244 : i32 to vector<16xi32>
        %parallel_loop3A_246 = tpu.vector_load_idx %arg6[%add3A_7, %parallel_loop3A_245] : memref<64x128xf32, #tpu.memory_space<vmem>>[vector<16xi32>, vector<16xi32>], vector<16xf32>,
        %parallel_loop3A_247 = arith.index_cast %parallel_loop3A_195 : i32 to index
        %parallel_loop3A_248 = arith.constant 80 : index
        %parallel_loop3A_249 = tpu.vector_load %arg8[%parallel_loop3A_247, %parallel_loop3A_248] {strides = array<i32>} : memref<64x128xf32, #tpu.memory_space<vmem>>, vector<16xf32>,
        tpu.vector_store %arg8[%parallel_loop3A_247, %parallel_loop3A_248], %parallel_loop3A_246 {strides = array<i32>} : memref<64x128xf32, #tpu.memory_space<vmem>>, vector<16xf32>,
        %parallel_loop3A_250 = arith.constant 2 : i32
        %parallel_loop3A_251 = arith.muli %parallel_loop3A_250, %parallel_loop3A_195 : i32
        %parallel_loop3A_252 = arith.constant 1 : i32
        %parallel_loop3A_253 = arith.addi %parallel_loop3A_251, %parallel_loop3A_252 : i32
        %parallel_loop3A_254 = vector.broadcast %parallel_loop3A_253 : i32 to vector<16xi32>
        %parallel_loop3A_255 = tpu.vector_load_idx %arg6[%add3A_11, %parallel_loop3A_254] : memref<64x128xf32, #tpu.memory_space<vmem>>[vector<16xi32>, vector<16xi32>], vector<16xf32>,
        %parallel_loop3A_256 = arith.index_cast %parallel_loop3A_195 : i32 to index
        %parallel_loop3A_257 = arith.constant 96 : index
        %parallel_loop3A_258 = tpu.vector_load %arg8[%parallel_loop3A_256, %parallel_loop3A_257] {strides = array<i32>} : memref<64x128xf32, #tpu.memory_space<vmem>>, vector<16xf32>,
        tpu.vector_store %arg8[%parallel_loop3A_256, %parallel_loop3A_257], %parallel_loop3A_255 {strides = array<i32>} : memref<64x128xf32, #tpu.memory_space<vmem>>, vector<16xf32>,
        %parallel_loop3A_259 = arith.constant 2 : i32
        %parallel_loop3A_260 = arith.muli %parallel_loop3A_259, %parallel_loop3A_195 : i32
        %parallel_loop3A_261 = arith.constant 1 : i32
        %parallel_loop3A_262 = arith.addi %parallel_loop3A_260, %parallel_loop3A_261 : i32
        %parallel_loop3A_263 = vector.broadcast %parallel_loop3A_262 : i32 to vector<16xi32>
        %parallel_loop3A_264 = tpu.vector_load_idx %arg6[%add3A_15, %parallel_loop3A_263] : memref<64x128xf32, #tpu.memory_space<vmem>>[vector<16xi32>, vector<16xi32>], vector<16xf32>,
        %parallel_loop3A_265 = arith.index_cast %parallel_loop3A_195 : i32 to index
        %parallel_loop3A_266 = arith.constant 112 : index
        %parallel_loop3A_267 = tpu.vector_load %arg8[%parallel_loop3A_265, %parallel_loop3A_266] {strides = array<i32>} : memref<64x128xf32, #tpu.memory_space<vmem>>, vector<16xf32>,
        tpu.vector_store %arg8[%parallel_loop3A_265, %parallel_loop3A_266], %parallel_loop3A_264 {strides = array<i32>} : memref<64x128xf32, #tpu.memory_space<vmem>>, vector<16xf32>,
      } {sc.loop_unroll_factor = 4 : i64, sc.parallel_access}
      %mul3A_176 = arith.constant 64 : i32
      %mul3A_177 = arith.muli %add3A_115, %mul3A_176 : i32
      %dma_start3A_178 = arith.constant 0 : i32
      %dma_start3A_179 = arith.constant 0 : i32
      %dma_start3A_180 = tpu.memref_slice %arg8[%dma_start3A_178, %dma_start3A_179] : memref<64x128xf32, #tpu.memory_space<vmem>> -> memref<64x128xf32, #tpu.memory_space<vmem>>
      %dma_start3A_181 = arith.constant 0 : i32
      %dma_start3A_182 = tpu.memref_slice %arg4[%mul3A_177, %dma_start3A_181] : memref<504096x128xf32, #tpu.memory_space<hbm>> -> memref<64x128xf32, #tpu.memory_space<hbm>>
      %dma_start3A_183 = arith.constant 0 : i32
      %dma_start3A_184 = tpu.memref_slice %arg4[%mul3A_177, %dma_start3A_183] : memref<504096x128xf32, #tpu.memory_space<hbm>> -> memref<64x128xf32, #tpu.memory_space<hbm>>
      %dma_start3A_185 = arith.constant 0 : i32
      %dma_start3A_186 = arith.constant 0 : i32
      %dma_start3A_187 = tpu.memref_slice %arg8[%dma_start3A_185, %dma_start3A_186] : memref<64x128xf32, #tpu.memory_space<vmem>> -> memref<64x128xf32, #tpu.memory_space<vmem>>
      tpu.enqueue_dma source(%dma_start3A_187 : memref<64x128xf32, #tpu.memory_space<vmem>>) target(%dma_start3A_184 : memref<64x128xf32, #tpu.memory_space<hbm>>) target_semaphore(%arg12 : memref<!tpu.dma_semaphore, #tpu.memory_space<semaphore_mem>>)
      %add3A_188 = arith.constant 64 : i32
      %add3A_189 = arith.addi %add3A_115, %add3A_188 : i32
      %le3A_190 = arith.constant 7811 : i32
      %le3A_191 = arith.cmpi sle, %add3A_189, %le3A_190 : i32
      %convert_element_type3A_192 = arith.extui %le3A_191 : i1 to i32
      %cond3A_193 = arith.constant 0 : i32
      %cond3A_194 = arith.cmpi ne, %convert_element_type3A_192, %cond3A_193 : i32
      scf.if %cond3A_194 {
        %add3A_195 = arith.constant 64 : i32
        %add3A_196 = arith.addi %add3A_115, %add3A_195 : i32
        %mul3A_197 = arith.constant 128 : i32
        %mul3A_198 = arith.muli %add3A_196, %mul3A_197 : i32
        %dma_start3A_199 = arith.constant 0 : i32
        %dma_start3A_200 = tpu.memref_slice %arg2[%dma_start3A_199, %mul3A_198] : memref<64x1000000xf32, #tpu.memory_space<hbm>> -> memref<64x128xf32, #tpu.memory_space<hbm>>
        %dma_start3A_201 = arith.constant 0 : i32
        %dma_start3A_202 = tpu.memref_slice %arg2[%dma_start3A_201, %mul3A_198] : memref<64x1000000xf32, #tpu.memory_space<hbm>> -> memref<64x128xf32, #tpu.memory_space<hbm>>
        tpu.enqueue_dma source(%dma_start3A_202 : memref<64x128xf32, #tpu.memory_space<hbm>>) target(%arg6 : memref<64x128xf32, #tpu.memory_space<vmem>>) target_semaphore(%arg10 : memref<!tpu.dma_semaphore, #tpu.memory_space<semaphore_mem>>)
      } else {
      }
    }
    %scan3A_78 = arith.constant 122 : i32
    %le3A = arith.constant 3 : i32
    %le3A_79 = arith.cmpi sle, %add3A, %le3A : i32
    %convert_element_type3A = arith.extui %le3A_79 : i1 to i32
    %cond3A = arith.constant 0 : i32
    %cond3A_80 = arith.cmpi ne, %convert_element_type3A, %cond3A : i32
    scf.if %cond3A_80 {
      %add3A_110 = arith.constant 7808 : i32
      %add3A_111 = arith.addi %add3A, %add3A_110 : i32
      %dma_wait3A_112 = arith.constant 0 : i32
      %dma_wait3A_113 = arith.constant 0 : i32
      %dma_wait3A_114 = tpu.memref_slice %arg2[%dma_wait3A_112, %dma_wait3A_113] : memref<64x1000000xf32, #tpu.memory_space<hbm>> -> memref<64x128xf32, #tpu.memory_space<hbm>>
      %dma_wait3A_115 = arith.constant 0 : i32
      %dma_wait3A_116 = arith.constant 0 : i32
      %dma_wait3A_117 = tpu.memref_slice %arg2[%dma_wait3A_115, %dma_wait3A_116] : memref<64x1000000xf32, #tpu.memory_space<hbm>> -> memref<64x128xf32, #tpu.memory_space<hbm>>
      tpu.wait_dma2 semaphore(%arg9 : memref<!tpu.dma_semaphore, #tpu.memory_space<semaphore_mem>>) src(%dma_wait3A_117 : memref<64x128xf32, #tpu.memory_space<hbm>>) dst(%arg5 : memref<64x128xf32, #tpu.memory_space<vmem>>)
      %dma_wait3A_118 = arith.constant 0 : i32
      %dma_wait3A_119 = arith.constant 0 : i32
      %dma_wait3A_120 = tpu.memref_slice %arg7[%dma_wait3A_118, %dma_wait3A_119] : memref<64x128xf32, #tpu.memory_space<vmem>> -> memref<64x128xf32, #tpu.memory_space<vmem>>
      %dma_wait3A_121 = arith.constant 500000 : i32
      %dma_wait3A_122 = arith.constant 0 : i32
      %dma_wait3A_123 = tpu.memref_slice %arg4[%dma_wait3A_121, %dma_wait3A_122] : memref<504096x128xf32, #tpu.memory_space<hbm>> -> memref<64x128xf32, #tpu.memory_space<hbm>>
      %dma_wait3A_124 = arith.constant 500000 : i32
      %dma_wait3A_125 = arith.constant 0 : i32
      %dma_wait3A_126 = tpu.memref_slice %arg4[%dma_wait3A_124, %dma_wait3A_125] : memref<504096x128xf32, #tpu.memory_space<hbm>> -> memref<64x128xf32, #tpu.memory_space<hbm>>
      %dma_wait3A_127 = arith.constant 0 : i32
      %dma_wait3A_128 = arith.constant 0 : i32
      %dma_wait3A_129 = tpu.memref_slice %arg7[%dma_wait3A_127, %dma_wait3A_128] : memref<64x128xf32, #tpu.memory_space<vmem>> -> memref<64x128xf32, #tpu.memory_space<vmem>>
      tpu.wait_dma2 semaphore(%arg11 : memref<!tpu.dma_semaphore, #tpu.memory_space<semaphore_mem>>) src(%dma_wait3A_129 : memref<64x128xf32, #tpu.memory_space<vmem>>) dst(%dma_wait3A_126 : memref<64x128xf32, #tpu.memory_space<hbm>>)
      %parallel_loop3A = arith.constant 0 : i32
      %parallel_loop3A_130 = arith.constant 64 : i32
      %parallel_loop3A_131 = arith.constant 1 : i32
      scf.for %parallel_loop3A_144 = %parallel_loop3A to %parallel_loop3A_130 step %parallel_loop3A_131  : i32 {
        %parallel_loop3A_145 = arith.constant 2 : i32
        %parallel_loop3A_146 = arith.muli %parallel_loop3A_145, %parallel_loop3A_144 : i32
        %parallel_loop3A_147 = arith.constant 0 : i32
        %parallel_loop3A_148 = arith.addi %parallel_loop3A_146, %parallel_loop3A_147 : i32
        %parallel_loop3A_149 = vector.broadcast %parallel_loop3A_148 : i32 to vector<16xi32>
        %parallel_loop3A_150 = tpu.vector_load_idx %arg5[%add3A_3, %parallel_loop3A_149] : memref<64x128xf32, #tpu.memory_space<vmem>>[vector<16xi32>, vector<16xi32>], vector<16xf32>,
        %parallel_loop3A_151 = arith.index_cast %parallel_loop3A_144 : i32 to index
        %parallel_loop3A_152 = arith.constant 0 : index
        %parallel_loop3A_153 = tpu.vector_load %arg7[%parallel_loop3A_151, %parallel_loop3A_152] {strides = array<i32>} : memref<64x128xf32, #tpu.memory_space<vmem>>, vector<16xf32>,
        tpu.vector_store %arg7[%parallel_loop3A_151, %parallel_loop3A_152], %parallel_loop3A_150 {strides = array<i32>} : memref<64x128xf32, #tpu.memory_space<vmem>>, vector<16xf32>,
        %parallel_loop3A_154 = arith.constant 2 : i32
        %parallel_loop3A_155 = arith.muli %parallel_loop3A_154, %parallel_loop3A_144 : i32
        %parallel_loop3A_156 = arith.constant 0 : i32
        %parallel_loop3A_157 = arith.addi %parallel_loop3A_155, %parallel_loop3A_156 : i32
        %parallel_loop3A_158 = vector.broadcast %parallel_loop3A_157 : i32 to vector<16xi32>
        %parallel_loop3A_159 = tpu.vector_load_idx %arg5[%add3A_7, %parallel_loop3A_158] : memref<64x128xf32, #tpu.memory_space<vmem>>[vector<16xi32>, vector<16xi32>], vector<16xf32>,
        %parallel_loop3A_160 = arith.index_cast %parallel_loop3A_144 : i32 to index
        %parallel_loop3A_161 = arith.constant 16 : index
        %parallel_loop3A_162 = tpu.vector_load %arg7[%parallel_loop3A_160, %parallel_loop3A_161] {strides = array<i32>} : memref<64x128xf32, #tpu.memory_space<vmem>>, vector<16xf32>,
        tpu.vector_store %arg7[%parallel_loop3A_160, %parallel_loop3A_161], %parallel_loop3A_159 {strides = array<i32>} : memref<64x128xf32, #tpu.memory_space<vmem>>, vector<16xf32>,
        %parallel_loop3A_163 = arith.constant 2 : i32
        %parallel_loop3A_164 = arith.muli %parallel_loop3A_163, %parallel_loop3A_144 : i32
        %parallel_loop3A_165 = arith.constant 0 : i32
        %parallel_loop3A_166 = arith.addi %parallel_loop3A_164, %parallel_loop3A_165 : i32
        %parallel_loop3A_167 = vector.broadcast %parallel_loop3A_166 : i32 to vector<16xi32>
        %parallel_loop3A_168 = tpu.vector_load_idx %arg5[%add3A_11, %parallel_loop3A_167] : memref<64x128xf32, #tpu.memory_space<vmem>>[vector<16xi32>, vector<16xi32>], vector<16xf32>,
        %parallel_loop3A_169 = arith.index_cast %parallel_loop3A_144 : i32 to index
        %parallel_loop3A_170 = arith.constant 32 : index
        %parallel_loop3A_171 = tpu.vector_load %arg7[%parallel_loop3A_169, %parallel_loop3A_170] {strides = array<i32>} : memref<64x128xf32, #tpu.memory_space<vmem>>, vector<16xf32>,
        tpu.vector_store %arg7[%parallel_loop3A_169, %parallel_loop3A_170], %parallel_loop3A_168 {strides = array<i32>} : memref<64x128xf32, #tpu.memory_space<vmem>>, vector<16xf32>,
        %parallel_loop3A_172 = arith.constant 2 : i32
        %parallel_loop3A_173 = arith.muli %parallel_loop3A_172, %parallel_loop3A_144 : i32
        %parallel_loop3A_174 = arith.constant 0 : i32
        %parallel_loop3A_175 = arith.addi %parallel_loop3A_173, %parallel_loop3A_174 : i32
        %parallel_loop3A_176 = vector.broadcast %parallel_loop3A_175 : i32 to vector<16xi32>
        %parallel_loop3A_177 = tpu.vector_load_idx %arg5[%add3A_15, %parallel_loop3A_176] : memref<64x128xf32, #tpu.memory_space<vmem>>[vector<16xi32>, vector<16xi32>], vector<16xf32>,
        %parallel_loop3A_178 = arith.index_cast %parallel_loop3A_144 : i32 to index
        %parallel_loop3A_179 = arith.constant 48 : index
        %parallel_loop3A_180 = tpu.vector_load %arg7[%parallel_loop3A_178, %parallel_loop3A_179] {strides = array<i32>} : memref<64x128xf32, #tpu.memory_space<vmem>>, vector<16xf32>,
        tpu.vector_store %arg7[%parallel_loop3A_178, %parallel_loop3A_179], %parallel_loop3A_177 {strides = array<i32>} : memref<64x128xf32, #tpu.memory_space<vmem>>, vector<16xf32>,
        %parallel_loop3A_181 = arith.constant 2 : i32
        %parallel_loop3A_182 = arith.muli %parallel_loop3A_181, %parallel_loop3A_144 : i32
        %parallel_loop3A_183 = arith.constant 1 : i32
        %parallel_loop3A_184 = arith.addi %parallel_loop3A_182, %parallel_loop3A_183 : i32
        %parallel_loop3A_185 = vector.broadcast %parallel_loop3A_184 : i32 to vector<16xi32>
        %parallel_loop3A_186 = tpu.vector_load_idx %arg5[%add3A_3, %parallel_loop3A_185] : memref<64x128xf32, #tpu.memory_space<vmem>>[vector<16xi32>, vector<16xi32>], vector<16xf32>,
        %parallel_loop3A_187 = arith.index_cast %parallel_loop3A_144 : i32 to index
        %parallel_loop3A_188 = arith.constant 64 : index
        %parallel_loop3A_189 = tpu.vector_load %arg7[%parallel_loop3A_187, %parallel_loop3A_188] {strides = array<i32>} : memref<64x128xf32, #tpu.memory_space<vmem>>, vector<16xf32>,
        tpu.vector_store %arg7[%parallel_loop3A_187, %parallel_loop3A_188], %parallel_loop3A_186 {strides = array<i32>} : memref<64x128xf32, #tpu.memory_space<vmem>>, vector<16xf32>,
        %parallel_loop3A_190 = arith.constant 2 : i32
        %parallel_loop3A_191 = arith.muli %parallel_loop3A_190, %parallel_loop3A_144 : i32
        %parallel_loop3A_192 = arith.constant 1 : i32
        %parallel_loop3A_193 = arith.addi %parallel_loop3A_191, %parallel_loop3A_192 : i32
        %parallel_loop3A_194 = vector.broadcast %parallel_loop3A_193 : i32 to vector<16xi32>
        %parallel_loop3A_195 = tpu.vector_load_idx %arg5[%add3A_7, %parallel_loop3A_194] : memref<64x128xf32, #tpu.memory_space<vmem>>[vector<16xi32>, vector<16xi32>], vector<16xf32>,
        %parallel_loop3A_196 = arith.index_cast %parallel_loop3A_144 : i32 to index
        %parallel_loop3A_197 = arith.constant 80 : index
        %parallel_loop3A_198 = tpu.vector_load %arg7[%parallel_loop3A_196, %parallel_loop3A_197] {strides = array<i32>} : memref<64x128xf32, #tpu.memory_space<vmem>>, vector<16xf32>,
        tpu.vector_store %arg7[%parallel_loop3A_196, %parallel_loop3A_197], %parallel_loop3A_195 {strides = array<i32>} : memref<64x128xf32, #tpu.memory_space<vmem>>, vector<16xf32>,
        %parallel_loop3A_199 = arith.constant 2 : i32
        %parallel_loop3A_200 = arith.muli %parallel_loop3A_199, %parallel_loop3A_144 : i32
        %parallel_loop3A_201 = arith.constant 1 : i32
        %parallel_loop3A_202 = arith.addi %parallel_loop3A_200, %parallel_loop3A_201 : i32
        %parallel_loop3A_203 = vector.broadcast %parallel_loop3A_202 : i32 to vector<16xi32>
        %parallel_loop3A_204 = tpu.vector_load_idx %arg5[%add3A_11, %parallel_loop3A_203] : memref<64x128xf32, #tpu.memory_space<vmem>>[vector<16xi32>, vector<16xi32>], vector<16xf32>,
        %parallel_loop3A_205 = arith.index_cast %parallel_loop3A_144 : i32 to index
        %parallel_loop3A_206 = arith.constant 96 : index
        %parallel_loop3A_207 = tpu.vector_load %arg7[%parallel_loop3A_205, %parallel_loop3A_206] {strides = array<i32>} : memref<64x128xf32, #tpu.memory_space<vmem>>, vector<16xf32>,
        tpu.vector_store %arg7[%parallel_loop3A_205, %parallel_loop3A_206], %parallel_loop3A_204 {strides = array<i32>} : memref<64x128xf32, #tpu.memory_space<vmem>>, vector<16xf32>,
        %parallel_loop3A_208 = arith.constant 2 : i32
        %parallel_loop3A_209 = arith.muli %parallel_loop3A_208, %parallel_loop3A_144 : i32
        %parallel_loop3A_210 = arith.constant 1 : i32
        %parallel_loop3A_211 = arith.addi %parallel_loop3A_209, %parallel_loop3A_210 : i32
        %parallel_loop3A_212 = vector.broadcast %parallel_loop3A_211 : i32 to vector<16xi32>
        %parallel_loop3A_213 = tpu.vector_load_idx %arg5[%add3A_15, %parallel_loop3A_212] : memref<64x128xf32, #tpu.memory_space<vmem>>[vector<16xi32>, vector<16xi32>], vector<16xf32>,
        %parallel_loop3A_214 = arith.index_cast %parallel_loop3A_144 : i32 to index
        %parallel_loop3A_215 = arith.constant 112 : index
        %parallel_loop3A_216 = tpu.vector_load %arg7[%parallel_loop3A_214, %parallel_loop3A_215] {strides = array<i32>} : memref<64x128xf32, #tpu.memory_space<vmem>>, vector<16xf32>,
        tpu.vector_store %arg7[%parallel_loop3A_214, %parallel_loop3A_215], %parallel_loop3A_213 {strides = array<i32>} : memref<64x128xf32, #tpu.memory_space<vmem>>, vector<16xf32>,
      } {sc.loop_unroll_factor = 4 : i64, sc.parallel_access}
      %mul3A_132 = arith.constant 64 : i32
      %mul3A_133 = arith.muli %add3A_111, %mul3A_132 : i32
      %dma_start3A_134 = arith.constant 0 : i32
      %dma_start3A_135 = arith.constant 0 : i32
      %dma_start3A_136 = tpu.memref_slice %arg7[%dma_start3A_134, %dma_start3A_135] : memref<64x128xf32, #tpu.memory_space<vmem>> -> memref<64x128xf32, #tpu.memory_space<vmem>>
      %dma_start3A_137 = arith.constant 0 : i32
      %dma_start3A_138 = tpu.memref_slice %arg4[%mul3A_133, %dma_start3A_137] : memref<504096x128xf32, #tpu.memory_space<hbm>> -> memref<64x128xf32, #tpu.memory_space<hbm>>
      %dma_start3A_139 = arith.constant 0 : i32
      %dma_start3A_140 = tpu.memref_slice %arg4[%mul3A_133, %dma_start3A_139] : memref<504096x128xf32, #tpu.memory_space<hbm>> -> memref<64x128xf32, #tpu.memory_space<hbm>>
      %dma_start3A_141 = arith.constant 0 : i32
      %dma_start3A_142 = arith.constant 0 : i32
      %dma_start3A_143 = tpu.memref_slice %arg7[%dma_start3A_141, %dma_start3A_142] : memref<64x128xf32, #tpu.memory_space<vmem>> -> memref<64x128xf32, #tpu.memory_space<vmem>>
      tpu.enqueue_dma source(%dma_start3A_143 : memref<64x128xf32, #tpu.memory_space<vmem>>) target(%dma_start3A_140 : memref<64x128xf32, #tpu.memory_space<hbm>>) target_semaphore(%arg11 : memref<!tpu.dma_semaphore, #tpu.memory_space<semaphore_mem>>)
    } else {
    }
    %eq3A = arith.constant 4 : i32
    %eq3A_81 = arith.cmpi eq, %add3A, %eq3A : i32
    %convert_element_type3A_82 = arith.extui %eq3A_81 : i1 to i32
    %cond3A_83 = arith.constant 0 : i32
    %cond3A_84 = arith.cmpi ne, %convert_element_type3A_82, %cond3A_83 : i32
    scf.if %cond3A_84 {
      "tpu.region"() ({
        %run_scoped3A = tpu.sem_alloc : memref<!tpu.dma_semaphore, #tpu.memory_space<semaphore_mem>>
        %dma_start3A_134 = arith.constant 0 : i32
        %dma_start3A_135 = arith.constant 0 : i32
        %dma_start3A_136 = tpu.memref_slice %arg5[%dma_start3A_134, %dma_start3A_135] : memref<64x128xf32, #tpu.memory_space<vmem>> -> memref<32x128xf32, #tpu.memory_space<vmem>>
        %dma_start3A_137 = arith.constant 0 : i32
        %dma_start3A_138 = arith.constant 0 : i32
        %dma_start3A_139 = tpu.memref_slice %arg5[%dma_start3A_137, %dma_start3A_138] : memref<64x128xf32, #tpu.memory_space<vmem>> -> memref<32x128xf32, #tpu.memory_space<vmem>>
        tpu.enqueue_dma source(%arg3 : memref<32x128xf32, #tpu.memory_space<hbm>>) target(%dma_start3A_139 : memref<32x128xf32, #tpu.memory_space<vmem>>) target_semaphore(%run_scoped3A : memref<!tpu.dma_semaphore, #tpu.memory_space<semaphore_mem>>)
        %dma_wait3A_140 = arith.constant 0 : i32
        %dma_wait3A_141 = arith.constant 0 : i32
        %dma_wait3A_142 = tpu.memref_slice %arg5[%dma_wait3A_140, %dma_wait3A_141] : memref<64x128xf32, #tpu.memory_space<vmem>> -> memref<32x128xf32, #tpu.memory_space<vmem>>
        %dma_wait3A_143 = arith.constant 0 : i32
        %dma_wait3A_144 = arith.constant 0 : i32
        %dma_wait3A_145 = tpu.memref_slice %arg5[%dma_wait3A_143, %dma_wait3A_144] : memref<64x128xf32, #tpu.memory_space<vmem>> -> memref<32x128xf32, #tpu.memory_space<vmem>>
        tpu.wait_dma2 semaphore(%run_scoped3A : memref<!tpu.dma_semaphore, #tpu.memory_space<semaphore_mem>>) src(%arg3 : memref<32x128xf32, #tpu.memory_space<hbm>>) dst(%dma_wait3A_145 : memref<32x128xf32, #tpu.memory_space<vmem>>)
        tpu.yield
      }) : () -> ()
      %dma_wait3A_110 = arith.constant 0 : i32
      %dma_wait3A_111 = arith.constant 0 : i32
      %dma_wait3A_112 = tpu.memref_slice %arg7[%dma_wait3A_110, %dma_wait3A_111] : memref<64x128xf32, #tpu.memory_space<vmem>> -> memref<64x128xf32, #tpu.memory_space<vmem>>
      %dma_wait3A_113 = arith.constant 500000 : i32
      %dma_wait3A_114 = arith.constant 0 : i32
      %dma_wait3A_115 = tpu.memref_slice %arg4[%dma_wait3A_113, %dma_wait3A_114] : memref<504096x128xf32, #tpu.memory_space<hbm>> -> memref<64x128xf32, #tpu.memory_space<hbm>>
      %dma_wait3A_116 = arith.constant 500000 : i32
      %dma_wait3A_117 = arith.constant 0 : i32
      %dma_wait3A_118 = tpu.memref_slice %arg4[%dma_wait3A_116, %dma_wait3A_117] : memref<504096x128xf32, #tpu.memory_space<hbm>> -> memref<64x128xf32, #tpu.memory_space<hbm>>
      %dma_wait3A_119 = arith.constant 0 : i32
      %dma_wait3A_120 = arith.constant 0 : i32
      %dma_wait3A_121 = tpu.memref_slice %arg7[%dma_wait3A_119, %dma_wait3A_120] : memref<64x128xf32, #tpu.memory_space<vmem>> -> memref<64x128xf32, #tpu.memory_space<vmem>>
      tpu.wait_dma2 semaphore(%arg11 : memref<!tpu.dma_semaphore, #tpu.memory_space<semaphore_mem>>) src(%dma_wait3A_121 : memref<64x128xf32, #tpu.memory_space<vmem>>) dst(%dma_wait3A_118 : memref<64x128xf32, #tpu.memory_space<hbm>>)
      %dma_start3A_122 = arith.constant 0 : i32
      %dma_start3A_123 = arith.constant 0 : i32
      %dma_start3A_124 = tpu.memref_slice %arg5[%dma_start3A_122, %dma_start3A_123] : memref<64x128xf32, #tpu.memory_space<vmem>> -> memref<32x128xf32, #tpu.memory_space<vmem>>
      %dma_start3A_125 = arith.constant 499968 : i32
      %dma_start3A_126 = arith.constant 0 : i32
      %dma_start3A_127 = tpu.memref_slice %arg4[%dma_start3A_125, %dma_start3A_126] : memref<504096x128xf32, #tpu.memory_space<hbm>> -> memref<32x128xf32, #tpu.memory_space<hbm>>
      %dma_start3A_128 = arith.constant 499968 : i32
      %dma_start3A_129 = arith.constant 0 : i32
      %dma_start3A_130 = tpu.memref_slice %arg4[%dma_start3A_128, %dma_start3A_129] : memref<504096x128xf32, #tpu.memory_space<hbm>> -> memref<32x128xf32, #tpu.memory_space<hbm>>
      %dma_start3A_131 = arith.constant 0 : i32
      %dma_start3A_132 = arith.constant 0 : i32
      %dma_start3A_133 = tpu.memref_slice %arg5[%dma_start3A_131, %dma_start3A_132] : memref<64x128xf32, #tpu.memory_space<vmem>> -> memref<32x128xf32, #tpu.memory_space<vmem>>
      tpu.enqueue_dma source(%dma_start3A_133 : memref<32x128xf32, #tpu.memory_space<vmem>>) target(%dma_start3A_130 : memref<32x128xf32, #tpu.memory_space<hbm>>) target_semaphore(%arg11 : memref<!tpu.dma_semaphore, #tpu.memory_space<semaphore_mem>>)
    } else {
    }
    %le3A_85 = arith.constant 3 : i32
    %le3A_86 = arith.cmpi sle, %add3A, %le3A_85 : i32
    %convert_element_type3A_87 = arith.extui %le3A_86 : i1 to i32
    %cond3A_88 = arith.constant 0 : i32
    %cond3A_89 = arith.cmpi ne, %convert_element_type3A_87, %cond3A_88 : i32
    scf.if %cond3A_89 {
      %dma_wait3A_110 = arith.constant 0 : i32
      %dma_wait3A_111 = arith.constant 0 : i32
      %dma_wait3A_112 = tpu.memref_slice %arg7[%dma_wait3A_110, %dma_wait3A_111] : memref<64x128xf32, #tpu.memory_space<vmem>> -> memref<64x128xf32, #tpu.memory_space<vmem>>
      %dma_wait3A_113 = arith.constant 500000 : i32
      %dma_wait3A_114 = arith.constant 0 : i32
      %dma_wait3A_115 = tpu.memref_slice %arg4[%dma_wait3A_113, %dma_wait3A_114] : memref<504096x128xf32, #tpu.memory_space<hbm>> -> memref<64x128xf32, #tpu.memory_space<hbm>>
      %dma_wait3A_116 = arith.constant 500000 : i32
      %dma_wait3A_117 = arith.constant 0 : i32
      %dma_wait3A_118 = tpu.memref_slice %arg4[%dma_wait3A_116, %dma_wait3A_117] : memref<504096x128xf32, #tpu.memory_space<hbm>> -> memref<64x128xf32, #tpu.memory_space<hbm>>
      %dma_wait3A_119 = arith.constant 0 : i32
      %dma_wait3A_120 = arith.constant 0 : i32
      %dma_wait3A_121 = tpu.memref_slice %arg7[%dma_wait3A_119, %dma_wait3A_120] : memref<64x128xf32, #tpu.memory_space<vmem>> -> memref<64x128xf32, #tpu.memory_space<vmem>>
      tpu.wait_dma2 semaphore(%arg11 : memref<!tpu.dma_semaphore, #tpu.memory_space<semaphore_mem>>) src(%dma_wait3A_121 : memref<64x128xf32, #tpu.memory_space<vmem>>) dst(%dma_wait3A_118 : memref<64x128xf32, #tpu.memory_space<hbm>>)
    } else {
    }
    %eq3A_90 = arith.constant 4 : i32
    %eq3A_91 = arith.cmpi eq, %add3A, %eq3A_90 : i32
    %convert_element_type3A_92 = arith.extui %eq3A_91 : i1 to i32
    %cond3A_93 = arith.constant 0 : i32
    %cond3A_94 = arith.cmpi ne, %convert_element_type3A_92, %cond3A_93 : i32
    scf.if %cond3A_94 {
      %dma_wait3A_110 = arith.constant 0 : i32
      %dma_wait3A_111 = arith.constant 0 : i32
      %dma_wait3A_112 = tpu.memref_slice %arg7[%dma_wait3A_110, %dma_wait3A_111] : memref<64x128xf32, #tpu.memory_space<vmem>> -> memref<32x128xf32, #tpu.memory_space<vmem>>
      %dma_wait3A_113 = arith.constant 500000 : i32
      %dma_wait3A_114 = arith.constant 0 : i32
      %dma_wait3A_115 = tpu.memref_slice %arg4[%dma_wait3A_113, %dma_wait3A_114] : memref<504096x128xf32, #tpu.memory_space<hbm>> -> memref<32x128xf32, #tpu.memory_space<hbm>>
      %dma_wait3A_116 = arith.constant 500000 : i32
      %dma_wait3A_117 = arith.constant 0 : i32
      %dma_wait3A_118 = tpu.memref_slice %arg4[%dma_wait3A_116, %dma_wait3A_117] : memref<504096x128xf32, #tpu.memory_space<hbm>> -> memref<32x128xf32, #tpu.memory_space<hbm>>
      %dma_wait3A_119 = arith.constant 0 : i32
      %dma_wait3A_120 = arith.constant 0 : i32
      %dma_wait3A_121 = tpu.memref_slice %arg7[%dma_wait3A_119, %dma_wait3A_120] : memref<64x128xf32, #tpu.memory_space<vmem>> -> memref<32x128xf32, #tpu.memory_space<vmem>>
      tpu.wait_dma2 semaphore(%arg11 : memref<!tpu.dma_semaphore, #tpu.memory_space<semaphore_mem>>) src(%dma_wait3A_121 : memref<32x128xf32, #tpu.memory_space<vmem>>) dst(%dma_wait3A_118 : memref<32x128xf32, #tpu.memory_space<hbm>>)
    } else {
    }
    %ge3A = arith.constant 5 : i32
    %ge3A_95 = arith.cmpi sge, %add3A, %ge3A : i32
    %convert_element_type3A_96 = arith.extui %ge3A_95 : i1 to i32
    %cond3A_97 = arith.constant 0 : i32
    %cond3A_98 = arith.cmpi ne, %convert_element_type3A_96, %cond3A_97 : i32
    scf.if %cond3A_98 {
      %dma_wait3A_110 = arith.constant 0 : i32
      %dma_wait3A_111 = arith.constant 0 : i32
      %dma_wait3A_112 = tpu.memref_slice %arg7[%dma_wait3A_110, %dma_wait3A_111] : memref<64x128xf32, #tpu.memory_space<vmem>> -> memref<64x128xf32, #tpu.memory_space<vmem>>
      %dma_wait3A_113 = arith.constant 500000 : i32
      %dma_wait3A_114 = arith.constant 0 : i32
      %dma_wait3A_115 = tpu.memref_slice %arg4[%dma_wait3A_113, %dma_wait3A_114] : memref<504096x128xf32, #tpu.memory_space<hbm>> -> memref<64x128xf32, #tpu.memory_space<hbm>>
      %dma_wait3A_116 = arith.constant 500000 : i32
      %dma_wait3A_117 = arith.constant 0 : i32
      %dma_wait3A_118 = tpu.memref_slice %arg4[%dma_wait3A_116, %dma_wait3A_117] : memref<504096x128xf32, #tpu.memory_space<hbm>> -> memref<64x128xf32, #tpu.memory_space<hbm>>
      %dma_wait3A_119 = arith.constant 0 : i32
      %dma_wait3A_120 = arith.constant 0 : i32
      %dma_wait3A_121 = tpu.memref_slice %arg7[%dma_wait3A_119, %dma_wait3A_120] : memref<64x128xf32, #tpu.memory_space<vmem>> -> memref<64x128xf32, #tpu.memory_space<vmem>>
      tpu.wait_dma2 semaphore(%arg11 : memref<!tpu.dma_semaphore, #tpu.memory_space<semaphore_mem>>) src(%dma_wait3A_121 : memref<64x128xf32, #tpu.memory_space<vmem>>) dst(%dma_wait3A_118 : memref<64x128xf32, #tpu.memory_space<hbm>>)
    } else {
    }
    %dma_wait3A = arith.constant 0 : i32
    %dma_wait3A_99 = arith.constant 0 : i32
    %dma_wait3A_100 = tpu.memref_slice %arg8[%dma_wait3A, %dma_wait3A_99] : memref<64x128xf32, #tpu.memory_space<vmem>> -> memref<64x128xf32, #tpu.memory_space<vmem>>
    %dma_wait3A_101 = arith.constant 500000 : i32
    %dma_wait3A_102 = arith.constant 0 : i32
    %dma_wait3A_103 = tpu.memref_slice %arg4[%dma_wait3A_101, %dma_wait3A_102] : memref<504096x128xf32, #tpu.memory_space<hbm>> -> memref<64x128xf32, #tpu.memory_space<hbm>>
    %dma_wait3A_104 = arith.constant 500000 : i32
    %dma_wait3A_105 = arith.constant 0 : i32
    %dma_wait3A_106 = tpu.memref_slice %arg4[%dma_wait3A_104, %dma_wait3A_105] : memref<504096x128xf32, #tpu.memory_space<hbm>> -> memref<64x128xf32, #tpu.memory_space<hbm>>
    %dma_wait3A_107 = arith.constant 0 : i32
    %dma_wait3A_108 = arith.constant 0 : i32
    %dma_wait3A_109 = tpu.memref_slice %arg8[%dma_wait3A_107, %dma_wait3A_108] : memref<64x128xf32, #tpu.memory_space<vmem>> -> memref<64x128xf32, #tpu.memory_space<vmem>>
    tpu.wait_dma2 semaphore(%arg12 : memref<!tpu.dma_semaphore, #tpu.memory_space<semaphore_mem>>) src(%dma_wait3A_109 : memref<64x128xf32, #tpu.memory_space<vmem>>) dst(%dma_wait3A_106 : memref<64x128xf32, #tpu.memory_space<hbm>>)
    return
  }
}

module attributes {stable_mosaic.version = 14 : i64} {
  func.func @_tc_proj_body(%arg0: i32, %arg1: memref<512x64xf32, #tpu.memory_space<vmem>>, %arg2: memref<64x128xf32, #tpu.memory_space<vmem>>, %arg3: memref<1x128xf32, #tpu.memory_space<vmem>>, %arg4: memref<512x128xf32, #tpu.memory_space<vmem>>) attributes {dimension_semantics = [#tpu.dimension_semantics<arbitrary>], iteration_bounds = array<i64: 8>, scalar_prefetch = 0 : i64, scratch_operands = 0 : i64, tpu.core_type = #tpu.core_type<tc>, window_params = [{transform_indices = @transform_0, window_bounds = array<i64: 512, 64>}, {pipeline_mode = #tpu.pipeline_mode<synchronous>, transform_indices = @transform_1, window_bounds = array<i64: 64, 128>}, {pipeline_mode = #tpu.pipeline_mode<synchronous>, transform_indices = @transform_2, window_bounds = array<i64: 1, 128>}, {transform_indices = @transform_3, window_bounds = array<i64: 512, 128>}]} {
    %get3A = arith.constant 0 : index
    %get3A_0 = arith.constant 0 : index
    %get3A_1 = vector.load %arg1[%get3A, %get3A_0] : memref<512x64xf32, #tpu.memory_space<vmem>>, vector<512x64xf32>
    %mul3A = arith.constant 2.000000e-02 : f32
    %mul3A_2 = vector.broadcast %mul3A : f32 to vector<512x64xf32>
    %mul3A_3 = arith.mulf %get3A_1, %mul3A_2 : vector<512x64xf32>
    %get3A_4 = arith.constant 0 : index
    %get3A_5 = arith.constant 0 : index
    %get3A_6 = vector.load %arg2[%get3A_4, %get3A_5] : memref<64x128xf32, #tpu.memory_space<vmem>>, vector<64x128xf32>
    %dot_general3A = arith.constant dense<0.000000e+00> : vector<512x128xf32>
    %dot_general3A_7 = tpu.matmul %mul3A_3, %get3A_6, %dot_general3A {dimension_numbers = #tpu.dot_dimension_numbers<[1], [0], [0], [1], [0, 0, 1, 1], [], []>, transpose_lhs_hint = false} : vector<512x64xf32>, vector<64x128xf32>, vector<512x128xf32> -> vector<512x128xf32>
    %get3A_8 = arith.constant 0 : index
    %get3A_9 = arith.constant 0 : index
    %get3A_10 = vector.load %arg3[%get3A_8, %get3A_9] : memref<1x128xf32, #tpu.memory_space<vmem>>, vector<1x128xf32>
    %add3A = vector.broadcast %get3A_10 : vector<1x128xf32> to vector<512x128xf32>
    %add3A_11 = arith.addf %dot_general3A_7, %add3A : vector<512x128xf32>
    %tanh3A = math.tanh %add3A_11 : vector<512x128xf32>
    %swap3A = arith.constant 0 : index
    %swap3A_12 = arith.constant 0 : index
    %swap3A_13 = vector.load %arg4[%swap3A, %swap3A_12] : memref<512x128xf32, #tpu.memory_space<vmem>>, vector<512x128xf32>
    tpu.vector_store %arg4[%swap3A, %swap3A_12], %tanh3A {strides = array<i32>} : memref<512x128xf32, #tpu.memory_space<vmem>>, vector<512x128xf32>,
    return
  }
  func.func @transform_0(%arg0: i32) -> (i32, i32) {
    %c0_i32 = arith.constant 0 : i32
    %c0_i32_0 = arith.constant 0 : i32
    return %arg0, %c0_i32 : i32, i32
  }
  func.func @transform_1(%arg0: i32) -> (i32, i32) {
    %c0_i32 = arith.constant 0 : i32
    %c0_i32_0 = arith.constant 0 : i32
    %c0_i32_1 = arith.constant 0 : i32
    return %c0_i32, %c0_i32_0 : i32, i32
  }
  func.func @transform_2(%arg0: i32) -> (i32, i32) {
    %c0_i32 = arith.constant 0 : i32
    %c0_i32_0 = arith.constant 0 : i32
    %c0_i32_1 = arith.constant 0 : i32
    return %c0_i32, %c0_i32_0 : i32, i32
  }
  func.func @transform_3(%arg0: i32) -> (i32, i32) {
    %c0_i32 = arith.constant 0 : i32
    %c0_i32_0 = arith.constant 0 : i32
    return %arg0, %c0_i32 : i32, i32
  }
}

</mosaic_0001>

<sc_bundles>
// kernel: kernel.5.cloned.1.call-start
scs
__scs_entry_jumppad:
0x0: {  	(pc) =	sbr.rel $0x88, $3  }
0x1: {  	(tag) =	ssettag $0x0;
	lr =	simm.s32 $0x1  }
0x2: {  	[smem:$0x3F9D] =	sst lr;
	_ =	strace $0xD0000000  }
0x3: {  	_ = 	snop  }
0x4: {  	_ = 	snop  }
0x5: {  	_ = 	snop  }
0x6: {  	_ = 	snop  }
0x7: {  	_ = 	snop  }
__scs_overlays_trampoline_lowered:
0x8: {  	[smem:$0x3FAC] =	sst s0  }
0x9: {  	[smem:$0x3FAD] =	sst s1  }
0xa: {  	[smem:$0x3FAE] =	sst s2  }
0xb: {  	[smem:$0x3FAF] =	sst s3  }
0xc: {  	[smem:$0x3FB0] =	sst s4  }
0xd: {  	[smem:$0x3FB1] =	sst s5  }
0xe: {  	[smem:$0x3FB2] =	sst s6  }
0xf: {  	[smem:$0x3FB3] =	sst s7  }
0x10: {  	[smem:$0x3FB4] =	sst s8  }
0x11: {  	[smem:$0x3FB5] =	sst s9;
	s0 =	simm.s32 @!p0 $0x0  }
0x12: {  	s1 =	sld [smem:$0x3F9B];
	s0 =	simm.s32 @p0 $0x1  }
0x13: {  	[smem:$0x3FB6] =	sst s0;
	s0 =	simm.s32 @!p1 $0x0  }
0x14: {  	s2 =	sld [smem:$0x3F9A];
	s0 =	simm.s32 @p1 $0x1  }
0x15: {  	[smem:$0x3FB7] =	sst s0;
	s0 =	simm.s32 @!p2 $0x0  }
0x16: {  	s3 =	sld [smem:$0x3FDB];
	s0 =	simm.s32 @p2 $0x1  }
0x17: {  	s4 =	simm.s32 $0x1BF5;
	[smem:$0x3FB9] =	sst s0  }
0x18: {  	s0 =	sld [smem:$0x3F9C];
	_ =	swait.ge [sflag:s4], $0x0  }
0x19: {  	s7 =	sld [smem:$0x3F9D]  }
0x1a: {  	s8 =	sadd.s32 $0xFFFFE003, lr  }
0x1b: {  	s9 =	sadd.s32 $0xFFFFFEF7, lr;
	s5 =	simm.s32 $0xFFFFFFFF;
	p2 =	slt.u32 s8, $0xFFFFF086  }
0x1c: {  	p1 =	slt.u32 s9, $0xF7A;
	s5 =	simm.s32 @!p2 $0x0  }
0x1d: {  	s5 =	simm.s32 @p1 $0x1;
	p0 =	seq.s32 s7, s2  }
0x1e: {  	s7 =	smul.u32 @!p0 $0xF7A, s2;
	p2 =	seq.s32 @!p0 s5, $0x0  }
0x1f: {  	s9 =	smul.u32 $0xF7A, s1;
	s8 =	simm.s32 @!p0 $0x1BF5;
	p2 =	por !p2, p0  }
0x20: {  	[sflag:s8] =	ssyncset.s32 @!p0 $0xFFFFF086;
	s6 =	sadd.s32 @!p0 s3, s7;
	s7 =	simm.s32 @!p0 $0x108  }
0x21: {  	s3 =	sadd.s32 s3, s9;
	s6 =	sadd.s32 @!p0 $0x88, s6;
	s7 =	simm.s32 @p2 $0x1082  }
0x22: {  	[simem:s7], [sflag:s8] =	dma.local @!p0 [hbm:s6], $0xF7A  }
0x23: {  	s9 =	sor.u32 $0xD0000000, s2;
	s6 =	simm.s32 $0x108;
	_ =	swait.ge @!p0 [sflag:s8], $0x0  }
0x24: {  	s3 =	sadd.s32 $0x88, s3;
	s6 =	simm.s32 @!p1 $0x1082;
	[sflag:s4] =	ssyncset.s32 $0xFFFFF086  }
0x25: {  	[simem:s6], [sflag:s4] =	dma.local [hbm:s3], $0xF7A  }
0x26: {  	[smem:$0x3F9D] =	sst s1;
	(tag) =	ssettag s2;
	_ =	strace s9  }
0x27: {  	s1 =	sld [smem:$0x3FAD]  }
0x28: {  	s2 =	sld [smem:$0x3FAE]  }
0x29: {  	s4 =	sld [smem:$0x3FB0]  }
0x2a: {  	p0 =	seq.s32 s5, $0x0;
	s5 =	sld [smem:$0x3FB1]  }
0x2b: {  	s6 =	sld [smem:$0x3FB2]  }
0x2c: {  	s7 =	sld [smem:$0x3FB3]  }
0x2d: {  	s3 =	simm.s32 $0x108;
	s8 =	sld [smem:$0x3FB4]  }
0x2e: {  	s3 =	simm.s32 @!p0 $0x1082;
	s9 =	sld [smem:$0x3FB5]  }
0x2f: {  	lr =	sadd.s32 s0, s3;
	s0 =	sld [smem:$0x3FAC]  }
0x30: {  	s3 =	sld [smem:$0x3FAF]  }
0x31: {  	[smem:$0x3FB8] =	sst s10  }
0x32: {  	s10 =	sld [smem:$0x3FB6];
	_ =	sdelay $0x3  }
0x33: {  	p0 =	seq.s32 s10, $0x1;
	s10 =	sld [smem:$0x3FB8];
	_ =	sdelay $0x3  }
0x34: {  	[smem:$0x3FB8] =	sst s10  }
0x35: {  	s10 =	sld [smem:$0x3FB7];
	_ =	sdelay $0x3  }
0x36: {  	p1 =	seq.s32 s10, $0x1;
	s10 =	sld [smem:$0x3FB8];
	_ =	sdelay $0x3  }
0x37: {  	[smem:$0x3FB8] =	sst s10  }
0x38: {  	s10 =	sld [smem:$0x3FB9]  }
0x39: {  	_ = 	snop;
	(pc) =	sbr.ind lr, $3  }
0x3a: {  	_ = 	snop  }
0x3b: {  	_ = 	snop  }
0x3c: {  	p2 =	seq.s32 s10, $0x1;
	s10 =	sld [smem:$0x3FB8]  }
0x3d: {  	_ =	shalt  }
0x3e: {  	_ =	shalt  }
0x3f: {  	_ =	shalt  }
0x40: {  	_ =	shalt  }
0x41: {  	_ =	shalt  }
0x42: {  	_ =	shalt  }
0x43: {  	_ =	shalt  }
0x44: {  	_ =	shalt  }
0x45: {  	_ =	shalt  }
0x46: {  	_ =	shalt  }
0x47: {  	_ =	shalt  }
0x48: {  	_ =	shalt  }
0x49: {  	_ =	shalt  }
0x4a: {  	_ =	shalt  }
0x4b: {  	_ =	shalt  }
0x4c: {  	_ =	shalt  }
0x4d: {  	_ =	shalt  }
0x4e: {  	_ =	shalt  }
0x4f: {  	_ =	shalt  }
0x50: {  	_ =	shalt  }
0x51: {  	_ =	shalt  }
0x52: {  	_ =	shalt  }
0x53: {  	_ =	shalt  }
0x54: {  	_ =	shalt  }
0x55: {  	_ =	shalt  }
0x56: {  	_ =	shalt  }
0x57: {  	_ =	shalt  }
0x58: {  	_ =	shalt  }
0x59: {  	_ =	shalt  }
0x5a: {  	_ =	shalt  }
0x5b: {  	_ =	shalt  }
0x5c: {  	_ =	shalt  }
0x5d: {  	_ =	shalt  }
0x5e: {  	_ =	shalt  }
0x5f: {  	_ =	shalt  }
0x60: {  	_ =	shalt  }
0x61: {  	_ =	shalt  }
0x62: {  	_ =	shalt  }
0x63: {  	_ =	shalt  }
0x64: {  	_ =	shalt  }
0x65: {  	_ =	shalt  }
0x66: {  	_ =	shalt  }
0x67: {  	_ =	shalt  }
0x68: {  	_ =	shalt  }
0x69: {  	_ =	shalt  }
0x6a: {  	_ =	shalt  }
0x6b: {  	_ =	shalt  }
0x6c: {  	_ =	shalt  }
0x6d: {  	_ =	shalt  }
0x6e: {  	_ =	shalt  }
0x6f: {  	_ =	shalt  }
0x70: {  	_ =	shalt  }
0x71: {  	_ =	shalt  }
0x72: {  	_ =	shalt  }
0x73: {  	_ =	shalt  }
0x74: {  	_ =	shalt  }
0x75: {  	_ =	shalt  }
0x76: {  	_ =	shalt  }
0x77: {  	_ =	shalt  }
0x78: {  	_ =	shalt  }
0x79: {  	_ =	shalt  }
0x7a: {  	_ =	shalt  }
0x7b: {  	_ =	shalt  }
0x7c: {  	_ =	shalt  }
0x7d: {  	_ =	shalt  }
0x7e: {  	_ =	shalt  }
0x7f: {  	_ =	shalt  }
0x80: {  	_ =	shalt  }
0x81: {  	_ =	shalt  }
0x82: {  	_ =	shalt  }
0x83: {  	_ =	shalt  }
0x84: {  	_ =	shalt  }
0x85: {  	_ =	shalt  }
0x86: {  	_ =	shalt  }
0x87: {  	_ =	shalt  }
.Lfunc_end0:
.L_simem_size_0:
called_computation_lowered:
.L_overlay_start_0:
0x88: {  	s2 =	sld [smem:$0x3FD9]  }
0x89: {  	s3 =	sld [smem:$0x3FFE];
	_ =	sdelay $0x1  }
0x8a: {  	s1 =	srdreg.scid  }
0x8b: {  	s0 =	sand.u32 $0x1, s1  }
0x8c: {  	s17 =	sshll.u32 s0, $0xA;
	s2 =	sadd.s32 s3, s2  }
0x8d: {  	s2 =	sadd.s32 s2, s17  }
0x8e: {  	[smem:$0x3FC4] =	sst s2  }
0x8f: {  	_ = 	snop  }
0x90: {  	s2 =	sld [smem:$0x3FC8]  }
0x91: {  	s18 =	sld [smem:$0x3FD0];
	(tm) =	ssettm $0x1  }
0x92: {  	s4 =	sld [smem:$0x3FFB];
	_ =	sdelay $0x3  }
0x93: {  	_ =	strace s4  }
0x94: {  	s4 =	sld [smem:$0x3FFC];
	_ =	sdelay $0x3  }
0x95: {  	_ =	strace s4  }
0x96: {  	s4 =	sld [smem:$0x3FFD];
	_ =	sdelay $0x3  }
0x97: {  	_ =	strace s4  }
0x98: {  	_ =	strace $0x8FFFFFFF  }
0x99: {  	s19 =	sld [smem:$0x3FDB];
	_ =	sdelay $0x1  }
0x9a: {  	s5 =	simm.s32 $_scs_section_size  }
0x9b: {  	s6 =	simm.s32 $_size__tile_overlayer_lowered;
	s7 =	simm.s32 $_tile_overlayer_lowered  }
0x9c: {  	s22 =	simm.s32 $0x1BFF;
	s21 =	sshll.u32 s7, $0x1;
	s4 =	sadd.s32 s5, s19  }
0x9d: {  	s8 =	simm.s32 $0x0;
	s20 =	sshll.u32 s6, $0x1;
	s6 =	sadd.s32 s21, s4  }
0x9e: {  	[timem:s8], [sflag:s22] =	dma.local [hbm:s6], s20  }
0x9f: {  	_ =	swait.ge [sflag:s22], s20  }
0xa0: {  	s5 =	ssub.s32 $0x0, s20;
	[sflag:s22] =	ssyncset.done $0x0  }
0xa1: {  	[sflag:s22] =	ssyncadd.s32 s5;
	_ =	sdelay $0x1  }
0xa2: {  	s23 =	simm.s32 $0x1B8B  }
0xa3: {  	_ =	swait.ge [sflag:s23], $0x1  }
0xa4: {  	[sflag:s23] =	ssyncset.done $0x0  }
0xa5: {  	s25 =	simm.s32 $0x1B8E;
	s24 =	sld [smem:$0x3FFE];
	[sflag:s23] =	ssyncadd.s32 $0xFFFFFFFF  }
0xa6: {  	s26 =	simm.s32 $execute0_lowered;
	[smem:$0x3FD2] =	sst s25  }
0xa7: {  	s6 =	sshll.u32 s26, $0x1;
	_ =	strace $0x80000046;
	[dreg:$0x1] =	wrdreg $0xFFFFFFFF  }
0xa8: {  	s28 =	simm.s32 $_size_execute0_lowered;
	s4 =	sadd.s32 s4, s6;
	[dreg:$0x0] =	wrdreg $0x0  }
0xa9: {  	s6 =	sshll.u32 s28, $0x1;
	[dreg:$0x2] =	wrdreg s4  }
0xaa: {  	[dreg:$0x3] =	wrdreg s6  }
0xab: {  	[dreg:$0x4] =	wrdreg $0xC0  }
0xac: {  	_ =	task [dreg:s8], $0x5FFFF  }
0xad: {  	[dreg:$0x1] =	wrdreg $0xFFFFFFFF  }
0xae: {  	[dreg:$0x0] =	wrdreg $0x60  }
0xaf: {  	[dreg:$0x2] =	wrdreg s2  }
0xb0: {  	[dreg:$0x3] =	wrdreg s18  }
0xb1: {  	[dreg:$0x4] =	wrdreg s24  }
0xb2: {  	[dreg:$0x5] =	wrdreg $0x9  }
0xb3: {  	_ =	task.clear_ibuf [dreg:s8], $0x6FFFF;
	_ =	strace $0x90000046  }
0xb4: {  	s29 =	simm.s32 $0x9;
	_ =	strace $0x80000048  }
0xb5: {  	_ =	swait.ge [sflag:s29], $0x1  }
0xb6: {  	[sflag:s29] =	ssyncadd.s32 $0xFFFFFFFF  }
0xb7: {  	_ =	strace $0x90000048  }
0xb8: {  	_ =	sfence  }
0xb9: {  	s30 =	sld [smem:$0x0];
	_ =	sdelay $0x2  }
0xba: {  	s31 =	sshll.u32 s1, $0xD;
	s1 =	sshrl.u32 s1, $0x2  }
0xbb: {  	s3 =	sand.u32 $0x4000, s31;
	s1 =	sadd.s32 s1, s30  }
0xbc: {  	s0 =	sor.u32 s3, s0;
	s1 =	sshll.u32 s1, $0x11  }
0xbd: {  	s0 =	sor.u32 s1, s0  }
0xbe: {  	s0 =	sadd.s32 $0x8F2B, s0  }
0xbf: {  	[sflag:s0] =	ssyncadd.remote.s32 $0x1  }
0xc0: {  	_ =	sfence.sel $0xFFFF  }
0xc1: {  	[dreg:$0x0] =	wrdreg $0xFFFFFFFF;
	(pc) =	sbr.abs _section_cstart, $3  }
0xc2: {  	[dreg:$0x1] =	wrdreg $0xFFFFFFFF  }
0xc3: {  	_ =	task.clear_ibuf [dreg:s8], $0x2FFFF;
	_ =	strace $0x9FFFFFFF  }
0xc4: {  	(tm) =	ssettm $0x7FFFFFFF  }
0xc5: {  	_ =	shalt  }
tec
execute0_lowered:
.L_overlay_start_1:
0x0: {  	(tag) =	ssettag $0x1  }
0x1: {  	s0 =	rddreg [dreg:$0x0]  }
0x2: {  	s1 =	rddreg [dreg:$0x2];
	s3 =	simm.s32 $0x0  }
0x3: {  	s2 =	srdreg.scid;
	s18 =	stileid.u32;
	s16 =	simm.s32 $0x4000  }
0x4: {  	s17 =	simm.s32 $0x6000;
	s20 =	simm.s32 $0x2000;
	s21 =	simm.s32 $0x1  }
0x5: {  	s22 =	simm.s32 $0x3;
	s23 =	simm.s32 $0x2;
	s24 =	simm.s32 $0x4  }
0x6: {  	s25 =	simm.s32 $0x0;
	[smem:$0x7FF] =	sst s3;
	s2 =	sand.u32 $0x1, s2  }
0x7: {  	s4 =	sshll.u32 s18, $0x1;
	s5 =	sadd.s32 $0xE00, s1;
	s10 =	sadd.s32 $0x2000, s0  }
0x8: {  	s11 =	sadd.s32 $0x8E00, s1;
	s14 =	sadd.s32 $0x7A1E00, s1;
	p1 =	sgt.u32 s18, $0x1  }
0x9: {  	_ =	strace $0x80000047;
	s4 =	sor.u32 s2, s4;
	s2 =	ssub.s32 $0x2, s2  }
0xa: {  	s6 =	sshll.u32 s4, $0xB;
	s7 =	sshrl.u32 s2, $0x1;
	s9 =	sshll.u32 s4, $0x7  }
0xb: {  	s12 =	sshll.u32 s4, $0xA;
	p0 =	sne.s32 s4, $0x4;
	s8 =	sadd.s32 s5, s6  }
.Ltmp0:
0xc: {  	s2 =	ssub.s32 s2, s7;
	s7 =	sadd.s32 s0, s9;
	(pc) =	sbr.rel .LBB2_1-.Ltmp0, $4  }
0xd: {  	v0 =	vlaneseq.u32;
	s13 =	sadd.s32 s12, s5;
	s12 =	sadd.s32 $0x3000, s0;
	s6 =	sadd.s32 $0x7A1200, s8  }
0xe: {  	v0 =	vmul.u32 $0x80, v0;
	p2 =	slt.u32 @p0 s4, $0x5;
	s30 =	sadd.s32 $0x7A1600, s8;
	[dreg:$0x4] =	wrdreg s6  }
0xf: {  	v1 =	vimm.f32 $0.0e+00;
	s9 =	sadd.s32 $0x1000, s7;
	s31 =	sadd.s32 $0x7A0000, s13;
	[dreg:$0x5] =	wrdreg s30  }
0x10: {  	v2 =	vor.u32 $0x800, v0;
	v3 =	vor.u32 $0x1000, v0;
	v4 =	vor.u32 $0x1800, v0;
	s15 =	smax.u32 s2, $0x1;
	p2 =	por p2, !p0;
	[dreg:$0x6] =	wrdreg s31  }
.LBB2_15:
0x11: {  	s0 =	simm.s32 @!p0 $0x0;
	s1 =	rddreg [dreg:$0x1]  }
0x12: {  	[tilespmem:s0], [sflag:$0x5] =	stream.linear.gather @!p0 [hbm4b:s1+s0], $0x1000, $0x38;
	[tilespmem:$0x8000] =	vst v63  }
0x13: {  	s1 =	simm.s32 @!p0 $0x5  }
0x14: {  	_ =	swait.ge @!p0 [sflag:s1], $0x1000  }
0x15: {  	[sflag:s1] =	ssyncset.done @!p0 $0x0  }
0x16: {  	[sflag:s1] =	ssyncadd.s32 @!p0 $0xFFFFF000;
	s1 =	simm.s32 @!p0 $0x3  }
0x17: {  	_ =	swait.ge @!p0 [sflag:s1], $0x2000  }
0x18: {  	[sflag:s1] =	ssyncset.done @!p0 $0x0  }
0x19: {  	[sflag:s1] =	ssyncadd.s32 @!p0 $0xFFFFE000  }
0x1a: {  	[hbm4b:s14+s0] =	stream.linear.scatter @!p0 [tilespmem:s0], [sflag:$0x3], $0x1000, $0x38;
	[tilespmem:$0x8000] =	vst v63  }
0x1b: {  	s0 =	simm.s32 @!p1 $0x3  }
0x1c: {  	_ =	swait.ge @!p1 [sflag:s0], $0x2000  }
0x1d: {  	[sflag:s0] =	ssyncset.done @!p1 $0x0  }
0x1e: {  	[sflag:s0] =	ssyncadd.s32 @!p1 $0xFFFFE000;
	s0 =	simm.s32 @!p2 $0x3  }
0x1f: {  	_ =	swait.ge @!p2 [sflag:s0], $0x2000  }
0x20: {  	[sflag:s0] =	ssyncset.done @!p2 $0x0  }
0x21: {  	s25 =	sadd.s32 $0x1, s25;
	[sflag:s0] =	ssyncadd.s32 @!p2 $0xFFFFE000  }
0x22: {  	p3 =	sne.s32 s25, s15;
	_ =	swait.ge @!p0 [sflag:s1], $0x1000  }
.Ltmp1:
0x23: {  	[sflag:s1] =	ssyncset.done @!p0 $0x0;
	(pc) =	sbr.rel @!p3 .LBB2_16-.Ltmp1, $4  }
0x24: {  	[sflag:s1] =	ssyncadd.s32 @!p0 $0xFFFFF000  }
0x25: {  	_ =	swait.ge [sflag:s24], $0x2000  }
0x26: {  	[sflag:s24] =	ssyncset.done $0x0  }
0x27: {  	[sflag:s24] =	ssyncadd.s32 $0xFFFFE000  }
.LBB2_1:
0x28: {  	s0 =	simm.s32 $0x0;
	s1 =	simm.s32 $0x200  }
.LBB2_2:
0x29: {  	p3 =	sne.s32 s1, $0x7E00;
	[tilespmem:s0+$0x4070] =	vst v1  }
0x2a: {  	[tilespmem:s0+$0x4000] =	vst v1  }
0x2b: {  	[tilespmem:s0+$0x4010] =	vst v1  }
.Ltmp2:
0x2c: {  	[tilespmem:s0+$0x4020] =	vst v1;
	(pc) =	sbr.rel @p3 .LBB2_2-.Ltmp2, $4  }
0x2d: {  	[tilespmem:s0+$0x4030] =	vst v1  }
0x2e: {  	[tilespmem:s0+$0x4040] =	vst v1  }
0x2f: {  	[tilespmem:s0+$0x4050] =	vst v1  }
0x30: {  	[tilespmem:s0+$0x4060] =	vst v1;
	s0 =	sshra.s32 s1, $0x2;
	s1 =	sadd.s32 $0x200, s1  }
0x31: {  	[tilespmem:s0+$0x4070] =	vst v1  }
0x32: {  	[tilespmem:s0+$0x4000] =	vst v1  }
0x33: {  	[tilespmem:s0+$0x4010] =	vst v1  }
0x34: {  	[tilespmem:s0+$0x4020] =	vst v1  }
0x35: {  	[tilespmem:s0+$0x4030] =	vst v1  }
0x36: {  	[tilespmem:s0+$0x4040] =	vst v1  }
0x37: {  	[tilespmem:s0+$0x4050] =	vst v1  }
0x38: {  	[tilespmem:s0+$0x4060] =	vst v1;
	s0 =	simm.s32 $0x0;
	s1 =	simm.s32 $0x200  }
.LBB2_4:
0x39: {  	p3 =	sne.s32 s1, $0x7E00;
	[tilespmem:s0+$0x6070] =	vst v1  }
0x3a: {  	[tilespmem:s0+$0x6000] =	vst v1  }
0x3b: {  	[tilespmem:s0+$0x6010] =	vst v1  }
.Ltmp3:
0x3c: {  	[tilespmem:s0+$0x6020] =	vst v1;
	(pc) =	sbr.rel @p3 .LBB2_4-.Ltmp3, $4  }
0x3d: {  	[tilespmem:s0+$0x6030] =	vst v1  }
0x3e: {  	[tilespmem:s0+$0x6040] =	vst v1  }
0x3f: {  	[tilespmem:s0+$0x6050] =	vst v1  }
0x40: {  	[tilespmem:s0+$0x6060] =	vst v1;
	s0 =	sshra.s32 s1, $0x2;
	s1 =	sadd.s32 $0x200, s1  }
0x41: {  	[tilespmem:s0+$0x6070] =	vst v1  }
0x42: {  	[tilespmem:s0+$0x6000] =	vst v1  }
0x43: {  	[tilespmem:s0+$0x6010] =	vst v1  }
0x44: {  	[tilespmem:s0+$0x6020] =	vst v1  }
0x45: {  	[tilespmem:s0+$0x6030] =	vst v1  }
0x46: {  	[tilespmem:s0+$0x6040] =	vst v1  }
0x47: {  	[tilespmem:s0+$0x6050] =	vst v1  }
0x48: {  	[tilespmem:s0+$0x6060] =	vst v1;
	s26 =	simm.s32 $0x0;
	s29 =	rddreg [dreg:$0x4]  }
0x49: {  	[hbm4b:s29+s26] =	stream.linear.scatter [tilespmem:s16], [sflag:$0x3], $0x2000, $0x38;
	[tilespmem:$0x8000] =	vst v63  }
0x4a: {  	s30 =	rddreg [dreg:$0x5]  }
0x4b: {  	[hbm4b:s30+s26] =	stream.linear.scatter [tilespmem:s17], [sflag:$0x4], $0x2000, $0x38;
	[tilespmem:$0x8000] =	vst v63  }
0x4c: {  	s31 =	simm.s32 $0x400;
	s1 =	simm.s32 $0x7A1400  }
0x4d: {  	[tilespmem:s26], [sflag:$0x1] =	stream.strided.gather [hbm4b:s7+s31], $0x2000, s1, s31, $0x38;
	[tilespmem:$0x8000] =	vst v63  }
0x4e: {  	s28 =	simm.s32 $0x0  }
0x4f: {  	[tilespmem:s20], [sflag:$0x2] =	stream.strided.gather [hbm4b:s9+s31], $0x2000, s1, s31, $0x38;
	[tilespmem:$0x8000] =	vst v63  }
.LBB2_6:
0x50: {  	s0 =	simm.s32 $0x2;
	v6 =	vmov s26  }
0x51: {  	v5 =	vmov s0;
	v6 =	vand.u32 $0x78, v6  }
0x52: {  	v5 =	vand.u32 $0x7A, v5;
	v6 =	vbroadcast v6, $0x0  }
0x53: {  	_ =	swait.ge [sflag:s21], $0x2000;
	v5 =	vbroadcast v5, $0x0  }
0x54: {  	[sflag:s21] =	ssyncset.done $0x0;
	v8 =	vor.u32 v0, v6  }
0x55: {  	[sflag:s21] =	ssyncadd.s32 $0xFFFFE000;
	v7 =	vor.u32 v0, v5  }
0x56: {  	_ =	swait.ge [sflag:s22], $0x2000  }
0x57: {  	s2 =	simm.s32 $0x4;
	[sflag:s22] =	ssyncset.done $0x0  }
0x58: {  	v9 =	vmov s2;
	[sflag:s22] =	ssyncadd.s32 $0xFFFFE000  }
0x59: {  	v9 =	vand.u32 $0x7C, v9;
	v8 =	vld.idx.msk [tilespmem:v8+s3+$0x0], $0xffff  }
0x5a: {  	v10 =	vbroadcast v9, $0x0;
	v12 =	vor.u32 v2, v6;
	v7 =	vld.idx.msk [tilespmem:v7+s3+$0x0], $0xffff  }
0x5b: {  	v9 =	vor.u32 v2, v5  }
0x5c: {  	v11 =	vor.u32 v0, v10  }
0x5d: {  	s30 =	simm.s32 $0x4100  }
0x5e: {  	[tilespmem:s30+$0xFFFFFF00] =	vst v8  }
0x5f: {  	[tilespmem:s30+$0xFFFFFF80] =	vst v7;
	v12 =	vld.idx.msk [tilespmem:v12+s3+$0x0], $0xffff  }
0x60: {  	s6 =	simm.s32 $0x6;
	v15 =	vor.u32 v3, v6;
	v7 =	vld.idx.msk [tilespmem:v9+s3+$0x0], $0xffff  }
0x61: {  	s8 =	simm.s32 $0xA;
	v8 =	vmov s6;
	v9 =	vld.idx.msk [tilespmem:v11+s3+$0x0], $0xffff;
	v11 =	vor.u32 v3, v5  }
0x62: {  	v14 =	vmov s8;
	v13 =	vor.u32 v2, v10;
	v8 =	vand.u32 $0x7E, v8  }
0x63: {  	v16 =	vbroadcast v8, $0x0;
	v8 =	vand.u32 $0x7A, v14  }
0x64: {  	v14 =	vbroadcast v8, $0x0;
	[tilespmem:s30+$0xFFFFFF10] =	vst v12  }
0x65: {  	s0 =	simm.s32 $0x8;
	[tilespmem:s30+$0xFFFFFF90] =	vst v7;
	v7 =	vor.u32 v0, v16;
	v15 =	vld.idx.msk [tilespmem:v15+s3+$0x0], $0xffff  }
0x66: {  	[tilespmem:s30+$0x0] =	vst v9;
	v9 =	vmov s0;
	v8 =	vld.idx.msk [tilespmem:v11+s3+$0x0], $0xffff;
	v11 =	vor.u32 v0, v14  }
0x67: {  	v6 =	vor.u32 v4, v6;
	v13 =	vld.idx.msk [tilespmem:v13+s3+$0x0], $0xffff;
	v9 =	vand.u32 $0x78, v9  }
0x68: {  	s2 =	simm.s32 $0xC;
	v5 =	vor.u32 v4, v5;
	v17 =	vbroadcast v9, $0x0  }
0x69: {  	s1 =	simm.s32 $0x3;
	v18 =	vmov s2;
	v12 =	vor.u32 v3, v10  }
0x6a: {  	v18 =	vand.u32 $0x7C, v18;
	v9 =	vmov s1;
	v19 =	vor.u32 v0, v17;
	v7 =	vld.idx.msk [tilespmem:v7+s3+$0x0], $0xffff;
	[tilespmem:s30+$0xFFFFFF20] =	vst v15  }
0x6b: {  	s13 =	simm.s32 $0x1;
	v20 =	vor.u32 v2, v16;
	v9 =	vand.u32 $0x7B, v9;
	[tilespmem:s30+$0xFFFFFFA0] =	vst v8;
	v8 =	vbroadcast v18, $0x0;
	v11 =	vld.idx.msk [tilespmem:v11+s3+$0x0], $0xffff  }
0x6c: {  	v21 =	vbroadcast v9, $0x0;
	v18 =	vmov s13;
	[tilespmem:s30+$0x10] =	vst v13;
	v13 =	vor.u32 v2, v14;
	v6 =	vld.idx.msk [tilespmem:v6+s3+$0x0], $0xffff  }
0x6d: {  	v5 =	vld.idx.msk [tilespmem:v5+s3+$0x0], $0xffff;
	v9 =	vand.u32 $0x79, v18;
	v15 =	vor.u32 v0, v8  }
0x6e: {  	v12 =	vld.idx.msk [tilespmem:v12+s3+$0x0], $0xffff;
	v18 =	vor.u32 v0, v21;
	v9 =	vbroadcast v9, $0x0  }
0x6f: {  	s29 =	simm.s32 $0x4300;
	v10 =	vor.u32 v4, v10;
	v19 =	vld.idx.msk [tilespmem:v19+s3+$0x0], $0xffff;
	[tilespmem:s30+$0x80] =	vst v7  }
0x70: {  	v22 =	vor.u32 v0, v9;
	[tilespmem:s29+$0xFFFFFF80] =	vst v11;
	v7 =	vld.idx.msk [tilespmem:v20+s3+$0x0], $0xffff  }
0x71: {  	v11 =	vor.u32 v2, v17;
	v13 =	vld.idx.msk [tilespmem:v13+s3+$0x0], $0xffff  }
0x72: {  	v20 =	vor.u32 v3, v16;
	[tilespmem:s30+$0xFFFFFFB0] =	vst v5;
	v5 =	vld.idx.msk [tilespmem:v15+s3+$0x0], $0xffff  }
0x73: {  	[tilespmem:s30+$0x20] =	vst v12;
	v15 =	vor.u32 v3, v14;
	v18 =	vld.idx.msk [tilespmem:v18+s3+$0x0], $0xffff  }
0x74: {  	[tilespmem:s30+$0xFFFFFF30] =	vst v6;
	v6 =	vor.u32 v2, v8;
	v10 =	vld.idx.msk [tilespmem:v10+s3+$0x0], $0xffff  }
0x75: {  	v23 =	vor.u32 v2, v21;
	[tilespmem:s29+$0xFFFFFF00] =	vst v19;
	v22 =	vld.idx.msk [tilespmem:v22+s3+$0x0], $0xffff  }
0x76: {  	v19 =	vor.u32 v2, v9;
	v11 =	vld.idx.msk [tilespmem:v11+s3+$0x0], $0xffff;
	[tilespmem:s30+$0x90] =	vst v7  }
0x77: {  	s18 =	simm.s32 $0xE;
	s6 =	simm.s32 $0x12;
	[tilespmem:s29+$0xFFFFFF90] =	vst v13;
	v7 =	vld.idx.msk [tilespmem:v20+s3+$0x0], $0xffff;
	v13 =	vor.u32 v3, v17  }
0x78: {  	s19 =	simm.s32 $0x7;
	v12 =	vmov s6;
	[tilespmem:s29+$0x0] =	vst v5;
	v5 =	vld.idx.msk [tilespmem:v15+s3+$0x0], $0xffff;
	v15 =	vor.u32 v4, v16;
	v16 =	vmov s18  }
0x79: {  	v14 =	vor.u32 v4, v14;
	[tilespmem:s30+$0xFFFFFFC0] =	vst v18;
	v18 =	vmov s19;
	v6 =	vld.idx.msk [tilespmem:v6+s3+$0x0], $0xffff;
	v16 =	vand.u32 $0x7E, v16  }
0x7a: {  	s31 =	simm.s32 $0xB;
	v20 =	vld.idx.msk [tilespmem:v23+s3+$0x0], $0xffff;
	v18 =	vand.u32 $0x7F, v18;
	v23 =	vor.u32 v3, v8;
	[tilespmem:s30+$0xFFFFFF40] =	vst v22;
	v16 =	vbroadcast v16, $0x0  }
0x7b: {  	s1 =	simm.s32 $0x10;
	v22 =	vmov s31;
	v24 =	vbroadcast v18, $0x0;
	v18 =	vor.u32 v3, v21;
	v19 =	vld.idx.msk [tilespmem:v19+s3+$0x0], $0xffff;
	[tilespmem:s29+$0xFFFFFF10] =	vst v11  }
0x7c: {  	v11 =	vand.u32 $0x7B, v22;
	v13 =	vld.idx.msk [tilespmem:v13+s3+$0x0], $0xffff;
	[tilespmem:s30+$0xA0] =	vst v7;
	v22 =	vor.u32 v0, v16;
	v7 =	vmov s1  }
0x7d: {  	v11 =	vbroadcast v11, $0x0;
	[tilespmem:s29+$0xFFFFFFA0] =	vst v5;
	v5 =	vld.idx.msk [tilespmem:v15+s3+$0x0], $0xffff;
	v15 =	vor.u32 v4, v17;
	v7 =	vand.u32 $0x78, v7  }
0x7e: {  	s8 =	simm.s32 $0x14;
	v17 =	vor.u32 v0, v24;
	v14 =	vld.idx.msk [tilespmem:v14+s3+$0x0], $0xffff;
	[tilespmem:s29+$0x10] =	vst v6;
	v7 =	vbroadcast v7, $0x0;
	v6 =	vand.u32 $0x7A, v12  }
0x7f: {  	s13 =	simm.s32 $0x5;
	v25 =	vor.u32 v0, v11;
	v12 =	vmov s8;
	[tilespmem:s30+$0xFFFFFFD0] =	vst v20;
	v27 =	vld.idx.msk [tilespmem:v23+s3+$0x0], $0xffff;
	v20 =	vbroadcast v6, $0x0  }
0x80: {  	v6 =	vand.u32 $0x7C, v12;
	v12 =	vmov s13;
	v18 =	vld.idx.msk [tilespmem:v18+s3+$0x0], $0xffff;
	v23 =	vor.u32 v0, v7  }
0x81: {  	s18 =	simm.s32 $0x9;
	v21 =	vor.u32 v4, v21;
	v6 =	vbroadcast v6, $0x0;
	v12 =	vand.u32 $0x7D, v12;
	[tilespmem:s29+$0xFFFFFF20] =	vst v13;
	v22 =	vld.idx.msk [tilespmem:v22+s3+$0x0], $0xffff  }
0x82: {  	v13 =	vor.u32 v0, v20;
	v26 =	vbroadcast v12, $0x0;
	[tilespmem:s30+$0xB0] =	vst v5;
	v15 =	vld.idx.msk [tilespmem:v15+s3+$0x0], $0xffff;
	v5 =	vmov s18  }
0x83: {  	v12 =	vor.u32 v0, v6;
	[tilespmem:s29+$0xFFFFFFB0] =	vst v14;
	v5 =	vand.u32 $0x79, v5;
	v17 =	vld.idx.msk [tilespmem:v17+s3+$0x0], $0xffff  }
0x84: {  	[tilespmem:s30+$0x30] =	vst v10;
	v14 =	vor.u32 v0, v26;
	v5 =	vbroadcast v5, $0x0;
	v25 =	vld.idx.msk [tilespmem:v25+s3+$0x0], $0xffff  }
0x85: {  	[tilespmem:s30+$0xFFFFFFE0] =	vst v18;
	v10 =	vld.idx.msk [tilespmem:v23+s3+$0x0], $0xffff;
	v23 =	vor.u32 v2, v24  }
0x86: {  	[tilespmem:s30+$0xFFFFFF50] =	vst v19;
	v21 =	vld.idx.msk [tilespmem:v21+s3+$0x0], $0xffff;
	v28 =	vor.u32 v0, v5  }
0x87: {  	v19 =	vor.u32 v2, v16;
	v13 =	vld.idx.msk [tilespmem:v13+s3+$0x0], $0xffff;
	[tilespmem:s29+$0x80] =	vst v22  }
0x88: {  	v22 =	vor.u32 v2, v7;
	v12 =	vld.idx.msk [tilespmem:v12+s3+$0x0], $0xffff;
	[tilespmem:s29+$0xFFFFFF30] =	vst v15  }
0x89: {  	v18 =	vor.u32 v2, v20;
	v15 =	vld.idx.msk [tilespmem:v14+s3+$0x0], $0xffff;
	[tilespmem:s30+$0xC0] =	vst v17  }
0x8a: {  	s2 =	simm.s32 $0x4500;
	v14 =	vor.u32 v2, v6;
	[tilespmem:s29+$0xFFFFFFC0] =	vst v25;
	v23 =	vld.idx.msk [tilespmem:v23+s3+$0x0], $0xffff  }
0x8b: {  	v17 =	vor.u32 v2, v26;
	[tilespmem:s2+$0xFFFFFF00] =	vst v10;
	v28 =	vld.idx.msk [tilespmem:v28+s3+$0x0], $0xffff  }
0x8c: {  	v25 =	vor.u32 v2, v11;
	[tilespmem:s2+$0xFFFFFF80] =	vst v13;
	v13 =	vld.idx.msk [tilespmem:v19+s3+$0x0], $0xffff  }
0x8d: {  	[tilespmem:s30+$0xFFFFFFF0] =	vst v21;
	v19 =	vor.u32 v3, v9;
	v22 =	vld.idx.msk [tilespmem:v22+s3+$0x0], $0xffff  }
0x8e: {  	v18 =	vld.idx.msk [tilespmem:v18+s3+$0x0], $0xffff;
	[tilespmem:s2+$0x0] =	vst v12;
	v12 =	vor.u32 v3, v16  }
0x8f: {  	v21 =	vor.u32 v2, v5;
	v14 =	vld.idx.msk [tilespmem:v14+s3+$0x0], $0xffff;
	[tilespmem:s30+$0x40] =	vst v15  }
0x90: {  	v15 =	vor.u32 v3, v20;
	v17 =	vld.idx.msk [tilespmem:v17+s3+$0x0], $0xffff;
	[tilespmem:s30+$0xD0] =	vst v23  }
0x91: {  	v30 =	vor.u32 v3, v7;
	v25 =	vld.idx.msk [tilespmem:v25+s3+$0x0], $0xffff;
	[tilespmem:s29+$0x90] =	vst v13  }
0x92: {  	v10 =	vor.u32 v3, v26;
	v19 =	vld.idx.msk [tilespmem:v19+s3+$0x0], $0xffff;
	[tilespmem:s29+$0xFFFFFF40] =	vst v28  }
0x93: {  	v9 =	vor.u32 v4, v9;
	[tilespmem:s2+$0xFFFFFF10] =	vst v22;
	v29 =	vld.idx.msk [tilespmem:v12+s3+$0x0], $0xffff  }
0x94: {  	v23 =	vor.u32 v3, v24;
	[tilespmem:s2+$0xFFFFFF90] =	vst v18;
	v12 =	vld.idx.msk [tilespmem:v21+s3+$0x0], $0xffff  }
0x95: {  	v63 =	vor.u32 v4, v16;
	v31 =	vor.u32 v4, v20;
	v15 =	vld.idx.msk [tilespmem:v15+s3+$0x0], $0xffff;
	[tilespmem:s30+$0x50] =	vst v17  }
0x96: {  	s19 =	simm.s32 $0x16;
	v16 =	vor.u32 v3, v6;
	v13 =	vor.u32 v3, v11;
	v22 =	vld.idx.msk [tilespmem:v30+s3+$0x0], $0xffff;
	[tilespmem:s29+$0xFFFFFFD0] =	vst v25  }
0x97: {  	s31 =	simm.s32 $0xF;
	v25 =	vor.u32 v4, v8;
	v20 =	vld.idx.msk [tilespmem:v10+s3+$0x0], $0xffff;
	v10 =	vor.u32 v4, v11;
	v11 =	vmov s19;
	[tilespmem:s30+$0xFFFFFF60] =	vst v19  }
0x98: {  	s18 =	simm.s32 $0x13;
	v21 =	vor.u32 v4, v26;
	v8 =	vand.u32 $0x7E, v11;
	v17 =	vld.idx.msk [tilespmem:v9+s3+$0x0], $0xffff;
	v9 =	vmov s31  }
0x99: {  	v18 =	vld.idx.msk [tilespmem:v23+s3+$0x0], $0xffff;
	v23 =	vmov s18;
	v11 =	vbroadcast v8, $0x0;
	[tilespmem:s29+$0xA0] =	vst v29;
	v8 =	vand.u32 $0x7F, v9  }
0x9a: {  	v19 =	vor.u32 v4, v24;
	[tilespmem:s2+$0xFFFFFFA0] =	vst v15;
	v9 =	vand.u32 $0x7B, v23;
	v24 =	vld.idx.msk [tilespmem:v63+s3+$0x0], $0xffff;
	v8 =	vbroadcast v8, $0x0  }
0x9b: {  	s13 =	simm.s32 $0x8;
	[tilespmem:s29+$0x20] =	vst v27;
	s18 =	simm.s32 $0x18;
	v23 =	vld.idx.msk [tilespmem:v31+s3+$0x0], $0xffff;
	v9 =	vbroadcast v9, $0x0;
	v26 =	vor.u32 v0, v11  }
.LBB2_7:
0x9c: {  	v15 =	vmov s18;
	s19 =	sadd.s32 $0x2, s18;
	s13 =	sadd.s32 $0x4, s13;
	v27 =	vor.u32 v4, v7;
	v25 =	vld.idx.msk [tilespmem:v25+s3+$0x0], $0xffff;
	v28 =	vor.u32 v0, v8;
	[tilespmem:s30+$0x60] =	vst v20  }
0x9d: {  	s31 =	sadd.s32 $0x5, s0;
	v7 =	vand.u32 $0x78, v15;
	v15 =	vmov s19;
	s19 =	sadd.s32 $0x4, s18;
	p3 =	slt.u32 s13, $0x3C;
	v20 =	vor.u32 v0, v9;
	[tilespmem:s2+$0x10] =	vst v14;
	v14 =	vld.idx.msk [tilespmem:v21+s3+$0x0], $0xffff  }
0x9e: {  	s0 =	smov.u32 s1;
	s1 =	smov.u32 s18;
	v7 =	vbroadcast v7, $0x0;
	v21 =	vand.u32 $0x7A, v15;
	v29 =	vmov s19;
	v15 =	vld.idx.msk [tilespmem:v16+s3+$0x0], $0xffff;
	[tilespmem:s30+$0xE0] =	vst v18  }
0x9f: {  	v18 =	vbroadcast v21, $0x0;
	v16 =	vand.u32 $0x7C, v29;
	[tilespmem:s2+$0xFFFFFF20] =	vst v22;
	v21 =	vmov s31;
	v19 =	vld.idx.msk [tilespmem:v19+s3+$0x0], $0xffff  }
0xa0: {  	v22 =	vor.u32 v0, v7;
	v29 =	vbroadcast v16, $0x0;
	v13 =	vld.idx.msk [tilespmem:v13+s3+$0x0], $0xffff;
	v16 =	vand.u32 $0x7D, v21;
	[tilespmem:s29+$0xB0] =	vst v24  }
0xa1: {  	s19 =	sadd.s32 $0x1, s0;
	v21 =	vor.u32 v0, v18;
	[tilespmem:s2+$0xFFFFFFB0] =	vst v23;
	v23 =	vld.idx.msk [tilespmem:v26+s3+$0x0], $0xffff;
	v24 =	vbroadcast v16, $0x0  }
0xa2: {  	v16 =	vor.u32 v0, v29;
	v26 =	vld.idx.msk [tilespmem:v27+s3+$0x0], $0xffff;
	v27 =	vmov s19;
	[tilespmem:s29+$0x30] =	vst v25  }
0xa3: {  	v25 =	vand.u32 $0x79, v27;
	v27 =	vor.u32 v0, v24;
	v28 =	vld.idx.msk [tilespmem:v28+s3+$0x0], $0xffff;
	[tilespmem:s30+$0x70] =	vst v14  }
0xa4: {  	v25 =	vbroadcast v25, $0x0;
	v14 =	vld.idx.msk [tilespmem:v20+s3+$0x0], $0xffff;
	v20 =	vor.u32 v2, v9;
	[tilespmem:s30+$0xFFFFFF70] =	vst v17  }
0xa5: {  	v17 =	vld.idx.msk [tilespmem:v22+s3+$0x0], $0xffff;
	v22 =	vor.u32 v2, v8;
	[tilespmem:s30+$0xF0] =	vst v19;
	s30 =	smov.u32 s29;
	s29 =	smov.u32 s2  }
0xa6: {  	v19 =	vld.idx.msk [tilespmem:v21+s3+$0x0], $0xffff;
	v21 =	vor.u32 v0, v25;
	[tilespmem:s30+$0xFFFFFF50] =	vst v12  }
0xa7: {  	v12 =	vld.idx.msk [tilespmem:v16+s3+$0x0], $0xffff;
	v16 =	vor.u32 v2, v11;
	[tilespmem:s30+$0xFFFFFFE0] =	vst v13  }
0xa8: {  	v30 =	vor.u32 v2, v18;
	[tilespmem:s2+$0xFFFFFF30] =	vst v26;
	v26 =	vld.idx.msk [tilespmem:v27+s3+$0x0], $0xffff  }
0xa9: {  	v27 =	vor.u32 v2, v29;
	v10 =	vld.idx.msk [tilespmem:v10+s3+$0x0], $0xffff;
	[tilespmem:s30+$0xC0] =	vst v28  }
0xaa: {  	v28 =	vor.u32 v2, v24;
	[tilespmem:s2+$0xFFFFFFC0] =	vst v14;
	v22 =	vld.idx.msk [tilespmem:v22+s3+$0x0], $0xffff  }
0xab: {  	v13 =	vor.u32 v3, v9;
	s2 =	sadd.s32 $0x200, s2;
	v21 =	vld.idx.msk [tilespmem:v21+s3+$0x0], $0xffff;
	[tilespmem:s29+$0x80] =	vst v23  }
0xac: {  	v23 =	vor.u32 v3, v5;
	[tilespmem:s2+$0xFFFFFF80] =	vst v19;
	v19 =	vld.idx.msk [tilespmem:v16+s3+$0x0], $0xffff  }
0xad: {  	v31 =	vor.u32 v2, v7;
	v30 =	vld.idx.msk [tilespmem:v30+s3+$0x0], $0xffff;
	[tilespmem:s2+$0x0] =	vst v12  }
0xae: {  	v12 =	vor.u32 v3, v11;
	v14 =	vld.idx.msk [tilespmem:v27+s3+$0x0], $0xffff;
	[tilespmem:s30+$0x40] =	vst v26  }
0xaf: {  	v26 =	vor.u32 v3, v18;
	[tilespmem:s30+$0xFFFFFFF0] =	vst v10;
	v27 =	vld.idx.msk [tilespmem:v28+s3+$0x0], $0xffff  }
0xb0: {  	v16 =	vor.u32 v3, v29;
	v28 =	vor.u32 v2, v25;
	v20 =	vld.idx.msk [tilespmem:v20+s3+$0x0], $0xffff;
	[tilespmem:s30+$0xD0] =	vst v22  }
0xb1: {  	v22 =	vor.u32 v3, v24;
	[tilespmem:s2+$0xFFFFFF00] =	vst v17;
	v17 =	vld.idx.msk [tilespmem:v23+s3+$0x0], $0xffff;
	v23 =	vor.u32 v3, v8  }
0xb2: {  	v10 =	vor.u32 v4, v9;
	v31 =	vld.idx.msk [tilespmem:v31+s3+$0x0], $0xffff;
	[tilespmem:s29+$0x90] =	vst v19  }
0xb3: {  	v19 =	vor.u32 v4, v5;
	v5 =	vmov v25;
	[tilespmem:s2+$0xFFFFFF90] =	vst v30;
	v9 =	vld.idx.msk [tilespmem:v12+s3+$0x0], $0xffff  }
0xb4: {  	v30 =	vor.u32 v3, v7;
	v26 =	vld.idx.msk [tilespmem:v26+s3+$0x0], $0xffff;
	[tilespmem:s29+$0xFFFFFF40] =	vst v21  }
0xb5: {  	v12 =	vld.idx.msk [tilespmem:v28+s3+$0x0], $0xffff;
	v28 =	vor.u32 v4, v11;
	[tilespmem:s30+$0x50] =	vst v27  }
0xb6: {  	s19 =	sadd.s32 $0x6, s18;
	v27 =	vor.u32 v4, v18;
	[tilespmem:s29+$0xFFFFFFD0] =	vst v20;
	v20 =	vld.idx.msk [tilespmem:v22+s3+$0x0], $0xffff  }
.Ltmp4:
0xb7: {  	v25 =	vor.u32 v4, v6;
	v6 =	vmovc v29;
	v21 =	vor.u32 v4, v24;
	v11 =	vmov s19;
	s19 =	sadd.s32 $0x7, s0;
	[tilespmem:s30+$0xFFFFFF60] =	vst v17;
	v18 =	vld.idx.msk [tilespmem:v23+s3+$0x0], $0xffff;
	(pc) =	sbr.rel @p3 .LBB2_7-.Ltmp4, $4  }
0xb8: {  	s31 =	sadd.s32 $0x3, s18;
	v11 =	vand.u32 $0x7E, v11;
	v23 =	vmov s19;
	[tilespmem:s2+$0xFFFFFF10] =	vst v31;
	v17 =	vld.idx.msk [tilespmem:v19+s3+$0x0], $0xffff;
	v19 =	vor.u32 v4, v8  }
0xb9: {  	v11 =	vbroadcast v11, $0x0;
	v8 =	vmov s31;
	v22 =	vld.idx.msk [tilespmem:v30+s3+$0x0], $0xffff;
	[tilespmem:s29+$0xA0] =	vst v9;
	v9 =	vand.u32 $0x7F, v23  }
0xba: {  	[tilespmem:s2+$0xFFFFFFA0] =	vst v26;
	v26 =	vand.u32 $0x7B, v8;
	v24 =	vld.idx.msk [tilespmem:v28+s3+$0x0], $0xffff;
	v8 =	vbroadcast v9, $0x0  }
0xbb: {  	s18 =	sadd.s32 $0x8, s18;
	v23 =	vld.idx.msk [tilespmem:v27+s3+$0x0], $0xffff;
	v9 =	vbroadcast v26, $0x0;
	v26 =	vor.u32 v0, v11;
	[tilespmem:s29+$0x20] =	vst v15  }
0xbc: {  	_ =	sdelay $0x3  }
0xbd: {  	v15 =	vld.idx.msk [tilespmem:v26+s3+$0x0], $0xffff  }
0xbe: {  	v26 =	vor.u32 v2, v11  }
0xbf: {  	[tilespmem:s30+$0x60] =	vst v20  }
0xc0: {  	[tilespmem:s2+$0x10] =	vst v14  }
0xc1: {  	v14 =	vld.idx.msk [tilespmem:v25+s3+$0x0], $0xffff;
	s0 =	sadd.s32 $0x5, s0;
	[tilespmem:s30+$0xE0] =	vst v18  }
0xc2: {  	v20 =	vmov s0;
	[tilespmem:s2+$0x80] =	vst v15  }
0xc3: {  	[tilespmem:s29+$0xFFFFFF50] =	vst v12;
	v15 =	vand.u32 $0x7D, v20;
	v20 =	vld.idx.msk [tilespmem:v26+s3+$0x0], $0xffff  }
0xc4: {  	v18 =	vld.idx.msk [tilespmem:v21+s3+$0x0], $0xffff;
	v21 =	vor.u32 v3, v11;
	[tilespmem:s30+$0xFFFFFF70] =	vst v17;
	v15 =	vbroadcast v15, $0x0  }
0xc5: {  	v7 =	vor.u32 v4, v7;
	v19 =	vld.idx.msk [tilespmem:v19+s3+$0x0], $0xffff;
	[tilespmem:s2+$0xFFFFFF20] =	vst v22  }
0xc6: {  	[tilespmem:s29+$0x30] =	vst v14;
	v14 =	vor.u32 v0, v15  }
0xc7: {  	v16 =	vld.idx.msk [tilespmem:v16+s3+$0x0], $0xffff;
	v22 =	vor.u32 v0, v8;
	[tilespmem:s29+$0xB0] =	vst v24  }
0xc8: {  	v13 =	vld.idx.msk [tilespmem:v13+s3+$0x0], $0xffff;
	v6 =	vor.u32 v4, v6;
	[tilespmem:s2+$0x90] =	vst v20  }
0xc9: {  	s6 =	sadd.s32 $0x1, s1;
	s13 =	sadd.s32 $0x5, s1;
	[tilespmem:s30+$0x70] =	vst v18;
	v18 =	vor.u32 v0, v9;
	v17 =	vld.idx.msk [tilespmem:v21+s3+$0x0], $0xffff  }
0xca: {  	v11 =	vor.u32 v4, v11;
	v7 =	vld.idx.msk [tilespmem:v7+s3+$0x0], $0xffff;
	[tilespmem:s30+$0xF0] =	vst v19;
	v19 =	vmov s13;
	v20 =	vmov s6  }
0xcb: {  	s8 =	sadd.s32 $0x7, s1;
	[tilespmem:s2+$0xFFFFFFB0] =	vst v23;
	v20 =	vand.u32 $0x79, v20;
	v12 =	vld.idx.msk [tilespmem:v14+s3+$0x0], $0xffff;
	v14 =	vand.u32 $0x7D, v19  }
0xcc: {  	[tilespmem:s2+$0x20] =	vst v16;
	v21 =	vor.u32 v2, v15;
	v19 =	vld.idx.msk [tilespmem:v22+s3+$0x0], $0xffff;
	v22 =	vmov s8;
	v14 =	vbroadcast v14, $0x0  }
0xcd: {  	[tilespmem:s29+$0xFFFFFFE0] =	vst v13;
	v6 =	vld.idx.msk [tilespmem:v6+s3+$0x0], $0xffff;
	v16 =	vbroadcast v20, $0x0;
	v20 =	vor.u32 v2, v8;
	v13 =	vand.u32 $0x7F, v22  }
0xce: {  	v18 =	vld.idx.msk [tilespmem:v18+s3+$0x0], $0xffff;
	v13 =	vbroadcast v13, $0x0;
	[tilespmem:s2+$0xA0] =	vst v17;
	v17 =	vor.u32 v0, v14  }
0xcf: {  	[tilespmem:s2+$0xFFFFFF30] =	vst v7;
	v22 =	vor.u32 v0, v16;
	v7 =	vld.idx.msk [tilespmem:v11+s3+$0x0], $0xffff  }
0xd0: {  	v10 =	vld.idx.msk [tilespmem:v10+s3+$0x0], $0xffff;
	[tilespmem:s29+$0x40] =	vst v12;
	v11 =	vor.u32 v0, v13  }
0xd1: {  	v12 =	vor.u32 v2, v9;
	[tilespmem:s29+$0xC0] =	vst v19;
	v19 =	vld.idx.msk [tilespmem:v21+s3+$0x0], $0xffff  }
0xd2: {  	[tilespmem:s2+$0x30] =	vst v6;
	v20 =	vld.idx.msk [tilespmem:v20+s3+$0x0], $0xffff;
	v21 =	vor.u32 v3, v15  }
0xd3: {  	v6 =	vor.u32 v3, v5;
	[tilespmem:s2+$0xFFFFFFC0] =	vst v18;
	v17 =	vld.idx.msk [tilespmem:v17+s3+$0x0], $0xffff  }
0xd4: {  	v18 =	vld.idx.msk [tilespmem:v22+s3+$0x0], $0xffff;
	[tilespmem:s2+$0xB0] =	vst v7;
	v7 =	vor.u32 v2, v14  }
0xd5: {  	[tilespmem:s29+$0xFFFFFFF0] =	vst v10;
	v10 =	vor.u32 v2, v16;
	v11 =	vld.idx.msk [tilespmem:v11+s3+$0x0], $0xffff  }
0xd6: {  	v12 =	vld.idx.msk [tilespmem:v12+s3+$0x0], $0xffff;
	[tilespmem:s29+$0x50] =	vst v19;
	v19 =	vor.u32 v2, v13  }
0xd7: {  	[tilespmem:s29+$0xD0] =	vst v20;
	v20 =	vor.u32 v3, v8;
	v21 =	vld.idx.msk [tilespmem:v21+s3+$0x0], $0xffff  }
0xd8: {  	v6 =	vld.idx.msk [tilespmem:v6+s3+$0x0], $0xffff;
	v15 =	vor.u32 v4, v15;
	[tilespmem:s2+$0x40] =	vst v17  }
0xd9: {  	[tilespmem:s2+$0xFFFFFF40] =	vst v18;
	v17 =	vor.u32 v3, v9;
	v7 =	vld.idx.msk [tilespmem:v7+s3+$0x0], $0xffff  }
0xda: {  	v10 =	vld.idx.msk [tilespmem:v10+s3+$0x0], $0xffff;
	[tilespmem:s2+$0xC0] =	vst v11;
	v11 =	vor.u32 v3, v14  }
0xdb: {  	v18 =	vor.u32 v3, v16;
	[tilespmem:s2+$0xFFFFFFD0] =	vst v12;
	v12 =	vld.idx.msk [tilespmem:v19+s3+$0x0], $0xffff  }
0xdc: {  	v19 =	vld.idx.msk [tilespmem:v20+s3+$0x0], $0xffff;
	[tilespmem:s29+$0x60] =	vst v21;
	v20 =	vor.u32 v3, v13  }
0xdd: {  	v5 =	vor.u32 v4, v5;
	[tilespmem:s29+$0xFFFFFF60] =	vst v6;
	v6 =	vld.idx.msk [tilespmem:v15+s3+$0x0], $0xffff  }
0xde: {  	v8 =	vor.u32 v4, v8;
	v15 =	vld.idx.msk [tilespmem:v17+s3+$0x0], $0xffff;
	[tilespmem:s2+$0x50] =	vst v7  }
0xdf: {  	[tilespmem:s2+$0xFFFFFF50] =	vst v10;
	v7 =	vor.u32 v4, v9;
	v9 =	vld.idx.msk [tilespmem:v11+s3+$0x0], $0xffff  }
0xe0: {  	v10 =	vld.idx.msk [tilespmem:v18+s3+$0x0], $0xffff;
	v11 =	vor.u32 v4, v14;
	[tilespmem:s2+$0xD0] =	vst v12  }
0xe1: {  	[tilespmem:s29+$0xE0] =	vst v19;
	v12 =	vor.u32 v4, v16;
	v14 =	vld.idx.msk [tilespmem:v20+s3+$0x0], $0xffff  }
0xe2: {  	v5 =	vld.idx.msk [tilespmem:v5+s3+$0x0], $0xffff;
	[tilespmem:s29+$0x70] =	vst v6;
	v6 =	vor.u32 v4, v13  }
0xe3: {  	v8 =	vld.idx.msk [tilespmem:v8+s3+$0x0], $0xffff;
	[tilespmem:s2+$0xFFFFFFE0] =	vst v15  }
0xe4: {  	v7 =	vld.idx.msk [tilespmem:v7+s3+$0x0], $0xffff;
	[tilespmem:s2+$0x60] =	vst v9  }
0xe5: {  	[tilespmem:s2+$0xFFFFFF60] =	vst v10;
	v9 =	vld.idx.msk [tilespmem:v11+s3+$0x0], $0xffff  }
0xe6: {  	v10 =	vld.idx.msk [tilespmem:v12+s3+$0x0], $0xffff;
	[tilespmem:s2+$0xE0] =	vst v14  }
0xe7: {  	[tilespmem:s29+$0xFFFFFF70] =	vst v5;
	v5 =	vld.idx.msk [tilespmem:v6+s3+$0x0], $0xffff  }
0xe8: {  	s13 =	sshll.u32 s28, $0x6;
	[tilespmem:s29+$0xF0] =	vst v8  }
0xe9: {  	s29 =	sor.u32 s4, s13;
	[tilespmem:s2+$0xFFFFFFF0] =	vst v7  }
0xea: {  	s30 =	sshll.u32 s29, $0xA;
	[tilespmem:s2+$0x70] =	vst v9  }
0xeb: {  	s19 =	simm.s32 $0x2;
	p3 =	sgt.u32 s29, $0x1E43;
	s18 =	sadd.s32 s5, s30;
	[tilespmem:s2+$0xFFFFFF70] =	vst v10  }
0xec: {  	s0 =	sshll.u32 @!p3 s29, $0x7;
	s1 =	simm.s32 @!p3 $0x7A1400;
	s13 =	simm.s32 @!p3 $0x0;
	[tilespmem:s2+$0xF0] =	vst v5  }
0xed: {  	v5 =	vmov s19;
	[hbm4b:s18+s3] =	stream.linear.scatter [tilespmem:s16], [sflag:$0x3], $0x2000, $0x38;
	[tilespmem:$0x8000] =	vst v63  }
0xee: {  	s0 =	sadd.s32 @!p3 s0, s10;
	s2 =	simm.s32 @!p3 $0x400;
	s18 =	simm.s32 $0x0;
	v5 =	vand.u32 $0x7A, v5  }
0xef: {  	v6 =	vmov s18;
	v5 =	vbroadcast v5, $0x0;
	[tilespmem:s13], [sflag:$0x1] =	stream.strided.gather @!p3 [hbm4b:s0+s2], $0x2000, s1, s2, $0x38;
	[tilespmem:$0x8000] =	vst v63  }
0xf0: {  	v6 =	vand.u32 $0x78, v6;
	_ =	swait.ge [sflag:s23], $0x2000  }
0xf1: {  	v6 =	vbroadcast v6, $0x0;
	v7 =	vor.u32 v0, v5;
	[sflag:s23] =	ssyncset.done $0x0  }
0xf2: {  	[sflag:s23] =	ssyncadd.s32 $0xFFFFE000  }
0xf3: {  	s6 =	simm.s32 $0x4;
	v8 =	vor.u32 v0, v6;
	_ =	swait.ge [sflag:s24], $0x2000  }
0xf4: {  	v9 =	vmov s6;
	[sflag:s24] =	ssyncset.done $0x0  }
0xf5: {  	v9 =	vand.u32 $0x7C, v9;
	[sflag:s24] =	ssyncadd.s32 $0xFFFFE000  }
0xf6: {  	v10 =	vbroadcast v9, $0x0;
	v7 =	vld.idx.msk [tilespmem:v7+s20+$0x0], $0xffff  }
0xf7: {  	v9 =	vor.u32 v2, v5  }
0xf8: {  	v11 =	vor.u32 v0, v10;
	v8 =	vld.idx.msk [tilespmem:v8+s20+$0x0], $0xffff  }
0xf9: {  	v12 =	vor.u32 v2, v6  }
0xfa: {  	s0 =	simm.s32 $0x6100  }
0xfb: {  	[tilespmem:s0+$0xFFFFFF80] =	vst v7  }
0xfc: {  	s8 =	simm.s32 $0x6;
	v7 =	vld.idx.msk [tilespmem:v9+s20+$0x0], $0xffff  }
0xfd: {  	s13 =	simm.s32 $0xA;
	v9 =	vld.idx.msk [tilespmem:v11+s20+$0x0], $0xffff;
	v11 =	vor.u32 v3, v5;
	[tilespmem:s0+$0xFFFFFF00] =	vst v8;
	v8 =	vmov s8  }
0xfe: {  	v13 =	vor.u32 v2, v10;
	v14 =	vmov s13;
	v12 =	vld.idx.msk [tilespmem:v12+s20+$0x0], $0xffff;
	v8 =	vand.u32 $0x7E, v8  }
0xff: {  	v15 =	vor.u32 v3, v6;
	v16 =	vbroadcast v8, $0x0;
	v8 =	vand.u32 $0x7A, v14  }
0x100: {  	v14 =	vbroadcast v8, $0x0  }
0x101: {  	s2 =	simm.s32 $0x8;
	[tilespmem:s0+$0xFFFFFF90] =	vst v7;
	v7 =	vor.u32 v0, v16  }
0x102: {  	[tilespmem:s0+$0x0] =	vst v9;
	v9 =	vmov s2;
	v8 =	vld.idx.msk [tilespmem:v11+s20+$0x0], $0xffff;
	v11 =	vor.u32 v0, v14  }
0x103: {  	v5 =	vor.u32 v4, v5;
	v13 =	vld.idx.msk [tilespmem:v13+s20+$0x0], $0xffff;
	[tilespmem:s0+$0xFFFFFF10] =	vst v12;
	v9 =	vand.u32 $0x78, v9  }
0x104: {  	s19 =	simm.s32 $0xC;
	v12 =	vor.u32 v3, v10;
	v15 =	vld.idx.msk [tilespmem:v15+s20+$0x0], $0xffff;
	v17 =	vbroadcast v9, $0x0  }
0x105: {  	v18 =	vmov s19;
	s18 =	simm.s32 $0x3;
	v6 =	vor.u32 v4, v6  }
0x106: {  	v18 =	vand.u32 $0x7C, v18;
	v9 =	vmov s18;
	v19 =	vor.u32 v0, v17;
	v7 =	vld.idx.msk [tilespmem:v7+s20+$0x0], $0xffff  }
0x107: {  	s6 =	simm.s32 $0x1;
	v20 =	vor.u32 v2, v16;
	v9 =	vand.u32 $0x7B, v9;
	[tilespmem:s0+$0xFFFFFFA0] =	vst v8;
	v8 =	vbroadcast v18, $0x0;
	v11 =	vld.idx.msk [tilespmem:v11+s20+$0x0], $0xffff  }
0x108: {  	v21 =	vbroadcast v9, $0x0;
	v18 =	vmov s6;
	[tilespmem:s0+$0x10] =	vst v13;
	v13 =	vor.u32 v2, v14;
	v5 =	vld.idx.msk [tilespmem:v5+s20+$0x0], $0xffff  }
0x109: {  	v9 =	vand.u32 $0x79, v18;
	v12 =	vld.idx.msk [tilespmem:v12+s20+$0x0], $0xffff;
	[tilespmem:s0+$0xFFFFFF20] =	vst v15;
	v15 =	vor.u32 v0, v8  }
0x10a: {  	v18 =	vor.u32 v0, v21;
	v9 =	vbroadcast v9, $0x0;
	v6 =	vld.idx.msk [tilespmem:v6+s20+$0x0], $0xffff  }
0x10b: {  	s31 =	simm.s32 $0x6300;
	v10 =	vor.u32 v4, v10;
	v19 =	vld.idx.msk [tilespmem:v19+s20+$0x0], $0xffff;
	[tilespmem:s0+$0x80] =	vst v7  }
0x10c: {  	v22 =	vor.u32 v0, v9;
	[tilespmem:s31+$0xFFFFFF80] =	vst v11;
	v7 =	vld.idx.msk [tilespmem:v20+s20+$0x0], $0xffff  }
0x10d: {  	v11 =	vor.u32 v2, v17;
	v13 =	vld.idx.msk [tilespmem:v13+s20+$0x0], $0xffff  }
0x10e: {  	v20 =	vor.u32 v3, v16;
	[tilespmem:s0+$0xFFFFFFB0] =	vst v5;
	v5 =	vld.idx.msk [tilespmem:v15+s20+$0x0], $0xffff  }
0x10f: {  	[tilespmem:s0+$0x20] =	vst v12;
	v15 =	vor.u32 v3, v14;
	v18 =	vld.idx.msk [tilespmem:v18+s20+$0x0], $0xffff  }
0x110: {  	[tilespmem:s0+$0xFFFFFF30] =	vst v6;
	v6 =	vor.u32 v2, v8;
	v10 =	vld.idx.msk [tilespmem:v10+s20+$0x0], $0xffff  }
0x111: {  	v23 =	vor.u32 v2, v21;
	[tilespmem:s31+$0xFFFFFF00] =	vst v19;
	v22 =	vld.idx.msk [tilespmem:v22+s20+$0x0], $0xffff  }
0x112: {  	v19 =	vor.u32 v2, v9;
	v11 =	vld.idx.msk [tilespmem:v11+s20+$0x0], $0xffff;
	[tilespmem:s0+$0x90] =	vst v7  }
0x113: {  	s19 =	simm.s32 $0x12;
	s8 =	simm.s32 $0xE;
	[tilespmem:s31+$0xFFFFFF90] =	vst v13;
	v7 =	vld.idx.msk [tilespmem:v20+s20+$0x0], $0xffff;
	v13 =	vor.u32 v3, v17  }
0x114: {  	s13 =	simm.s32 $0x7;
	v12 =	vmov s19;
	[tilespmem:s31+$0x0] =	vst v5;
	v5 =	vld.idx.msk [tilespmem:v15+s20+$0x0], $0xffff;
	v15 =	vor.u32 v4, v16;
	v16 =	vmov s8  }
0x115: {  	v14 =	vor.u32 v4, v14;
	[tilespmem:s0+$0xFFFFFFC0] =	vst v18;
	v18 =	vmov s13;
	v6 =	vld.idx.msk [tilespmem:v6+s20+$0x0], $0xffff;
	v16 =	vand.u32 $0x7E, v16  }
0x116: {  	s18 =	simm.s32 $0xB;
	v20 =	vld.idx.msk [tilespmem:v23+s20+$0x0], $0xffff;
	v18 =	vand.u32 $0x7F, v18;
	v23 =	vor.u32 v3, v8;
	[tilespmem:s0+$0xFFFFFF40] =	vst v22;
	v16 =	vbroadcast v16, $0x0  }
0x117: {  	s13 =	simm.s32 $0x10;
	v22 =	vmov s18;
	v24 =	vbroadcast v18, $0x0;
	v18 =	vor.u32 v3, v21;
	v19 =	vld.idx.msk [tilespmem:v19+s20+$0x0], $0xffff;
	[tilespmem:s31+$0xFFFFFF10] =	vst v11  }
0x118: {  	v11 =	vand.u32 $0x7B, v22;
	v13 =	vld.idx.msk [tilespmem:v13+s20+$0x0], $0xffff;
	[tilespmem:s0+$0xA0] =	vst v7;
	v22 =	vor.u32 v0, v16;
	v7 =	vmov s13  }
0x119: {  	v11 =	vbroadcast v11, $0x0;
	[tilespmem:s31+$0xFFFFFFA0] =	vst v5;
	v5 =	vld.idx.msk [tilespmem:v15+s20+$0x0], $0xffff;
	v15 =	vor.u32 v4, v17;
	v7 =	vand.u32 $0x78, v7  }
0x11a: {  	s6 =	simm.s32 $0x14;
	v17 =	vor.u32 v0, v24;
	v14 =	vld.idx.msk [tilespmem:v14+s20+$0x0], $0xffff;
	[tilespmem:s31+$0x10] =	vst v6;
	v7 =	vbroadcast v7, $0x0;
	v6 =	vand.u32 $0x7A, v12  }
0x11b: {  	s8 =	simm.s32 $0x5;
	v25 =	vor.u32 v0, v11;
	v12 =	vmov s6;
	[tilespmem:s0+$0xFFFFFFD0] =	vst v20;
	v27 =	vld.idx.msk [tilespmem:v23+s20+$0x0], $0xffff;
	v20 =	vbroadcast v6, $0x0  }
0x11c: {  	v6 =	vand.u32 $0x7C, v12;
	v12 =	vmov s8;
	v18 =	vld.idx.msk [tilespmem:v18+s20+$0x0], $0xffff;
	v23 =	vor.u32 v0, v7  }
0x11d: {  	s19 =	simm.s32 $0x9;
	v21 =	vor.u32 v4, v21;
	v6 =	vbroadcast v6, $0x0;
	v12 =	vand.u32 $0x7D, v12;
	[tilespmem:s31+$0xFFFFFF20] =	vst v13;
	v22 =	vld.idx.msk [tilespmem:v22+s20+$0x0], $0xffff  }
0x11e: {  	v13 =	vor.u32 v0, v20;
	v26 =	vbroadcast v12, $0x0;
	[tilespmem:s0+$0xB0] =	vst v5;
	v15 =	vld.idx.msk [tilespmem:v15+s20+$0x0], $0xffff;
	v5 =	vmov s19  }
0x11f: {  	v12 =	vor.u32 v0, v6;
	[tilespmem:s31+$0xFFFFFFB0] =	vst v14;
	v5 =	vand.u32 $0x79, v5;
	v17 =	vld.idx.msk [tilespmem:v17+s20+$0x0], $0xffff  }
0x120: {  	[tilespmem:s0+$0x30] =	vst v10;
	v14 =	vor.u32 v0, v26;
	v5 =	vbroadcast v5, $0x0;
	v25 =	vld.idx.msk [tilespmem:v25+s20+$0x0], $0xffff  }
0x121: {  	[tilespmem:s0+$0xFFFFFFE0] =	vst v18;
	v10 =	vld.idx.msk [tilespmem:v23+s20+$0x0], $0xffff;
	v23 =	vor.u32 v2, v24  }
0x122: {  	[tilespmem:s0+$0xFFFFFF50] =	vst v19;
	v21 =	vld.idx.msk [tilespmem:v21+s20+$0x0], $0xffff;
	v28 =	vor.u32 v0, v5  }
0x123: {  	v19 =	vor.u32 v2, v16;
	v13 =	vld.idx.msk [tilespmem:v13+s20+$0x0], $0xffff;
	[tilespmem:s31+$0x80] =	vst v22  }
0x124: {  	v22 =	vor.u32 v2, v7;
	v12 =	vld.idx.msk [tilespmem:v12+s20+$0x0], $0xffff;
	[tilespmem:s31+$0xFFFFFF30] =	vst v15  }
0x125: {  	v18 =	vor.u32 v2, v20;
	v15 =	vld.idx.msk [tilespmem:v14+s20+$0x0], $0xffff;
	[tilespmem:s0+$0xC0] =	vst v17  }
0x126: {  	s1 =	simm.s32 $0x6500;
	v14 =	vor.u32 v2, v6;
	[tilespmem:s31+$0xFFFFFFC0] =	vst v25;
	v23 =	vld.idx.msk [tilespmem:v23+s20+$0x0], $0xffff  }
0x127: {  	v17 =	vor.u32 v2, v26;
	[tilespmem:s1+$0xFFFFFF00] =	vst v10;
	v28 =	vld.idx.msk [tilespmem:v28+s20+$0x0], $0xffff  }
0x128: {  	v25 =	vor.u32 v2, v11;
	[tilespmem:s1+$0xFFFFFF80] =	vst v13;
	v13 =	vld.idx.msk [tilespmem:v19+s20+$0x0], $0xffff  }
0x129: {  	[tilespmem:s0+$0xFFFFFFF0] =	vst v21;
	v19 =	vor.u32 v3, v9;
	v22 =	vld.idx.msk [tilespmem:v22+s20+$0x0], $0xffff  }
0x12a: {  	v18 =	vld.idx.msk [tilespmem:v18+s20+$0x0], $0xffff;
	[tilespmem:s1+$0x0] =	vst v12;
	v12 =	vor.u32 v3, v16  }
0x12b: {  	v21 =	vor.u32 v2, v5;
	v14 =	vld.idx.msk [tilespmem:v14+s20+$0x0], $0xffff;
	[tilespmem:s0+$0x40] =	vst v15  }
0x12c: {  	v15 =	vor.u32 v3, v20;
	v17 =	vld.idx.msk [tilespmem:v17+s20+$0x0], $0xffff;
	[tilespmem:s0+$0xD0] =	vst v23  }
0x12d: {  	v30 =	vor.u32 v3, v7;
	v25 =	vld.idx.msk [tilespmem:v25+s20+$0x0], $0xffff;
	[tilespmem:s31+$0x90] =	vst v13  }
0x12e: {  	v10 =	vor.u32 v3, v26;
	v19 =	vld.idx.msk [tilespmem:v19+s20+$0x0], $0xffff;
	[tilespmem:s31+$0xFFFFFF40] =	vst v28  }
0x12f: {  	v9 =	vor.u32 v4, v9;
	[tilespmem:s1+$0xFFFFFF10] =	vst v22;
	v29 =	vld.idx.msk [tilespmem:v12+s20+$0x0], $0xffff  }
0x130: {  	v23 =	vor.u32 v3, v24;
	[tilespmem:s1+$0xFFFFFF90] =	vst v18;
	v12 =	vld.idx.msk [tilespmem:v21+s20+$0x0], $0xffff  }
0x131: {  	v63 =	vor.u32 v4, v16;
	v31 =	vor.u32 v4, v20;
	v15 =	vld.idx.msk [tilespmem:v15+s20+$0x0], $0xffff;
	[tilespmem:s0+$0x50] =	vst v17  }
0x132: {  	s6 =	simm.s32 $0x16;
	v16 =	vor.u32 v3, v6;
	v13 =	vor.u32 v3, v11;
	v22 =	vld.idx.msk [tilespmem:v30+s20+$0x0], $0xffff;
	[tilespmem:s31+$0xFFFFFFD0] =	vst v25  }
0x133: {  	s8 =	simm.s32 $0xF;
	v25 =	vor.u32 v4, v8;
	v20 =	vld.idx.msk [tilespmem:v10+s20+$0x0], $0xffff;
	v10 =	vor.u32 v4, v11;
	v11 =	vmov s6;
	[tilespmem:s0+$0xFFFFFF60] =	vst v19  }
0x134: {  	s19 =	simm.s32 $0x13;
	v21 =	vor.u32 v4, v26;
	v8 =	vand.u32 $0x7E, v11;
	v17 =	vld.idx.msk [tilespmem:v9+s20+$0x0], $0xffff;
	v9 =	vmov s8  }
0x135: {  	v18 =	vld.idx.msk [tilespmem:v23+s20+$0x0], $0xffff;
	v23 =	vmov s19;
	v11 =	vbroadcast v8, $0x0;
	[tilespmem:s31+$0xA0] =	vst v29;
	v8 =	vand.u32 $0x7F, v9  }
0x136: {  	v19 =	vor.u32 v4, v24;
	[tilespmem:s1+$0xFFFFFFA0] =	vst v15;
	v9 =	vand.u32 $0x7B, v23;
	v24 =	vld.idx.msk [tilespmem:v63+s20+$0x0], $0xffff;
	v8 =	vbroadcast v8, $0x0  }
0x137: {  	s18 =	simm.s32 $0x8;
	[tilespmem:s31+$0x20] =	vst v27;
	s19 =	simm.s32 $0x18;
	v23 =	vld.idx.msk [tilespmem:v31+s20+$0x0], $0xffff;
	v9 =	vbroadcast v9, $0x0;
	v26 =	vor.u32 v0, v11  }
.LBB2_9:
0x138: {  	v15 =	vmov s19;
	s6 =	sadd.s32 $0x2, s19;
	s18 =	sadd.s32 $0x4, s18;
	v27 =	vor.u32 v4, v7;
	v25 =	vld.idx.msk [tilespmem:v25+s20+$0x0], $0xffff;
	v28 =	vor.u32 v0, v8;
	[tilespmem:s0+$0x60] =	vst v20  }
0x139: {  	s8 =	sadd.s32 $0x5, s2;
	v7 =	vand.u32 $0x78, v15;
	v15 =	vmov s6;
	s6 =	sadd.s32 $0x4, s19;
	p3 =	slt.u32 s18, $0x3C;
	v20 =	vor.u32 v0, v9;
	[tilespmem:s1+$0x10] =	vst v14;
	v14 =	vld.idx.msk [tilespmem:v21+s20+$0x0], $0xffff  }
0x13a: {  	s2 =	smov.u32 s13;
	s13 =	smov.u32 s19;
	v7 =	vbroadcast v7, $0x0;
	v21 =	vand.u32 $0x7A, v15;
	v29 =	vmov s6;
	v15 =	vld.idx.msk [tilespmem:v16+s20+$0x0], $0xffff;
	[tilespmem:s0+$0xE0] =	vst v18  }
0x13b: {  	v18 =	vbroadcast v21, $0x0;
	v16 =	vand.u32 $0x7C, v29;
	[tilespmem:s1+$0xFFFFFF20] =	vst v22;
	v21 =	vmov s8;
	v19 =	vld.idx.msk [tilespmem:v19+s20+$0x0], $0xffff  }
0x13c: {  	v22 =	vor.u32 v0, v7;
	v29 =	vbroadcast v16, $0x0;
	v13 =	vld.idx.msk [tilespmem:v13+s20+$0x0], $0xffff;
	v16 =	vand.u32 $0x7D, v21;
	[tilespmem:s31+$0xB0] =	vst v24  }
0x13d: {  	s6 =	sadd.s32 $0x1, s2;
	v21 =	vor.u32 v0, v18;
	[tilespmem:s1+$0xFFFFFFB0] =	vst v23;
	v23 =	vld.idx.msk [tilespmem:v26+s20+$0x0], $0xffff;
	v24 =	vbroadcast v16, $0x0  }
0x13e: {  	v16 =	vor.u32 v0, v29;
	v26 =	vld.idx.msk [tilespmem:v27+s20+$0x0], $0xffff;
	v27 =	vmov s6;
	[tilespmem:s31+$0x30] =	vst v25  }
0x13f: {  	v25 =	vand.u32 $0x79, v27;
	v27 =	vor.u32 v0, v24;
	v28 =	vld.idx.msk [tilespmem:v28+s20+$0x0], $0xffff;
	[tilespmem:s0+$0x70] =	vst v14  }
0x140: {  	v25 =	vbroadcast v25, $0x0;
	v14 =	vld.idx.msk [tilespmem:v20+s20+$0x0], $0xffff;
	v20 =	vor.u32 v2, v9;
	[tilespmem:s0+$0xFFFFFF70] =	vst v17  }
0x141: {  	v17 =	vld.idx.msk [tilespmem:v22+s20+$0x0], $0xffff;
	v22 =	vor.u32 v2, v8;
	[tilespmem:s0+$0xF0] =	vst v19;
	s0 =	smov.u32 s31;
	s31 =	smov.u32 s1  }
0x142: {  	v19 =	vld.idx.msk [tilespmem:v21+s20+$0x0], $0xffff;
	v21 =	vor.u32 v0, v25;
	[tilespmem:s0+$0xFFFFFF50] =	vst v12  }
0x143: {  	v12 =	vld.idx.msk [tilespmem:v16+s20+$0x0], $0xffff;
	v16 =	vor.u32 v2, v11;
	[tilespmem:s0+$0xFFFFFFE0] =	vst v13  }
0x144: {  	v30 =	vor.u32 v2, v18;
	[tilespmem:s1+$0xFFFFFF30] =	vst v26;
	v26 =	vld.idx.msk [tilespmem:v27+s20+$0x0], $0xffff  }
0x145: {  	v27 =	vor.u32 v2, v29;
	v10 =	vld.idx.msk [tilespmem:v10+s20+$0x0], $0xffff;
	[tilespmem:s0+$0xC0] =	vst v28  }
0x146: {  	v28 =	vor.u32 v2, v24;
	[tilespmem:s1+$0xFFFFFFC0] =	vst v14;
	v22 =	vld.idx.msk [tilespmem:v22+s20+$0x0], $0xffff  }
0x147: {  	v13 =	vor.u32 v3, v9;
	s1 =	sadd.s32 $0x200, s1;
	v21 =	vld.idx.msk [tilespmem:v21+s20+$0x0], $0xffff;
	[tilespmem:s31+$0x80] =	vst v23  }
0x148: {  	v23 =	vor.u32 v3, v5;
	[tilespmem:s1+$0xFFFFFF80] =	vst v19;
	v19 =	vld.idx.msk [tilespmem:v16+s20+$0x0], $0xffff  }
0x149: {  	v31 =	vor.u32 v2, v7;
	v30 =	vld.idx.msk [tilespmem:v30+s20+$0x0], $0xffff;
	[tilespmem:s1+$0x0] =	vst v12  }
0x14a: {  	v12 =	vor.u32 v3, v11;
	v14 =	vld.idx.msk [tilespmem:v27+s20+$0x0], $0xffff;
	[tilespmem:s0+$0x40] =	vst v26  }
0x14b: {  	v26 =	vor.u32 v3, v18;
	[tilespmem:s0+$0xFFFFFFF0] =	vst v10;
	v27 =	vld.idx.msk [tilespmem:v28+s20+$0x0], $0xffff  }
0x14c: {  	v16 =	vor.u32 v3, v29;
	v28 =	vor.u32 v2, v25;
	v20 =	vld.idx.msk [tilespmem:v20+s20+$0x0], $0xffff;
	[tilespmem:s0+$0xD0] =	vst v22  }
0x14d: {  	v22 =	vor.u32 v3, v24;
	[tilespmem:s1+$0xFFFFFF00] =	vst v17;
	v17 =	vld.idx.msk [tilespmem:v23+s20+$0x0], $0xffff;
	v23 =	vor.u32 v3, v8  }
0x14e: {  	v10 =	vor.u32 v4, v9;
	v31 =	vld.idx.msk [tilespmem:v31+s20+$0x0], $0xffff;
	[tilespmem:s31+$0x90] =	vst v19  }
0x14f: {  	v19 =	vor.u32 v4, v5;
	v5 =	vmov v25;
	[tilespmem:s1+$0xFFFFFF90] =	vst v30;
	v9 =	vld.idx.msk [tilespmem:v12+s20+$0x0], $0xffff  }
0x150: {  	v30 =	vor.u32 v3, v7;
	v26 =	vld.idx.msk [tilespmem:v26+s20+$0x0], $0xffff;
	[tilespmem:s31+$0xFFFFFF40] =	vst v21  }
0x151: {  	v12 =	vld.idx.msk [tilespmem:v28+s20+$0x0], $0xffff;
	v28 =	vor.u32 v4, v11;
	[tilespmem:s0+$0x50] =	vst v27  }
0x152: {  	s6 =	sadd.s32 $0x6, s19;
	v27 =	vor.u32 v4, v18;
	[tilespmem:s31+$0xFFFFFFD0] =	vst v20;
	v20 =	vld.idx.msk [tilespmem:v22+s20+$0x0], $0xffff  }
.Ltmp5:
0x153: {  	v25 =	vor.u32 v4, v6;
	v6 =	vmovc v29;
	v21 =	vor.u32 v4, v24;
	v11 =	vmov s6;
	s6 =	sadd.s32 $0x7, s2;
	[tilespmem:s0+$0xFFFFFF60] =	vst v17;
	v18 =	vld.idx.msk [tilespmem:v23+s20+$0x0], $0xffff;
	(pc) =	sbr.rel @p3 .LBB2_9-.Ltmp5, $4  }
0x154: {  	s8 =	sadd.s32 $0x3, s19;
	v11 =	vand.u32 $0x7E, v11;
	v23 =	vmov s6;
	[tilespmem:s1+$0xFFFFFF10] =	vst v31;
	v17 =	vld.idx.msk [tilespmem:v19+s20+$0x0], $0xffff;
	v19 =	vor.u32 v4, v8  }
0x155: {  	v11 =	vbroadcast v11, $0x0;
	v8 =	vmov s8;
	v22 =	vld.idx.msk [tilespmem:v30+s20+$0x0], $0xffff;
	[tilespmem:s31+$0xA0] =	vst v9;
	v9 =	vand.u32 $0x7F, v23  }
0x156: {  	[tilespmem:s1+$0xFFFFFFA0] =	vst v26;
	v26 =	vand.u32 $0x7B, v8;
	v24 =	vld.idx.msk [tilespmem:v28+s20+$0x0], $0xffff;
	v8 =	vbroadcast v9, $0x0  }
0x157: {  	s19 =	sadd.s32 $0x8, s19;
	v23 =	vld.idx.msk [tilespmem:v27+s20+$0x0], $0xffff;
	v9 =	vbroadcast v26, $0x0;
	v26 =	vor.u32 v0, v11;
	[tilespmem:s31+$0x20] =	vst v15  }
0x158: {  	_ =	sdelay $0x3  }
0x159: {  	v15 =	vld.idx.msk [tilespmem:v26+s20+$0x0], $0xffff  }
0x15a: {  	v59 =	vor.u32 v2, v11  }
0x15b: {  	[tilespmem:s0+$0x60] =	vst v20  }
0x15c: {  	[tilespmem:s1+$0x10] =	vst v14  }
0x15d: {  	s2 =	sadd.s32 $0x5, s2;
	[tilespmem:s0+$0xE0] =	vst v18  }
0x15e: {  	v60 =	vld.idx.msk [tilespmem:v25+s20+$0x0], $0xffff;
	v62 =	vmov s2;
	[tilespmem:s1+$0x80] =	vst v15  }
0x15f: {  	[tilespmem:s31+$0xFFFFFF50] =	vst v12;
	v63 =	vand.u32 $0x7D, v62;
	v25 =	vld.idx.msk [tilespmem:v59+s20+$0x0], $0xffff  }
0x160: {  	v26 =	vor.u32 v3, v11;
	[tilespmem:s0+$0xFFFFFF70] =	vst v17;
	v15 =	vbroadcast v63, $0x0  }
0x161: {  	v7 =	vor.u32 v4, v7;
	v13 =	vld.idx.msk [tilespmem:v13+s20+$0x0], $0xffff;
	[tilespmem:s1+$0xFFFFFF20] =	vst v22  }
0x162: {  	v16 =	vld.idx.msk [tilespmem:v16+s20+$0x0], $0xffff;
	[tilespmem:s31+$0xB0] =	vst v24;
	v27 =	vor.u32 v0, v15  }
0x163: {  	v6 =	vor.u32 v4, v6;
	v61 =	vld.idx.msk [tilespmem:v21+s20+$0x0], $0xffff;
	[tilespmem:s1+$0xFFFFFFB0] =	vst v23  }
0x164: {  	v28 =	vor.u32 v0, v8;
	s18 =	sadd.s32 $0x1, s13;
	v19 =	vld.idx.msk [tilespmem:v19+s20+$0x0], $0xffff;
	[tilespmem:s1+$0x90] =	vst v25  }
0x165: {  	v29 =	vor.u32 v0, v9;
	v31 =	vmov s18;
	[tilespmem:s31+$0x30] =	vst v60;
	v30 =	vld.idx.msk [tilespmem:v26+s20+$0x0], $0xffff  }
0x166: {  	s6 =	sadd.s32 $0x5, s13;
	v32 =	vor.u32 v4, v11;
	v20 =	vand.u32 $0x79, v31;
	v7 =	vld.idx.msk [tilespmem:v7+s20+$0x0], $0xffff;
	[tilespmem:s31+$0xFFFFFFE0] =	vst v13  }
0x167: {  	s19 =	sadd.s32 $0x7, s13;
	v33 =	vmov s6;
	v39 =	vbroadcast v20, $0x0;
	[tilespmem:s1+$0x20] =	vst v16;
	v34 =	vld.idx.msk [tilespmem:v27+s20+$0x0], $0xffff  }
0x168: {  	v38 =	vmov s19;
	v35 =	vand.u32 $0x7D, v33;
	[tilespmem:s0+$0x70] =	vst v61;
	v37 =	vor.u32 v2, v15;
	v6 =	vld.idx.msk [tilespmem:v6+s20+$0x0], $0xffff  }
0x169: {  	v41 =	vand.u32 $0x7F, v38;
	v14 =	vbroadcast v35, $0x0;
	v36 =	vld.idx.msk [tilespmem:v28+s20+$0x0], $0xffff;
	v43 =	vor.u32 v0, v39;
	[tilespmem:s0+$0xF0] =	vst v19  }
0x16a: {  	v40 =	vor.u32 v2, v8;
	v13 =	vbroadcast v41, $0x0;
	v18 =	vld.idx.msk [tilespmem:v29+s20+$0x0], $0xffff;
	[tilespmem:s1+$0xA0] =	vst v30  }
0x16b: {  	v42 =	vor.u32 v0, v14;
	[tilespmem:s1+$0xFFFFFF30] =	vst v7;
	v7 =	vld.idx.msk [tilespmem:v32+s20+$0x0], $0xffff  }
0x16c: {  	v10 =	vld.idx.msk [tilespmem:v10+s20+$0x0], $0xffff;
	v44 =	vor.u32 v0, v13;
	[tilespmem:s31+$0x40] =	vst v34  }
0x16d: {  	[tilespmem:s1+$0x30] =	vst v6;
	v6 =	vor.u32 v3, v5;
	v46 =	vld.idx.msk [tilespmem:v37+s20+$0x0], $0xffff  }
0x16e: {  	v47 =	vor.u32 v3, v15;
	[tilespmem:s31+$0xC0] =	vst v36;
	v48 =	vld.idx.msk [tilespmem:v43+s20+$0x0], $0xffff  }
0x16f: {  	v49 =	vor.u32 v2, v39;
	v20 =	vld.idx.msk [tilespmem:v40+s20+$0x0], $0xffff;
	[tilespmem:s1+$0xFFFFFFC0] =	vst v18  }
0x170: {  	v45 =	vor.u32 v2, v9;
	v17 =	vld.idx.msk [tilespmem:v42+s20+$0x0], $0xffff;
	[tilespmem:s1+$0xB0] =	vst v7  }
0x171: {  	[tilespmem:s31+$0xFFFFFFF0] =	vst v10;
	v7 =	vor.u32 v2, v14;
	v11 =	vld.idx.msk [tilespmem:v44+s20+$0x0], $0xffff  }
0x172: {  	v50 =	vor.u32 v2, v13;
	v6 =	vld.idx.msk [tilespmem:v6+s20+$0x0], $0xffff;
	[tilespmem:s31+$0x50] =	vst v46  }
0x173: {  	v51 =	vor.u32 v3, v8;
	[tilespmem:s1+$0xFFFFFF40] =	vst v48;
	v21 =	vld.idx.msk [tilespmem:v47+s20+$0x0], $0xffff  }
0x174: {  	v15 =	vor.u32 v4, v15;
	[tilespmem:s31+$0xD0] =	vst v20;
	v10 =	vld.idx.msk [tilespmem:v49+s20+$0x0], $0xffff  }
0x175: {  	v55 =	vor.u32 v3, v39;
	v12 =	vld.idx.msk [tilespmem:v45+s20+$0x0], $0xffff;
	[tilespmem:s1+$0x40] =	vst v17  }
0x176: {  	v52 =	vor.u32 v3, v9;
	v7 =	vld.idx.msk [tilespmem:v7+s20+$0x0], $0xffff;
	[tilespmem:s1+$0xC0] =	vst v11  }
0x177: {  	v53 =	vor.u32 v3, v14;
	[tilespmem:s31+$0xFFFFFF60] =	vst v6;
	v54 =	vld.idx.msk [tilespmem:v50+s20+$0x0], $0xffff  }
0x178: {  	v57 =	vor.u32 v3, v13;
	v56 =	vld.idx.msk [tilespmem:v51+s20+$0x0], $0xffff;
	[tilespmem:s31+$0x60] =	vst v21  }
0x179: {  	v5 =	vor.u32 v4, v5;
	[tilespmem:s1+$0xFFFFFF50] =	vst v10;
	v6 =	vld.idx.msk [tilespmem:v15+s20+$0x0], $0xffff  }
0x17a: {  	v58 =	vor.u32 v4, v8;
	[tilespmem:s1+$0xFFFFFFD0] =	vst v12;
	v10 =	vld.idx.msk [tilespmem:v55+s20+$0x0], $0xffff  }
0x17b: {  	v62 =	vor.u32 v4, v39;
	v59 =	vld.idx.msk [tilespmem:v52+s20+$0x0], $0xffff;
	[tilespmem:s1+$0x50] =	vst v7  }
0x17c: {  	v7 =	vor.u32 v4, v9;
	v60 =	vld.idx.msk [tilespmem:v53+s20+$0x0], $0xffff;
	[tilespmem:s1+$0xD0] =	vst v54  }
0x17d: {  	v61 =	vor.u32 v4, v14;
	[tilespmem:s31+$0xE0] =	vst v56;
	v63 =	vld.idx.msk [tilespmem:v57+s20+$0x0], $0xffff  }
0x17e: {  	v5 =	vld.idx.msk [tilespmem:v5+s20+$0x0], $0xffff;
	[tilespmem:s31+$0x70] =	vst v6;
	v6 =	vor.u32 v4, v13  }
0x17f: {  	v8 =	vld.idx.msk [tilespmem:v58+s20+$0x0], $0xffff;
	[tilespmem:s1+$0xFFFFFF60] =	vst v10  }
0x180: {  	[tilespmem:s1+$0xFFFFFFE0] =	vst v59;
	v10 =	vld.idx.msk [tilespmem:v62+s20+$0x0], $0xffff  }
0x181: {  	v7 =	vld.idx.msk [tilespmem:v7+s20+$0x0], $0xffff;
	[tilespmem:s1+$0x60] =	vst v60  }
0x182: {  	v9 =	vld.idx.msk [tilespmem:v61+s20+$0x0], $0xffff;
	[tilespmem:s1+$0xE0] =	vst v63  }
0x183: {  	[tilespmem:s31+$0xFFFFFF70] =	vst v5;
	v5 =	vld.idx.msk [tilespmem:v6+s20+$0x0], $0xffff  }
0x184: {  	[tilespmem:s31+$0xF0] =	vst v8  }
0x185: {  	[tilespmem:s1+$0xFFFFFF70] =	vst v10  }
0x186: {  	[tilespmem:s1+$0xFFFFFFF0] =	vst v7  }
0x187: {  	p3 =	sgt.u32 s29, $0x1E23;
	s28 =	sadd.s32 $0x1, s28;
	[tilespmem:s1+$0x70] =	vst v9  }
0x188: {  	s2 =	simm.s32 @!p3 $0x7A1400;
	s0 =	sshll.u32 @!p3 s29, $0x7;
	s31 =	sadd.s32 s30, s11;
	[tilespmem:s1+$0xF0] =	vst v5  }
0x189: {  	[hbm4b:s31+s3] =	stream.linear.scatter [tilespmem:s17], [sflag:$0x4], $0x2000, $0x38;
	[tilespmem:$0x8000] =	vst v63  }
0x18a: {  	s6 =	simm.s32 @!p3 $0x2000;
	s0 =	sadd.s32 @!p3 s0, s12;
	s1 =	simm.s32 @!p3 $0x400  }
0x18b: {  	[tilespmem:s6], [sflag:$0x2] =	stream.strided.gather @!p3 [hbm4b:s0+s1], $0x2000, s2, s1, $0x38;
	[tilespmem:$0x8000] =	vst v63  }
0x18c: {  	p3 =	sne.s32 s28, $0x7A  }
.Ltmp6:
0x18d: {  	_ = 	snop;
	(pc) =	sbr.rel @p3 .LBB2_6-.Ltmp6, $1  }
0x18e: {  	_ =	sdelay $0x3  }
.Ltmp7:
0x18f: {  	(pc) =	sbr.rel @p1 .LBB2_15-.Ltmp7, $1  }
0x190: {  	_ =	sdelay $0x3  }
0x191: {  	s0 =	simm.s32 $0x2  }
0x192: {  	v5 =	vmov s0  }
0x193: {  	s26 =	simm.s32 $0x0;
	v5 =	vand.u32 $0x7A, v5  }
0x194: {  	v6 =	vmov s26;
	v5 =	vbroadcast v5, $0x0  }
0x195: {  	_ =	swait.ge [sflag:s21], $0x2000;
	v6 =	vand.u32 $0x78, v6  }
0x196: {  	[sflag:s21] =	ssyncset.done $0x0;
	v6 =	vbroadcast v6, $0x0;
	v7 =	vor.u32 v0, v5  }
0x197: {  	[sflag:s21] =	ssyncadd.s32 $0xFFFFE000  }
0x198: {  	s28 =	simm.s32 $0x4;
	_ =	swait.ge [sflag:s22], $0x2000;
	v8 =	vor.u32 v0, v6  }
0x199: {  	v9 =	vmov s28;
	[sflag:s22] =	ssyncset.done $0x0  }
0x19a: {  	v9 =	vand.u32 $0x7C, v9;
	[sflag:s22] =	ssyncadd.s32 $0xFFFFE000  }
0x19b: {  	v10 =	vbroadcast v9, $0x0;
	v7 =	vld.idx.msk [tilespmem:v7+s3+$0x0], $0xffff  }
0x19c: {  	v9 =	vor.u32 v2, v5  }
0x19d: {  	v11 =	vor.u32 v0, v10;
	v8 =	vld.idx.msk [tilespmem:v8+s3+$0x0], $0xffff  }
0x19e: {  	v12 =	vor.u32 v2, v6  }
0x19f: {  	s0 =	simm.s32 $0x4100  }
0x1a0: {  	[tilespmem:s0+$0xFFFFFF80] =	vst v7  }
0x1a1: {  	s1 =	simm.s32 $0x6;
	v7 =	vld.idx.msk [tilespmem:v9+s3+$0x0], $0xffff  }
0x1a2: {  	s29 =	simm.s32 $0xA;
	[tilespmem:s0+$0xFFFFFF00] =	vst v8;
	v8 =	vmov s1;
	v9 =	vld.idx.msk [tilespmem:v11+s3+$0x0], $0xffff;
	v11 =	vor.u32 v3, v5  }
0x1a3: {  	v14 =	vmov s29;
	v13 =	vor.u32 v2, v10;
	v12 =	vld.idx.msk [tilespmem:v12+s3+$0x0], $0xffff;
	v8 =	vand.u32 $0x7E, v8  }
0x1a4: {  	v15 =	vor.u32 v3, v6;
	v16 =	vbroadcast v8, $0x0;
	v8 =	vand.u32 $0x7A, v14  }
0x1a5: {  	v14 =	vbroadcast v8, $0x0  }
0x1a6: {  	s2 =	simm.s32 $0x8;
	[tilespmem:s0+$0xFFFFFF90] =	vst v7;
	v7 =	vor.u32 v0, v16  }
0x1a7: {  	[tilespmem:s0+$0x0] =	vst v9;
	v9 =	vmov s2;
	v8 =	vld.idx.msk [tilespmem:v11+s3+$0x0], $0xffff;
	v11 =	vor.u32 v0, v14  }
0x1a8: {  	v5 =	vor.u32 v4, v5;
	[tilespmem:s0+$0xFFFFFF10] =	vst v12;
	v13 =	vld.idx.msk [tilespmem:v13+s3+$0x0], $0xffff;
	v9 =	vand.u32 $0x78, v9  }
0x1a9: {  	s6 =	simm.s32 $0xC;
	v12 =	vor.u32 v3, v10;
	v15 =	vld.idx.msk [tilespmem:v15+s3+$0x0], $0xffff;
	v17 =	vbroadcast v9, $0x0  }
0x1aa: {  	s30 =	simm.s32 $0x3;
	v18 =	vmov s6;
	v6 =	vor.u32 v4, v6  }
0x1ab: {  	v18 =	vand.u32 $0x7C, v18;
	v9 =	vmov s30;
	v19 =	vor.u32 v0, v17;
	v7 =	vld.idx.msk [tilespmem:v7+s3+$0x0], $0xffff  }
0x1ac: {  	s31 =	simm.s32 $0x1;
	v20 =	vor.u32 v2, v16;
	v9 =	vand.u32 $0x7B, v9;
	[tilespmem:s0+$0xFFFFFFA0] =	vst v8;
	v8 =	vbroadcast v18, $0x0;
	v11 =	vld.idx.msk [tilespmem:v11+s3+$0x0], $0xffff  }
0x1ad: {  	v21 =	vbroadcast v9, $0x0;
	v18 =	vmov s31;
	[tilespmem:s0+$0x10] =	vst v13;
	v13 =	vor.u32 v2, v14;
	v5 =	vld.idx.msk [tilespmem:v5+s3+$0x0], $0xffff  }
0x1ae: {  	[tilespmem:s0+$0xFFFFFF20] =	vst v15;
	v9 =	vand.u32 $0x79, v18;
	v12 =	vld.idx.msk [tilespmem:v12+s3+$0x0], $0xffff;
	v15 =	vor.u32 v0, v8  }
0x1af: {  	v18 =	vor.u32 v0, v21;
	v6 =	vld.idx.msk [tilespmem:v6+s3+$0x0], $0xffff;
	v9 =	vbroadcast v9, $0x0  }
0x1b0: {  	s26 =	simm.s32 $0x4300;
	v10 =	vor.u32 v4, v10;
	v19 =	vld.idx.msk [tilespmem:v19+s3+$0x0], $0xffff;
	[tilespmem:s0+$0x80] =	vst v7  }
0x1b1: {  	v22 =	vor.u32 v0, v9;
	[tilespmem:s26+$0xFFFFFF80] =	vst v11;
	v7 =	vld.idx.msk [tilespmem:v20+s3+$0x0], $0xffff  }
0x1b2: {  	v11 =	vor.u32 v2, v17;
	v13 =	vld.idx.msk [tilespmem:v13+s3+$0x0], $0xffff  }
0x1b3: {  	v20 =	vor.u32 v3, v16;
	[tilespmem:s0+$0xFFFFFFB0] =	vst v5;
	v5 =	vld.idx.msk [tilespmem:v15+s3+$0x0], $0xffff  }
0x1b4: {  	[tilespmem:s0+$0x20] =	vst v12;
	v15 =	vor.u32 v3, v14;
	v18 =	vld.idx.msk [tilespmem:v18+s3+$0x0], $0xffff  }
0x1b5: {  	[tilespmem:s0+$0xFFFFFF30] =	vst v6;
	v6 =	vor.u32 v2, v8;
	v10 =	vld.idx.msk [tilespmem:v10+s3+$0x0], $0xffff  }
0x1b6: {  	v23 =	vor.u32 v2, v21;
	[tilespmem:s26+$0xFFFFFF00] =	vst v19;
	v22 =	vld.idx.msk [tilespmem:v22+s3+$0x0], $0xffff  }
0x1b7: {  	v19 =	vor.u32 v2, v9;
	v11 =	vld.idx.msk [tilespmem:v11+s3+$0x0], $0xffff;
	[tilespmem:s0+$0x90] =	vst v7  }
0x1b8: {  	s18 =	simm.s32 $0x12;
	s6 =	simm.s32 $0xE;
	[tilespmem:s26+$0xFFFFFF90] =	vst v13;
	v7 =	vld.idx.msk [tilespmem:v20+s3+$0x0], $0xffff;
	v13 =	vor.u32 v3, v17  }
0x1b9: {  	s8 =	simm.s32 $0x7;
	v12 =	vmov s18;
	[tilespmem:s26+$0x0] =	vst v5;
	v5 =	vld.idx.msk [tilespmem:v15+s3+$0x0], $0xffff;
	v15 =	vor.u32 v4, v16;
	v16 =	vmov s6  }
0x1ba: {  	v14 =	vor.u32 v4, v14;
	[tilespmem:s0+$0xFFFFFFC0] =	vst v18;
	v18 =	vmov s8;
	v6 =	vld.idx.msk [tilespmem:v6+s3+$0x0], $0xffff;
	v16 =	vand.u32 $0x7E, v16  }
0x1bb: {  	s13 =	simm.s32 $0xB;
	v20 =	vld.idx.msk [tilespmem:v23+s3+$0x0], $0xffff;
	v18 =	vand.u32 $0x7F, v18;
	v23 =	vor.u32 v3, v8;
	[tilespmem:s0+$0xFFFFFF40] =	vst v22;
	v16 =	vbroadcast v16, $0x0  }
0x1bc: {  	v22 =	vmov s13;
	v24 =	vbroadcast v18, $0x0;
	v18 =	vor.u32 v3, v21;
	s13 =	simm.s32 $0x10;
	v19 =	vld.idx.msk [tilespmem:v19+s3+$0x0], $0xffff;
	[tilespmem:s26+$0xFFFFFF10] =	vst v11  }
0x1bd: {  	v11 =	vand.u32 $0x7B, v22;
	v13 =	vld.idx.msk [tilespmem:v13+s3+$0x0], $0xffff;
	[tilespmem:s0+$0xA0] =	vst v7;
	v22 =	vor.u32 v0, v16;
	v7 =	vmov s13  }
0x1be: {  	v11 =	vbroadcast v11, $0x0;
	[tilespmem:s26+$0xFFFFFFA0] =	vst v5;
	v5 =	vld.idx.msk [tilespmem:v15+s3+$0x0], $0xffff;
	v15 =	vor.u32 v4, v17;
	v7 =	vand.u32 $0x78, v7  }
0x1bf: {  	s19 =	simm.s32 $0x14;
	v17 =	vor.u32 v0, v24;
	v14 =	vld.idx.msk [tilespmem:v14+s3+$0x0], $0xffff;
	[tilespmem:s26+$0x10] =	vst v6;
	v7 =	vbroadcast v7, $0x0;
	v6 =	vand.u32 $0x7A, v12  }
0x1c0: {  	s28 =	simm.s32 $0x5;
	v25 =	vor.u32 v0, v11;
	v12 =	vmov s19;
	[tilespmem:s0+$0xFFFFFFD0] =	vst v20;
	v27 =	vld.idx.msk [tilespmem:v23+s3+$0x0], $0xffff;
	v20 =	vbroadcast v6, $0x0  }
0x1c1: {  	v6 =	vand.u32 $0x7C, v12;
	v12 =	vmov s28;
	v18 =	vld.idx.msk [tilespmem:v18+s3+$0x0], $0xffff;
	v23 =	vor.u32 v0, v7  }
0x1c2: {  	s29 =	simm.s32 $0x9;
	v21 =	vor.u32 v4, v21;
	v6 =	vbroadcast v6, $0x0;
	v12 =	vand.u32 $0x7D, v12;
	[tilespmem:s26+$0xFFFFFF20] =	vst v13;
	v22 =	vld.idx.msk [tilespmem:v22+s3+$0x0], $0xffff  }
0x1c3: {  	v13 =	vor.u32 v0, v20;
	v26 =	vbroadcast v12, $0x0;
	[tilespmem:s0+$0xB0] =	vst v5;
	v15 =	vld.idx.msk [tilespmem:v15+s3+$0x0], $0xffff;
	v5 =	vmov s29  }
0x1c4: {  	v12 =	vor.u32 v0, v6;
	[tilespmem:s26+$0xFFFFFFB0] =	vst v14;
	v5 =	vand.u32 $0x79, v5;
	v17 =	vld.idx.msk [tilespmem:v17+s3+$0x0], $0xffff  }
0x1c5: {  	[tilespmem:s0+$0x30] =	vst v10;
	v14 =	vor.u32 v0, v26;
	v5 =	vbroadcast v5, $0x0;
	v25 =	vld.idx.msk [tilespmem:v25+s3+$0x0], $0xffff  }
0x1c6: {  	[tilespmem:s0+$0xFFFFFFE0] =	vst v18;
	v10 =	vld.idx.msk [tilespmem:v23+s3+$0x0], $0xffff;
	v23 =	vor.u32 v2, v24  }
0x1c7: {  	[tilespmem:s0+$0xFFFFFF50] =	vst v19;
	v21 =	vld.idx.msk [tilespmem:v21+s3+$0x0], $0xffff;
	v28 =	vor.u32 v0, v5  }
0x1c8: {  	v19 =	vor.u32 v2, v16;
	v13 =	vld.idx.msk [tilespmem:v13+s3+$0x0], $0xffff;
	[tilespmem:s26+$0x80] =	vst v22  }
0x1c9: {  	v22 =	vor.u32 v2, v7;
	v12 =	vld.idx.msk [tilespmem:v12+s3+$0x0], $0xffff;
	[tilespmem:s26+$0xFFFFFF30] =	vst v15  }
0x1ca: {  	v18 =	vor.u32 v2, v20;
	v15 =	vld.idx.msk [tilespmem:v14+s3+$0x0], $0xffff;
	[tilespmem:s0+$0xC0] =	vst v17  }
0x1cb: {  	s1 =	simm.s32 $0x4500;
	v14 =	vor.u32 v2, v6;
	[tilespmem:s26+$0xFFFFFFC0] =	vst v25;
	v23 =	vld.idx.msk [tilespmem:v23+s3+$0x0], $0xffff  }
0x1cc: {  	v17 =	vor.u32 v2, v26;
	[tilespmem:s1+$0xFFFFFF00] =	vst v10;
	v28 =	vld.idx.msk [tilespmem:v28+s3+$0x0], $0xffff  }
0x1cd: {  	v25 =	vor.u32 v2, v11;
	[tilespmem:s1+$0xFFFFFF80] =	vst v13;
	v13 =	vld.idx.msk [tilespmem:v19+s3+$0x0], $0xffff  }
0x1ce: {  	[tilespmem:s0+$0xFFFFFFF0] =	vst v21;
	v19 =	vor.u32 v3, v9;
	v22 =	vld.idx.msk [tilespmem:v22+s3+$0x0], $0xffff  }
0x1cf: {  	v18 =	vld.idx.msk [tilespmem:v18+s3+$0x0], $0xffff;
	[tilespmem:s1+$0x0] =	vst v12;
	v12 =	vor.u32 v3, v16  }
0x1d0: {  	v21 =	vor.u32 v2, v5;
	v14 =	vld.idx.msk [tilespmem:v14+s3+$0x0], $0xffff;
	[tilespmem:s0+$0x40] =	vst v15  }
0x1d1: {  	v15 =	vor.u32 v3, v20;
	v17 =	vld.idx.msk [tilespmem:v17+s3+$0x0], $0xffff;
	[tilespmem:s0+$0xD0] =	vst v23  }
0x1d2: {  	v30 =	vor.u32 v3, v7;
	v25 =	vld.idx.msk [tilespmem:v25+s3+$0x0], $0xffff;
	[tilespmem:s26+$0x90] =	vst v13  }
0x1d3: {  	v10 =	vor.u32 v3, v26;
	v19 =	vld.idx.msk [tilespmem:v19+s3+$0x0], $0xffff;
	[tilespmem:s26+$0xFFFFFF40] =	vst v28  }
0x1d4: {  	v9 =	vor.u32 v4, v9;
	[tilespmem:s1+$0xFFFFFF10] =	vst v22;
	v29 =	vld.idx.msk [tilespmem:v12+s3+$0x0], $0xffff  }
0x1d5: {  	v23 =	vor.u32 v3, v24;
	[tilespmem:s1+$0xFFFFFF90] =	vst v18;
	v12 =	vld.idx.msk [tilespmem:v21+s3+$0x0], $0xffff  }
0x1d6: {  	v63 =	vor.u32 v4, v16;
	v31 =	vor.u32 v4, v20;
	v15 =	vld.idx.msk [tilespmem:v15+s3+$0x0], $0xffff;
	[tilespmem:s0+$0x50] =	vst v17  }
0x1d7: {  	s30 =	simm.s32 $0x16;
	v16 =	vor.u32 v3, v6;
	v13 =	vor.u32 v3, v11;
	v22 =	vld.idx.msk [tilespmem:v30+s3+$0x0], $0xffff;
	[tilespmem:s26+$0xFFFFFFD0] =	vst v25  }
0x1d8: {  	s31 =	simm.s32 $0xF;
	v25 =	vor.u32 v4, v8;
	v20 =	vld.idx.msk [tilespmem:v10+s3+$0x0], $0xffff;
	v10 =	vor.u32 v4, v11;
	v11 =	vmov s30;
	[tilespmem:s0+$0xFFFFFF60] =	vst v19  }
0x1d9: {  	s8 =	simm.s32 $0x13;
	v21 =	vor.u32 v4, v26;
	v8 =	vand.u32 $0x7E, v11;
	v17 =	vld.idx.msk [tilespmem:v9+s3+$0x0], $0xffff;
	v9 =	vmov s31  }
0x1da: {  	v18 =	vld.idx.msk [tilespmem:v23+s3+$0x0], $0xffff;
	v23 =	vmov s8;
	v11 =	vbroadcast v8, $0x0;
	[tilespmem:s26+$0xA0] =	vst v29;
	v8 =	vand.u32 $0x7F, v9  }
0x1db: {  	v19 =	vor.u32 v4, v24;
	[tilespmem:s1+$0xFFFFFFA0] =	vst v15;
	v9 =	vand.u32 $0x7B, v23;
	v24 =	vld.idx.msk [tilespmem:v63+s3+$0x0], $0xffff;
	v8 =	vbroadcast v8, $0x0  }
0x1dc: {  	s18 =	simm.s32 $0x8;
	s19 =	simm.s32 $0x18;
	[tilespmem:s26+$0x20] =	vst v27;
	v23 =	vld.idx.msk [tilespmem:v31+s3+$0x0], $0xffff;
	v9 =	vbroadcast v9, $0x0;
	v26 =	vor.u32 v0, v11  }
.LBB2_13:
0x1dd: {  	v15 =	vmov s19;
	s6 =	sadd.s32 $0x2, s19;
	s18 =	sadd.s32 $0x4, s18;
	v27 =	vor.u32 v4, v7;
	v25 =	vld.idx.msk [tilespmem:v25+s3+$0x0], $0xffff;
	v28 =	vor.u32 v0, v8;
	[tilespmem:s0+$0x60] =	vst v20  }
0x1de: {  	s8 =	sadd.s32 $0x5, s2;
	v7 =	vand.u32 $0x78, v15;
	v15 =	vmov s6;
	s6 =	sadd.s32 $0x4, s19;
	p3 =	slt.u32 s18, $0x3C;
	v20 =	vor.u32 v0, v9;
	[tilespmem:s1+$0x10] =	vst v14;
	v14 =	vld.idx.msk [tilespmem:v21+s3+$0x0], $0xffff  }
0x1df: {  	s2 =	smov.u32 s13;
	s13 =	smov.u32 s19;
	v7 =	vbroadcast v7, $0x0;
	v21 =	vand.u32 $0x7A, v15;
	v29 =	vmov s6;
	v15 =	vld.idx.msk [tilespmem:v16+s3+$0x0], $0xffff;
	[tilespmem:s0+$0xE0] =	vst v18  }
0x1e0: {  	v18 =	vbroadcast v21, $0x0;
	v16 =	vand.u32 $0x7C, v29;
	[tilespmem:s1+$0xFFFFFF20] =	vst v22;
	v21 =	vmov s8;
	v19 =	vld.idx.msk [tilespmem:v19+s3+$0x0], $0xffff  }
0x1e1: {  	v22 =	vor.u32 v0, v7;
	v29 =	vbroadcast v16, $0x0;
	v13 =	vld.idx.msk [tilespmem:v13+s3+$0x0], $0xffff;
	v16 =	vand.u32 $0x7D, v21;
	[tilespmem:s26+$0xB0] =	vst v24  }
0x1e2: {  	s6 =	sadd.s32 $0x1, s2;
	v21 =	vor.u32 v0, v18;
	[tilespmem:s1+$0xFFFFFFB0] =	vst v23;
	v23 =	vld.idx.msk [tilespmem:v26+s3+$0x0], $0xffff;
	v24 =	vbroadcast v16, $0x0  }
0x1e3: {  	v16 =	vor.u32 v0, v29;
	v26 =	vld.idx.msk [tilespmem:v27+s3+$0x0], $0xffff;
	v27 =	vmov s6;
	[tilespmem:s26+$0x30] =	vst v25  }
0x1e4: {  	v25 =	vand.u32 $0x79, v27;
	v27 =	vor.u32 v0, v24;
	v28 =	vld.idx.msk [tilespmem:v28+s3+$0x0], $0xffff;
	[tilespmem:s0+$0x70] =	vst v14  }
0x1e5: {  	v25 =	vbroadcast v25, $0x0;
	v14 =	vld.idx.msk [tilespmem:v20+s3+$0x0], $0xffff;
	v20 =	vor.u32 v2, v9;
	[tilespmem:s0+$0xFFFFFF70] =	vst v17  }
0x1e6: {  	v17 =	vld.idx.msk [tilespmem:v22+s3+$0x0], $0xffff;
	v22 =	vor.u32 v2, v8;
	[tilespmem:s0+$0xF0] =	vst v19;
	s0 =	smov.u32 s26;
	s26 =	smov.u32 s1  }
0x1e7: {  	v19 =	vld.idx.msk [tilespmem:v21+s3+$0x0], $0xffff;
	v21 =	vor.u32 v0, v25;
	[tilespmem:s0+$0xFFFFFF50] =	vst v12  }
0x1e8: {  	v12 =	vld.idx.msk [tilespmem:v16+s3+$0x0], $0xffff;
	v16 =	vor.u32 v2, v11;
	[tilespmem:s0+$0xFFFFFFE0] =	vst v13  }
0x1e9: {  	v30 =	vor.u32 v2, v18;
	[tilespmem:s1+$0xFFFFFF30] =	vst v26;
	v26 =	vld.idx.msk [tilespmem:v27+s3+$0x0], $0xffff  }
0x1ea: {  	v27 =	vor.u32 v2, v29;
	v10 =	vld.idx.msk [tilespmem:v10+s3+$0x0], $0xffff;
	[tilespmem:s0+$0xC0] =	vst v28  }
0x1eb: {  	v28 =	vor.u32 v2, v24;
	[tilespmem:s1+$0xFFFFFFC0] =	vst v14;
	v22 =	vld.idx.msk [tilespmem:v22+s3+$0x0], $0xffff  }
0x1ec: {  	v13 =	vor.u32 v3, v9;
	s1 =	sadd.s32 $0x200, s1;
	v21 =	vld.idx.msk [tilespmem:v21+s3+$0x0], $0xffff;
	[tilespmem:s26+$0x80] =	vst v23  }
0x1ed: {  	v23 =	vor.u32 v3, v5;
	[tilespmem:s1+$0xFFFFFF80] =	vst v19;
	v19 =	vld.idx.msk [tilespmem:v16+s3+$0x0], $0xffff  }
0x1ee: {  	v31 =	vor.u32 v2, v7;
	v30 =	vld.idx.msk [tilespmem:v30+s3+$0x0], $0xffff;
	[tilespmem:s1+$0x0] =	vst v12  }
0x1ef: {  	v12 =	vor.u32 v3, v11;
	v14 =	vld.idx.msk [tilespmem:v27+s3+$0x0], $0xffff;
	[tilespmem:s0+$0x40] =	vst v26  }
0x1f0: {  	v26 =	vor.u32 v3, v18;
	[tilespmem:s0+$0xFFFFFFF0] =	vst v10;
	v27 =	vld.idx.msk [tilespmem:v28+s3+$0x0], $0xffff  }
0x1f1: {  	v16 =	vor.u32 v3, v29;
	v28 =	vor.u32 v2, v25;
	v20 =	vld.idx.msk [tilespmem:v20+s3+$0x0], $0xffff;
	[tilespmem:s0+$0xD0] =	vst v22  }
0x1f2: {  	v22 =	vor.u32 v3, v24;
	[tilespmem:s1+$0xFFFFFF00] =	vst v17;
	v17 =	vld.idx.msk [tilespmem:v23+s3+$0x0], $0xffff;
	v23 =	vor.u32 v3, v8  }
0x1f3: {  	v10 =	vor.u32 v4, v9;
	v31 =	vld.idx.msk [tilespmem:v31+s3+$0x0], $0xffff;
	[tilespmem:s26+$0x90] =	vst v19  }
0x1f4: {  	v19 =	vor.u32 v4, v5;
	v5 =	vmov v25;
	[tilespmem:s1+$0xFFFFFF90] =	vst v30;
	v9 =	vld.idx.msk [tilespmem:v12+s3+$0x0], $0xffff  }
0x1f5: {  	v30 =	vor.u32 v3, v7;
	v26 =	vld.idx.msk [tilespmem:v26+s3+$0x0], $0xffff;
	[tilespmem:s26+$0xFFFFFF40] =	vst v21  }
0x1f6: {  	v12 =	vld.idx.msk [tilespmem:v28+s3+$0x0], $0xffff;
	v28 =	vor.u32 v4, v11;
	[tilespmem:s0+$0x50] =	vst v27  }
0x1f7: {  	s6 =	sadd.s32 $0x6, s19;
	v27 =	vor.u32 v4, v18;
	[tilespmem:s26+$0xFFFFFFD0] =	vst v20;
	v20 =	vld.idx.msk [tilespmem:v22+s3+$0x0], $0xffff  }
.Ltmp8:
0x1f8: {  	v25 =	vor.u32 v4, v6;
	v6 =	vmovc v29;
	v21 =	vor.u32 v4, v24;
	v11 =	vmov s6;
	s6 =	sadd.s32 $0x7, s2;
	[tilespmem:s0+$0xFFFFFF60] =	vst v17;
	v18 =	vld.idx.msk [tilespmem:v23+s3+$0x0], $0xffff;
	(pc) =	sbr.rel @p3 .LBB2_13-.Ltmp8, $4  }
0x1f9: {  	s8 =	sadd.s32 $0x3, s19;
	v11 =	vand.u32 $0x7E, v11;
	v23 =	vmov s6;
	[tilespmem:s1+$0xFFFFFF10] =	vst v31;
	v17 =	vld.idx.msk [tilespmem:v19+s3+$0x0], $0xffff;
	v19 =	vor.u32 v4, v8  }
0x1fa: {  	v11 =	vbroadcast v11, $0x0;
	v8 =	vmov s8;
	v22 =	vld.idx.msk [tilespmem:v30+s3+$0x0], $0xffff;
	[tilespmem:s26+$0xA0] =	vst v9;
	v9 =	vand.u32 $0x7F, v23  }
0x1fb: {  	[tilespmem:s1+$0xFFFFFFA0] =	vst v26;
	v26 =	vand.u32 $0x7B, v8;
	v24 =	vld.idx.msk [tilespmem:v28+s3+$0x0], $0xffff;
	v8 =	vbroadcast v9, $0x0  }
0x1fc: {  	s19 =	sadd.s32 $0x8, s19;
	v23 =	vld.idx.msk [tilespmem:v27+s3+$0x0], $0xffff;
	v9 =	vbroadcast v26, $0x0;
	v26 =	vor.u32 v0, v11;
	[tilespmem:s26+$0x20] =	vst v15  }
0x1fd: {  	_ =	sdelay $0x3  }
0x1fe: {  	v15 =	vld.idx.msk [tilespmem:v26+s3+$0x0], $0xffff  }
0x1ff: {  	v59 =	vor.u32 v2, v11  }
0x200: {  	[tilespmem:s0+$0x60] =	vst v20  }
0x201: {  	[tilespmem:s1+$0x10] =	vst v14  }
0x202: {  	s2 =	sadd.s32 $0x5, s2;
	[tilespmem:s0+$0xE0] =	vst v18  }
0x203: {  	v60 =	vld.idx.msk [tilespmem:v25+s3+$0x0], $0xffff;
	v62 =	vmov s2;
	[tilespmem:s1+$0x80] =	vst v15  }
0x204: {  	[tilespmem:s26+$0xFFFFFF50] =	vst v12;
	v63 =	vand.u32 $0x7D, v62;
	v25 =	vld.idx.msk [tilespmem:v59+s3+$0x0], $0xffff  }
0x205: {  	v26 =	vor.u32 v3, v11;
	[tilespmem:s0+$0xFFFFFF70] =	vst v17;
	v15 =	vbroadcast v63, $0x0  }
0x206: {  	v7 =	vor.u32 v4, v7;
	v13 =	vld.idx.msk [tilespmem:v13+s3+$0x0], $0xffff;
	[tilespmem:s1+$0xFFFFFF20] =	vst v22  }
0x207: {  	v16 =	vld.idx.msk [tilespmem:v16+s3+$0x0], $0xffff;
	[tilespmem:s26+$0xB0] =	vst v24;
	v27 =	vor.u32 v0, v15  }
0x208: {  	v6 =	vor.u32 v4, v6;
	v61 =	vld.idx.msk [tilespmem:v21+s3+$0x0], $0xffff;
	[tilespmem:s1+$0xFFFFFFB0] =	vst v23  }
0x209: {  	v28 =	vor.u32 v0, v8;
	s29 =	sadd.s32 $0x1, s13;
	v19 =	vld.idx.msk [tilespmem:v19+s3+$0x0], $0xffff;
	[tilespmem:s1+$0x90] =	vst v25  }
0x20a: {  	v29 =	vor.u32 v0, v9;
	v31 =	vmov s29;
	[tilespmem:s26+$0x30] =	vst v60;
	v30 =	vld.idx.msk [tilespmem:v26+s3+$0x0], $0xffff  }
0x20b: {  	s6 =	sadd.s32 $0x5, s13;
	v32 =	vor.u32 v4, v11;
	v20 =	vand.u32 $0x79, v31;
	v7 =	vld.idx.msk [tilespmem:v7+s3+$0x0], $0xffff;
	[tilespmem:s26+$0xFFFFFFE0] =	vst v13  }
0x20c: {  	s30 =	sadd.s32 $0x7, s13;
	v33 =	vmov s6;
	v39 =	vbroadcast v20, $0x0;
	[tilespmem:s1+$0x20] =	vst v16;
	v34 =	vld.idx.msk [tilespmem:v27+s3+$0x0], $0xffff  }
0x20d: {  	v38 =	vmov s30;
	v35 =	vand.u32 $0x7D, v33;
	[tilespmem:s0+$0x70] =	vst v61;
	v37 =	vor.u32 v2, v15;
	v6 =	vld.idx.msk [tilespmem:v6+s3+$0x0], $0xffff  }
0x20e: {  	v41 =	vand.u32 $0x7F, v38;
	v14 =	vbroadcast v35, $0x0;
	v36 =	vld.idx.msk [tilespmem:v28+s3+$0x0], $0xffff;
	v43 =	vor.u32 v0, v39;
	[tilespmem:s0+$0xF0] =	vst v19  }
0x20f: {  	v40 =	vor.u32 v2, v8;
	v13 =	vbroadcast v41, $0x0;
	v18 =	vld.idx.msk [tilespmem:v29+s3+$0x0], $0xffff;
	[tilespmem:s1+$0xA0] =	vst v30  }
0x210: {  	v42 =	vor.u32 v0, v14;
	[tilespmem:s1+$0xFFFFFF30] =	vst v7;
	v7 =	vld.idx.msk [tilespmem:v32+s3+$0x0], $0xffff  }
0x211: {  	v10 =	vld.idx.msk [tilespmem:v10+s3+$0x0], $0xffff;
	v44 =	vor.u32 v0, v13;
	[tilespmem:s26+$0x40] =	vst v34  }
0x212: {  	[tilespmem:s1+$0x30] =	vst v6;
	v6 =	vor.u32 v3, v5;
	v46 =	vld.idx.msk [tilespmem:v37+s3+$0x0], $0xffff  }
0x213: {  	v47 =	vor.u32 v3, v15;
	[tilespmem:s26+$0xC0] =	vst v36;
	v48 =	vld.idx.msk [tilespmem:v43+s3+$0x0], $0xffff  }
0x214: {  	v49 =	vor.u32 v2, v39;
	v20 =	vld.idx.msk [tilespmem:v40+s3+$0x0], $0xffff;
	[tilespmem:s1+$0xFFFFFFC0] =	vst v18  }
0x215: {  	v45 =	vor.u32 v2, v9;
	v17 =	vld.idx.msk [tilespmem:v42+s3+$0x0], $0xffff;
	[tilespmem:s1+$0xB0] =	vst v7  }
0x216: {  	[tilespmem:s26+$0xFFFFFFF0] =	vst v10;
	v7 =	vor.u32 v2, v14;
	v11 =	vld.idx.msk [tilespmem:v44+s3+$0x0], $0xffff  }
0x217: {  	v50 =	vor.u32 v2, v13;
	v6 =	vld.idx.msk [tilespmem:v6+s3+$0x0], $0xffff;
	[tilespmem:s26+$0x50] =	vst v46  }
0x218: {  	v51 =	vor.u32 v3, v8;
	[tilespmem:s1+$0xFFFFFF40] =	vst v48;
	v21 =	vld.idx.msk [tilespmem:v47+s3+$0x0], $0xffff  }
0x219: {  	v15 =	vor.u32 v4, v15;
	[tilespmem:s26+$0xD0] =	vst v20;
	v10 =	vld.idx.msk [tilespmem:v49+s3+$0x0], $0xffff  }
0x21a: {  	v55 =	vor.u32 v3, v39;
	v12 =	vld.idx.msk [tilespmem:v45+s3+$0x0], $0xffff;
	[tilespmem:s1+$0x40] =	vst v17  }
0x21b: {  	v52 =	vor.u32 v3, v9;
	v7 =	vld.idx.msk [tilespmem:v7+s3+$0x0], $0xffff;
	[tilespmem:s1+$0xC0] =	vst v11  }
0x21c: {  	v53 =	vor.u32 v3, v14;
	[tilespmem:s26+$0xFFFFFF60] =	vst v6;
	v54 =	vld.idx.msk [tilespmem:v50+s3+$0x0], $0xffff  }
0x21d: {  	v57 =	vor.u32 v3, v13;
	v56 =	vld.idx.msk [tilespmem:v51+s3+$0x0], $0xffff;
	[tilespmem:s26+$0x60] =	vst v21  }
0x21e: {  	v5 =	vor.u32 v4, v5;
	[tilespmem:s1+$0xFFFFFF50] =	vst v10;
	v6 =	vld.idx.msk [tilespmem:v15+s3+$0x0], $0xffff  }
0x21f: {  	v58 =	vor.u32 v4, v8;
	[tilespmem:s1+$0xFFFFFFD0] =	vst v12;
	v10 =	vld.idx.msk [tilespmem:v55+s3+$0x0], $0xffff  }
0x220: {  	v62 =	vor.u32 v4, v39;
	v59 =	vld.idx.msk [tilespmem:v52+s3+$0x0], $0xffff;
	[tilespmem:s1+$0x50] =	vst v7  }
0x221: {  	v7 =	vor.u32 v4, v9;
	v60 =	vld.idx.msk [tilespmem:v53+s3+$0x0], $0xffff;
	[tilespmem:s1+$0xD0] =	vst v54  }
0x222: {  	v61 =	vor.u32 v4, v14;
	[tilespmem:s26+$0xE0] =	vst v56;
	v63 =	vld.idx.msk [tilespmem:v57+s3+$0x0], $0xffff  }
0x223: {  	v5 =	vld.idx.msk [tilespmem:v5+s3+$0x0], $0xffff;
	[tilespmem:s26+$0x70] =	vst v6;
	v6 =	vor.u32 v4, v13  }
0x224: {  	v8 =	vld.idx.msk [tilespmem:v58+s3+$0x0], $0xffff;
	[tilespmem:s1+$0xFFFFFF60] =	vst v10  }
0x225: {  	[tilespmem:s1+$0xFFFFFFE0] =	vst v59;
	v10 =	vld.idx.msk [tilespmem:v62+s3+$0x0], $0xffff  }
0x226: {  	v7 =	vld.idx.msk [tilespmem:v7+s3+$0x0], $0xffff;
	[tilespmem:s1+$0x60] =	vst v60  }
0x227: {  	v9 =	vld.idx.msk [tilespmem:v61+s3+$0x0], $0xffff;
	[tilespmem:s1+$0xE0] =	vst v63  }
0x228: {  	[tilespmem:s26+$0xFFFFFF70] =	vst v5;
	v5 =	vld.idx.msk [tilespmem:v6+s3+$0x0], $0xffff  }
0x229: {  	[tilespmem:s26+$0xF0] =	vst v8  }
0x22a: {  	[tilespmem:s1+$0xFFFFFF70] =	vst v10  }
.Ltmp9:
0x22b: {  	[tilespmem:s1+$0xFFFFFFF0] =	vst v7;
	(pc) =	sbr.rel .LBB2_15-.Ltmp9, $4  }
0x22c: {  	[tilespmem:s1+$0x70] =	vst v9  }
0x22d: {  	[tilespmem:s1+$0xF0] =	vst v5  }
0x22e: {  	s31 =	rddreg [dreg:$0x6]  }
0x22f: {  	[hbm4b:s31+s3] =	stream.linear.scatter [tilespmem:s16], [sflag:$0x3], $0x2000, $0x38;
	[tilespmem:$0x8000] =	vst v63  }
.LBB2_16:
0x230: {  	_ =	sfence.sel $0x180000  }
0x231: {  	[bflag:$0x0] =	sbarrier.arrive $0xFFFF  }
0x232: {  	_ =	strace $0x90000047  }
0x233: {  	s0 =	stileid.u32;
	[bflag:$0x2] =	sbarrier.arrive $0xFFFF  }
0x234: {  	p0 =	sne.s32 s0, $0x0;
	s0 =	rddreg [dreg:$0x3]  }
0x235: {  	s0 =	sadd.s32 @!p0 $0x100000, s0  }
0x236: {  	[sflag:s0] =	ssyncadd.tile.s32 @!p0 $0x1;
	_ =	shalt  }
.Lfunc_end2:
_tile_overlayer_lowered:
.L_overlay_start_2:
0x237: {  	(tag) =	ssettag $0x2  }
0x238: {  	s0 =	rddreg [dreg:$0x0];
	s2 =	stileid.u32  }
0x239: {  	s1 =	rddreg [dreg:$0x1];
	p0 =	sne.s32 s2, $0x0  }
0x23a: {  	s3 =	rddreg [dreg:$0x2];
	[bflag:$0x3] =	sbarrier.arrive $0xFFFF;
	s2 =	simm.s32 @!p0 $0x1C05  }
0x23b: {  	[timem:s3], [sflag:s2] =	dma.local @!p0 [hbm:s0], s1  }
0x23c: {  	s0 =	simm.s32 @!p0 $0x5  }
0x23d: {  	_ =	swait.ge @!p0 [sflag:s0], s1  }
0x23e: {  	s1 =	ssub.s32 @!p0 $0x0, s1;
	[sflag:s0] =	ssyncset.done @!p0 $0x0  }
0x23f: {  	[sflag:s0] =	ssyncadd.s32 @!p0 s1  }
0x240: {  	[bflag:$0x3] =	sbarrier.arrive $0xFFFF  }
0x241: {  	_ =	shalt  }

// kernel: kernel.8.cloned.1.call-start
scs
__scs_entry_jumppad:
0x0: {  	(pc) =	sbr.rel $0x88, $3  }
0x1: {  	(tag) =	ssettag $0x0;
	lr =	simm.s32 $0x1  }
0x2: {  	[smem:$0x3F9D] =	sst lr;
	_ =	strace $0xD0000000  }
0x3: {  	_ = 	snop  }
0x4: {  	_ = 	snop  }
0x5: {  	_ = 	snop  }
0x6: {  	_ = 	snop  }
0x7: {  	_ = 	snop  }
__scs_overlays_trampoline_lowered:
0x8: {  	[smem:$0x3FAC] =	sst s0  }
0x9: {  	[smem:$0x3FAD] =	sst s1  }
0xa: {  	[smem:$0x3FAE] =	sst s2  }
0xb: {  	[smem:$0x3FAF] =	sst s3  }
0xc: {  	[smem:$0x3FB0] =	sst s4  }
0xd: {  	[smem:$0x3FB1] =	sst s5  }
0xe: {  	[smem:$0x3FB2] =	sst s6  }
0xf: {  	[smem:$0x3FB3] =	sst s7  }
0x10: {  	[smem:$0x3FB4] =	sst s8  }
0x11: {  	[smem:$0x3FB5] =	sst s9;
	s0 =	simm.s32 @!p0 $0x0  }
0x12: {  	s1 =	sld [smem:$0x3F9B];
	s0 =	simm.s32 @p0 $0x1  }
0x13: {  	[smem:$0x3FB6] =	sst s0;
	s0 =	simm.s32 @!p1 $0x0  }
0x14: {  	s2 =	sld [smem:$0x3F9A];
	s0 =	simm.s32 @p1 $0x1  }
0x15: {  	[smem:$0x3FB7] =	sst s0;
	s0 =	simm.s32 @!p2 $0x0  }
0x16: {  	s3 =	sld [smem:$0x3FDB];
	s0 =	simm.s32 @p2 $0x1  }
0x17: {  	s4 =	simm.s32 $0x1BF5;
	[smem:$0x3FB9] =	sst s0  }
0x18: {  	s0 =	sld [smem:$0x3F9C];
	_ =	swait.ge [sflag:s4], $0x0  }
0x19: {  	s7 =	sld [smem:$0x3F9D]  }
0x1a: {  	s8 =	sadd.s32 $0xFFFFE003, lr  }
0x1b: {  	s9 =	sadd.s32 $0xFFFFFEF7, lr;
	s5 =	simm.s32 $0xFFFFFFFF;
	p2 =	slt.u32 s8, $0xFFFFF086  }
0x1c: {  	p1 =	slt.u32 s9, $0xF7A;
	s5 =	simm.s32 @!p2 $0x0  }
0x1d: {  	s5 =	simm.s32 @p1 $0x1;
	p0 =	seq.s32 s7, s2  }
0x1e: {  	s7 =	smul.u32 @!p0 $0xF7A, s2;
	p2 =	seq.s32 @!p0 s5, $0x0  }
0x1f: {  	s9 =	smul.u32 $0xF7A, s1;
	s8 =	simm.s32 @!p0 $0x1BF5;
	p2 =	por !p2, p0  }
0x20: {  	[sflag:s8] =	ssyncset.s32 @!p0 $0xFFFFF086;
	s6 =	sadd.s32 @!p0 s3, s7;
	s7 =	simm.s32 @!p0 $0x108  }
0x21: {  	s3 =	sadd.s32 s3, s9;
	s6 =	sadd.s32 @!p0 $0x88, s6;
	s7 =	simm.s32 @p2 $0x1082  }
0x22: {  	[simem:s7], [sflag:s8] =	dma.local @!p0 [hbm:s6], $0xF7A  }
0x23: {  	s9 =	sor.u32 $0xD0000000, s2;
	s6 =	simm.s32 $0x108;
	_ =	swait.ge @!p0 [sflag:s8], $0x0  }
0x24: {  	s3 =	sadd.s32 $0x88, s3;
	s6 =	simm.s32 @!p1 $0x1082;
	[sflag:s4] =	ssyncset.s32 $0xFFFFF086  }
0x25: {  	[simem:s6], [sflag:s4] =	dma.local [hbm:s3], $0xF7A  }
0x26: {  	[smem:$0x3F9D] =	sst s1;
	(tag) =	ssettag s2;
	_ =	strace s9  }
0x27: {  	s1 =	sld [smem:$0x3FAD]  }
0x28: {  	s2 =	sld [smem:$0x3FAE]  }
0x29: {  	s4 =	sld [smem:$0x3FB0]  }
0x2a: {  	p0 =	seq.s32 s5, $0x0;
	s5 =	sld [smem:$0x3FB1]  }
0x2b: {  	s6 =	sld [smem:$0x3FB2]  }
0x2c: {  	s7 =	sld [smem:$0x3FB3]  }
0x2d: {  	s3 =	simm.s32 $0x108;
	s8 =	sld [smem:$0x3FB4]  }
0x2e: {  	s3 =	simm.s32 @!p0 $0x1082;
	s9 =	sld [smem:$0x3FB5]  }
0x2f: {  	lr =	sadd.s32 s0, s3;
	s0 =	sld [smem:$0x3FAC]  }
0x30: {  	s3 =	sld [smem:$0x3FAF]  }
0x31: {  	[smem:$0x3FB8] =	sst s10  }
0x32: {  	s10 =	sld [smem:$0x3FB6];
	_ =	sdelay $0x3  }
0x33: {  	p0 =	seq.s32 s10, $0x1;
	s10 =	sld [smem:$0x3FB8];
	_ =	sdelay $0x3  }
0x34: {  	[smem:$0x3FB8] =	sst s10  }
0x35: {  	s10 =	sld [smem:$0x3FB7];
	_ =	sdelay $0x3  }
0x36: {  	p1 =	seq.s32 s10, $0x1;
	s10 =	sld [smem:$0x3FB8];
	_ =	sdelay $0x3  }
0x37: {  	[smem:$0x3FB8] =	sst s10  }
0x38: {  	s10 =	sld [smem:$0x3FB9]  }
0x39: {  	_ = 	snop;
	(pc) =	sbr.ind lr, $3  }
0x3a: {  	_ = 	snop  }
0x3b: {  	_ = 	snop  }
0x3c: {  	p2 =	seq.s32 s10, $0x1;
	s10 =	sld [smem:$0x3FB8]  }
0x3d: {  	_ =	shalt  }
0x3e: {  	_ =	shalt  }
0x3f: {  	_ =	shalt  }
0x40: {  	_ =	shalt  }
0x41: {  	_ =	shalt  }
0x42: {  	_ =	shalt  }
0x43: {  	_ =	shalt  }
0x44: {  	_ =	shalt  }
0x45: {  	_ =	shalt  }
0x46: {  	_ =	shalt  }
0x47: {  	_ =	shalt  }
0x48: {  	_ =	shalt  }
0x49: {  	_ =	shalt  }
0x4a: {  	_ =	shalt  }
0x4b: {  	_ =	shalt  }
0x4c: {  	_ =	shalt  }
0x4d: {  	_ =	shalt  }
0x4e: {  	_ =	shalt  }
0x4f: {  	_ =	shalt  }
0x50: {  	_ =	shalt  }
0x51: {  	_ =	shalt  }
0x52: {  	_ =	shalt  }
0x53: {  	_ =	shalt  }
0x54: {  	_ =	shalt  }
0x55: {  	_ =	shalt  }
0x56: {  	_ =	shalt  }
0x57: {  	_ =	shalt  }
0x58: {  	_ =	shalt  }
0x59: {  	_ =	shalt  }
0x5a: {  	_ =	shalt  }
0x5b: {  	_ =	shalt  }
0x5c: {  	_ =	shalt  }
0x5d: {  	_ =	shalt  }
0x5e: {  	_ =	shalt  }
0x5f: {  	_ =	shalt  }
0x60: {  	_ =	shalt  }
0x61: {  	_ =	shalt  }
0x62: {  	_ =	shalt  }
0x63: {  	_ =	shalt  }
0x64: {  	_ =	shalt  }
0x65: {  	_ =	shalt  }
0x66: {  	_ =	shalt  }
0x67: {  	_ =	shalt  }
0x68: {  	_ =	shalt  }
0x69: {  	_ =	shalt  }
0x6a: {  	_ =	shalt  }
0x6b: {  	_ =	shalt  }
0x6c: {  	_ =	shalt  }
0x6d: {  	_ =	shalt  }
0x6e: {  	_ =	shalt  }
0x6f: {  	_ =	shalt  }
0x70: {  	_ =	shalt  }
0x71: {  	_ =	shalt  }
0x72: {  	_ =	shalt  }
0x73: {  	_ =	shalt  }
0x74: {  	_ =	shalt  }
0x75: {  	_ =	shalt  }
0x76: {  	_ =	shalt  }
0x77: {  	_ =	shalt  }
0x78: {  	_ =	shalt  }
0x79: {  	_ =	shalt  }
0x7a: {  	_ =	shalt  }
0x7b: {  	_ =	shalt  }
0x7c: {  	_ =	shalt  }
0x7d: {  	_ =	shalt  }
0x7e: {  	_ =	shalt  }
0x7f: {  	_ =	shalt  }
0x80: {  	_ =	shalt  }
0x81: {  	_ =	shalt  }
0x82: {  	_ =	shalt  }
0x83: {  	_ =	shalt  }
0x84: {  	_ =	shalt  }
0x85: {  	_ =	shalt  }
0x86: {  	_ =	shalt  }
0x87: {  	_ =	shalt  }
.Lfunc_end0:
.L_simem_size_0:
called_computation.1_lowered:
.L_overlay_start_0:
0x88: {  	s2 =	sld [smem:$0x3FD9]  }
0x89: {  	s3 =	sld [smem:$0x3FFE];
	_ =	sdelay $0x1  }
0x8a: {  	s1 =	srdreg.scid  }
0x8b: {  	s0 =	sand.u32 $0x1, s1  }
0x8c: {  	s17 =	sshll.u32 s0, $0xA;
	s2 =	sadd.s32 s3, s2  }
0x8d: {  	s2 =	sadd.s32 s2, s17  }
0x8e: {  	[smem:$0x3FC4] =	sst s2  }
0x8f: {  	_ = 	snop  }
0x90: {  	s2 =	sld [smem:$0x3FC9]  }
0x91: {  	s18 =	sld [smem:$0x3FD0];
	(tm) =	ssettm $0x1  }
0x92: {  	s4 =	sld [smem:$0x3FFB];
	_ =	sdelay $0x3  }
0x93: {  	_ =	strace s4  }
0x94: {  	s4 =	sld [smem:$0x3FFC];
	_ =	sdelay $0x3  }
0x95: {  	_ =	strace s4  }
0x96: {  	s4 =	sld [smem:$0x3FFD];
	_ =	sdelay $0x3  }
0x97: {  	_ =	strace s4  }
0x98: {  	_ =	strace $0x8FFFFFFF  }
0x99: {  	s19 =	sld [smem:$0x3FDB];
	_ =	sdelay $0x1  }
0x9a: {  	s5 =	simm.s32 $_scs_section_size  }
0x9b: {  	s6 =	simm.s32 $_size__tile_overlayer_lowered;
	s7 =	simm.s32 $_tile_overlayer_lowered  }
0x9c: {  	s22 =	simm.s32 $0x1BFF;
	s21 =	sshll.u32 s7, $0x1;
	s4 =	sadd.s32 s5, s19  }
0x9d: {  	s8 =	simm.s32 $0x0;
	s20 =	sshll.u32 s6, $0x1;
	s6 =	sadd.s32 s21, s4  }
0x9e: {  	[timem:s8], [sflag:s22] =	dma.local [hbm:s6], s20  }
0x9f: {  	_ =	swait.ge [sflag:s22], s20  }
0xa0: {  	s5 =	ssub.s32 $0x0, s20;
	[sflag:s22] =	ssyncset.done $0x0  }
0xa1: {  	[sflag:s22] =	ssyncadd.s32 s5;
	_ =	sdelay $0x1  }
0xa2: {  	s23 =	simm.s32 $0x1B8B  }
0xa3: {  	_ =	swait.ge [sflag:s23], $0x1  }
0xa4: {  	[sflag:s23] =	ssyncset.done $0x0  }
0xa5: {  	s25 =	simm.s32 $0x1B8E;
	s24 =	sld [smem:$0x3FFE];
	[sflag:s23] =	ssyncadd.s32 $0xFFFFFFFF  }
0xa6: {  	s26 =	simm.s32 $execute0_lowered;
	[smem:$0x3FD2] =	sst s25  }
0xa7: {  	s6 =	sshll.u32 s26, $0x1;
	_ =	strace $0x80000049;
	[dreg:$0x1] =	wrdreg $0xFFFFFFFF  }
0xa8: {  	s28 =	simm.s32 $_size_execute0_lowered;
	s4 =	sadd.s32 s4, s6;
	[dreg:$0x0] =	wrdreg $0x0  }
0xa9: {  	s6 =	sshll.u32 s28, $0x1;
	[dreg:$0x2] =	wrdreg s4  }
0xaa: {  	[dreg:$0x3] =	wrdreg s6  }
0xab: {  	[dreg:$0x4] =	wrdreg $0xC0  }
0xac: {  	_ =	task [dreg:s8], $0x5FFFF  }
0xad: {  	[dreg:$0x1] =	wrdreg $0xFFFFFFFF  }
0xae: {  	[dreg:$0x0] =	wrdreg $0x60  }
0xaf: {  	[dreg:$0x2] =	wrdreg s24  }
0xb0: {  	[dreg:$0x3] =	wrdreg s2  }
0xb1: {  	[dreg:$0x4] =	wrdreg s18  }
0xb2: {  	[dreg:$0x5] =	wrdreg $0x9  }
0xb3: {  	_ =	task.clear_ibuf [dreg:s8], $0x6FFFF;
	_ =	strace $0x90000049  }
0xb4: {  	s29 =	simm.s32 $0x9;
	_ =	strace $0x8000004B  }
0xb5: {  	_ =	swait.ge [sflag:s29], $0x1  }
0xb6: {  	[sflag:s29] =	ssyncadd.s32 $0xFFFFFFFF  }
0xb7: {  	_ =	strace $0x9000004B  }
0xb8: {  	_ =	sfence  }
0xb9: {  	s30 =	sld [smem:$0x0];
	_ =	sdelay $0x2  }
0xba: {  	s31 =	sshll.u32 s1, $0xD;
	s1 =	sshrl.u32 s1, $0x2  }
0xbb: {  	s3 =	sand.u32 $0x4000, s31;
	s1 =	sadd.s32 s1, s30  }
0xbc: {  	s0 =	sor.u32 s3, s0;
	s1 =	sshll.u32 s1, $0x11  }
0xbd: {  	s0 =	sor.u32 s1, s0  }
0xbe: {  	s0 =	sadd.s32 $0x8F2B, s0  }
0xbf: {  	[sflag:s0] =	ssyncadd.remote.s32 $0x1  }
0xc0: {  	_ =	sfence.sel $0xFFFF  }
0xc1: {  	[dreg:$0x0] =	wrdreg $0xFFFFFFFF;
	(pc) =	sbr.abs _section_cstart, $3  }
0xc2: {  	[dreg:$0x1] =	wrdreg $0xFFFFFFFF  }
0xc3: {  	_ =	task.clear_ibuf [dreg:s8], $0x2FFFF;
	_ =	strace $0x9FFFFFFF  }
0xc4: {  	(tm) =	ssettm $0x7FFFFFFF  }
0xc5: {  	_ =	shalt  }
tec
execute0_lowered:
.L_overlay_start_1:
0x0: {  	(tag) =	ssettag $0x1  }
0x1: {  	s0 =	rddreg [dreg:$0x0]  }
0x2: {  	s4 =	rddreg [dreg:$0x1]  }
0x3: {  	s6 =	rddreg [dreg:$0x2];
	s3 =	srdreg.scid;
	s2 =	simm.s32 $0x0  }
0x4: {  	s1 =	stileid.u32;
	s9 =	simm.s32 $0x8000;
	s10 =	simm.s32 $0x1800  }
0x5: {  	s11 =	simm.s32 $0x5;
	s12 =	simm.s32 $0x80;
	s13 =	simm.s32 $0x1C00  }
0x6: {  	s14 =	simm.s32 $0x5400;
	s15 =	simm.s32 $0x3800;
	s16 =	simm.s32 $0xD400  }
0x7: {  	s17 =	simm.s32 $0x1C80;
	s18 =	simm.s32 $0x9400;
	s19 =	simm.s32 $0x3880  }
0x8: {  	s20 =	simm.s32 $0x11400;
	s21 =	simm.s32 $0x1;
	s22 =	simm.s32 $0x3  }
0x9: {  	s23 =	simm.s32 $0x2;
	s24 =	simm.s32 $0x4;
	s25 =	simm.s32 $0x15400  }
0xa: {  	s26 =	simm.s32 $0x0;
	s3 =	sand.u32 $0x1, s3;
	[smem:$0x7FF] =	sst s2  }
.Ltmp0:
0xb: {  	s5 =	sshll.u32 s1, $0x8;
	s7 =	sshll.u32 s3, $0x7;
	(pc) =	sbr.rel .LBB2_1-.Ltmp0, $4  }
0xc: {  	_ =	strace $0x8000004A;
	s8 =	ssub.s32 $0x2, s3;
	s7 =	sor.u32 s7, s5  }
0xd: {  	s3 =	sadd.s32 $0xE00, s0;
	s31 =	sshrl.u32 s8, $0x1;
	s4 =	sadd.s32 s4, s7  }
0xe: {  	s0 =	ssub.s32 s8, s31;
	s7 =	sshll.u32 s7, $0x4;
	s8 =	simm.s32 $0x400  }
0xf: {  	v0 =	vlaneseq.u32;
	v1 =	vimm.f32 $0.0e+00;
	s5 =	sadd.s32 $0x6000, s4;
	s6 =	sadd.s32 s6, s7;
	s7 =	smax.u32 s0, $0x1  }
.LBB2_12:
0x10: {  	s26 =	sadd.s32 $0x1, s26  }
0x11: {  	p0 =	sne.s32 s26, s7  }
.Ltmp1:
0x12: {  	_ = 	snop;
	(pc) =	sbr.rel @!p0 .LBB2_13-.Ltmp1, $4  }
0x13: {  	[hbm4b:s6+s2] =	stream.linear.scatter [tilespmem:s25], [sflag:$0x5], $0x4000, $0x38;
	[tilespmem:$0x19400] =	vst v63  }
0x14: {  	_ =	swait.ge [sflag:s11], $0x4000  }
0x15: {  	[sflag:s11] =	ssyncset.done $0x0  }
0x16: {  	[sflag:s11] =	ssyncadd.s32 $0xFFFFC000  }
.LBB2_1:
0x17: {  	[tilespmem:s2], [sflag:$0x5] =	stream.strided.gather [hbm4b:s4+s8], $0x1800, s9, s8, $0x38;
	[tilespmem:$0x19400] =	vst v63  }
0x18: {  	_ = 	snop  }
0x19: {  	[tilespmem:s10], [sflag:$0x5] =	stream.linear.gather [hbm4b:s5+s2], $0x100, $0x38;
	[tilespmem:$0x19400] =	vst v63  }
0x1a: {  	_ =	swait.ge [sflag:s11], $0x1900  }
0x1b: {  	[sflag:s11] =	ssyncset.done $0x0  }
0x1c: {  	s28 =	simm.s32 $0x40;
	[sflag:s11] =	ssyncadd.s32 $0xFFFFE700  }
0x1d: {  	v2 =	vld [tilespmem:s28+$0xFFFFFFC0];
	_ =	sdelay $0x3  }
0x1e: {  	s0 =	sand.u32 $0xF80, s2  }
0x1f: {  	s0 =	sadd.s32 $0x7A120, s0;
	v3 =	vand.u32 $0x1, v2  }
0x20: {  	v4 =	vor.u32 s0, v0;
	v2 =	vshrl.u32 v2, $0x1;
	vm0 =	veq.s32 v3, $0x0  }
0x21: {  	s29 =	simm.s32 $0x1C40;
	v3 =	vsel vm0, v2, v4  }
0x22: {  	s30 =	simm.s32 $0x3840;
	v2 =	vsel vm0, v4, v2;
	[tilespmem:s29+$0xFFFFFFC0] =	vst v3  }
0x23: {  	[tilespmem:s30+$0xFFFFFFC0] =	vst v2  }
0x24: {  	v2 =	vld [tilespmem:s28+$0xFFFFFFD0];
	_ =	sdelay $0x2  }
0x25: {  	s1 =	simm.s32 $0x10  }
0x26: {  	s0 =	sand.u32 $0xF90, s1  }
0x27: {  	s0 =	sadd.s32 $0x7A120, s0;
	v3 =	vand.u32 $0x1, v2  }
0x28: {  	v57 =	vor.u32 s0, v0;
	v2 =	vshrl.u32 v2, $0x1;
	vm9 =	veq.s32 v3, $0x0  }
0x29: {  	v3 =	vsel vm9, v2, v57  }
0x2a: {  	v2 =	vsel vm9, v57, v2;
	[tilespmem:s29+$0xFFFFFFD0] =	vst v3  }
0x2b: {  	[tilespmem:s30+$0xFFFFFFD0] =	vst v2  }
0x2c: {  	v2 =	vld [tilespmem:s28+$0xFFFFFFE0];
	_ =	sdelay $0x2  }
0x2d: {  	s1 =	simm.s32 $0x20  }
0x2e: {  	s0 =	sand.u32 $0xFA0, s1  }
0x2f: {  	s0 =	sadd.s32 $0x7A120, s0;
	v3 =	vand.u32 $0x1, v2  }
0x30: {  	v58 =	vor.u32 s0, v0;
	v2 =	vshrl.u32 v2, $0x1;
	vm10 =	veq.s32 v3, $0x0  }
0x31: {  	v3 =	vsel vm10, v2, v58  }
0x32: {  	v2 =	vsel vm10, v58, v2;
	[tilespmem:s29+$0xFFFFFFE0] =	vst v3  }
0x33: {  	[tilespmem:s30+$0xFFFFFFE0] =	vst v2  }
0x34: {  	v2 =	vld [tilespmem:s28+$0xFFFFFFF0];
	_ =	sdelay $0x2  }
0x35: {  	s1 =	simm.s32 $0x30  }
0x36: {  	s0 =	sand.u32 $0xFB0, s1  }
0x37: {  	s0 =	sadd.s32 $0x7A120, s0;
	v3 =	vand.u32 $0x1, v2  }
0x38: {  	v59 =	vor.u32 s0, v0;
	v2 =	vshrl.u32 v2, $0x1;
	vm11 =	veq.s32 v3, $0x0  }
0x39: {  	v3 =	vsel vm11, v2, v59  }
0x3a: {  	v2 =	vsel vm11, v59, v2;
	[tilespmem:s29+$0xFFFFFFF0] =	vst v3  }
0x3b: {  	[tilespmem:s30+$0xFFFFFFF0] =	vst v2  }
0x3c: {  	v2 =	vld [tilespmem:s28+$0x0];
	_ =	sdelay $0x2  }
0x3d: {  	s1 =	simm.s32 $0x40  }
0x3e: {  	s0 =	sand.u32 $0xFC0, s1  }
0x3f: {  	s0 =	sadd.s32 $0x7A120, s0;
	v3 =	vand.u32 $0x1, v2  }
0x40: {  	v60 =	vor.u32 s0, v0;
	v2 =	vshrl.u32 v2, $0x1;
	vm12 =	veq.s32 v3, $0x0  }
0x41: {  	v3 =	vsel vm12, v2, v60  }
0x42: {  	v2 =	vsel vm12, v60, v2;
	[tilespmem:s29+$0x0] =	vst v3  }
0x43: {  	[tilespmem:s30+$0x0] =	vst v2  }
0x44: {  	v2 =	vld [tilespmem:s28+$0x10];
	_ =	sdelay $0x2  }
0x45: {  	s1 =	simm.s32 $0x50  }
0x46: {  	s0 =	sand.u32 $0xFD0, s1  }
0x47: {  	s0 =	sadd.s32 $0x7A120, s0;
	v3 =	vand.u32 $0x1, v2  }
0x48: {  	v61 =	vor.u32 s0, v0;
	v2 =	vshrl.u32 v2, $0x1;
	vm13 =	veq.s32 v3, $0x0  }
0x49: {  	v3 =	vsel vm13, v2, v61  }
0x4a: {  	v2 =	vsel vm13, v61, v2;
	[tilespmem:s29+$0x10] =	vst v3  }
0x4b: {  	[tilespmem:s30+$0x10] =	vst v2  }
0x4c: {  	v2 =	vld [tilespmem:s28+$0x20];
	_ =	sdelay $0x2  }
0x4d: {  	s1 =	simm.s32 $0x60  }
0x4e: {  	s0 =	sand.u32 $0xFE0, s1  }
0x4f: {  	s0 =	sadd.s32 $0x7A120, s0;
	v3 =	vand.u32 $0x1, v2  }
0x50: {  	v62 =	vor.u32 s0, v0;
	v2 =	vshrl.u32 v2, $0x1;
	vm14 =	veq.s32 v3, $0x0  }
0x51: {  	v3 =	vsel vm14, v2, v62  }
0x52: {  	v2 =	vsel vm14, v62, v2;
	[tilespmem:s29+$0x20] =	vst v3  }
0x53: {  	[tilespmem:s30+$0x20] =	vst v2  }
0x54: {  	v2 =	vld [tilespmem:s28+$0x30];
	_ =	sdelay $0x2  }
0x55: {  	s1 =	simm.s32 $0x70  }
0x56: {  	s0 =	sand.u32 $0xFF0, s1  }
0x57: {  	s0 =	sadd.s32 $0x7A120, s0;
	v3 =	vand.u32 $0x1, v2  }
0x58: {  	v63 =	vor.u32 s0, v0;
	v2 =	vshrl.u32 v2, $0x1;
	vm15 =	veq.s32 v3, $0x0  }
0x59: {  	v3 =	vsel vm15, v2, v63  }
0x5a: {  	s31 =	simm.s32 $0x80;
	v2 =	vsel vm15, v63, v2;
	[tilespmem:s29+$0x30] =	vst v3  }
.LBB2_2:
0x5b: {  	[tilespmem:s30+$0x30] =	vst v2;
	s30 =	sadd.s32 $0x80, s30;
	s29 =	sadd.s32 $0x80, s29;
	s28 =	sadd.s32 $0x80, s28  }
0x5c: {  	p0 =	sne.s32 s31, $0x1880;
	s0 =	smov.u32 s31;
	s31 =	sadd.s32 $0x80, s31;
	v2 =	vld [tilespmem:s28+$0xFFFFFFC0]  }
0x5d: {  	_ =	sdelay $0x2  }
0x5e: {  	s1 =	sand.u32 $0xF80, s0  }
0x5f: {  	s1 =	sadd.s32 $0x7A120, s1;
	v3 =	vand.u32 $0x1, v2  }
0x60: {  	v4 =	vor.u32 s1, v0;
	v2 =	vshrl.u32 v2, $0x1;
	vm0 =	veq.s32 v3, $0x0  }
0x61: {  	v3 =	vsel vm0, v2, v4;
	v2 =	vsel vm0, v4, v2  }
0x62: {  	[tilespmem:s29+$0xFFFFFFC0] =	vst v3  }
0x63: {  	[tilespmem:s30+$0xFFFFFFC0] =	vst v2  }
0x64: {  	v2 =	vld [tilespmem:s28+$0xFFFFFFD0];
	_ =	sdelay $0x2  }
0x65: {  	s1 =	sadd.s32 $0x10, s0  }
0x66: {  	s1 =	sand.u32 $0xF90, s1  }
0x67: {  	s1 =	sadd.s32 $0x7A120, s1;
	v3 =	vand.u32 $0x1, v2  }
0x68: {  	v4 =	vor.u32 s1, v0;
	v2 =	vshrl.u32 v2, $0x1;
	vm0 =	veq.s32 v3, $0x0  }
0x69: {  	v3 =	vsel vm0, v2, v4;
	v2 =	vsel vm0, v4, v2  }
0x6a: {  	[tilespmem:s29+$0xFFFFFFD0] =	vst v3  }
0x6b: {  	[tilespmem:s30+$0xFFFFFFD0] =	vst v2  }
0x6c: {  	v2 =	vld [tilespmem:s28+$0xFFFFFFE0];
	_ =	sdelay $0x2  }
0x6d: {  	s1 =	sadd.s32 $0x20, s0  }
0x6e: {  	s1 =	sand.u32 $0xFA0, s1  }
0x6f: {  	s1 =	sadd.s32 $0x7A120, s1;
	v3 =	vand.u32 $0x1, v2  }
0x70: {  	v4 =	vor.u32 s1, v0;
	v2 =	vshrl.u32 v2, $0x1;
	vm0 =	veq.s32 v3, $0x0  }
0x71: {  	v3 =	vsel vm0, v2, v4;
	v2 =	vsel vm0, v4, v2  }
0x72: {  	[tilespmem:s29+$0xFFFFFFE0] =	vst v3  }
0x73: {  	[tilespmem:s30+$0xFFFFFFE0] =	vst v2  }
0x74: {  	v2 =	vld [tilespmem:s28+$0xFFFFFFF0];
	_ =	sdelay $0x2  }
0x75: {  	s1 =	sadd.s32 $0x30, s0  }
0x76: {  	s1 =	sand.u32 $0xFB0, s1  }
0x77: {  	s1 =	sadd.s32 $0x7A120, s1;
	v3 =	vand.u32 $0x1, v2  }
0x78: {  	v4 =	vor.u32 s1, v0;
	v2 =	vshrl.u32 v2, $0x1;
	vm0 =	veq.s32 v3, $0x0  }
0x79: {  	v3 =	vsel vm0, v2, v4;
	v2 =	vsel vm0, v4, v2  }
0x7a: {  	[tilespmem:s29+$0xFFFFFFF0] =	vst v3  }
0x7b: {  	[tilespmem:s30+$0xFFFFFFF0] =	vst v2  }
0x7c: {  	v2 =	vld [tilespmem:s28+$0x0];
	_ =	sdelay $0x2  }
0x7d: {  	s1 =	sadd.s32 $0x40, s0  }
0x7e: {  	s1 =	sand.u32 $0xFC0, s1  }
0x7f: {  	s1 =	sadd.s32 $0x7A120, s1;
	v3 =	vand.u32 $0x1, v2  }
0x80: {  	v4 =	vor.u32 s1, v0;
	v2 =	vshrl.u32 v2, $0x1;
	vm0 =	veq.s32 v3, $0x0  }
0x81: {  	v3 =	vsel vm0, v2, v4;
	v2 =	vsel vm0, v4, v2  }
0x82: {  	[tilespmem:s29+$0x0] =	vst v3  }
0x83: {  	[tilespmem:s30+$0x0] =	vst v2  }
0x84: {  	v2 =	vld [tilespmem:s28+$0x10];
	_ =	sdelay $0x2  }
0x85: {  	s1 =	sadd.s32 $0x50, s0  }
0x86: {  	s1 =	sand.u32 $0xFD0, s1  }
0x87: {  	s1 =	sadd.s32 $0x7A120, s1;
	v3 =	vand.u32 $0x1, v2  }
0x88: {  	v4 =	vor.u32 s1, v0;
	v2 =	vshrl.u32 v2, $0x1;
	vm0 =	veq.s32 v3, $0x0  }
0x89: {  	v3 =	vsel vm0, v2, v4;
	v2 =	vsel vm0, v4, v2  }
0x8a: {  	[tilespmem:s29+$0x10] =	vst v3  }
0x8b: {  	[tilespmem:s30+$0x10] =	vst v2  }
0x8c: {  	v2 =	vld [tilespmem:s28+$0x20];
	_ =	sdelay $0x2  }
0x8d: {  	s1 =	sadd.s32 $0x60, s0  }
0x8e: {  	s1 =	sand.u32 $0xFE0, s1  }
0x8f: {  	s1 =	sadd.s32 $0x7A120, s1;
	v3 =	vand.u32 $0x1, v2  }
0x90: {  	v4 =	vor.u32 s1, v0;
	v2 =	vshrl.u32 v2, $0x1;
	vm0 =	veq.s32 v3, $0x0  }
0x91: {  	v3 =	vsel vm0, v2, v4;
	v2 =	vsel vm0, v4, v2  }
0x92: {  	[tilespmem:s29+$0x20] =	vst v3  }
0x93: {  	[tilespmem:s30+$0x20] =	vst v2  }
0x94: {  	v2 =	vld [tilespmem:s28+$0x30];
	_ =	sdelay $0x2  }
0x95: {  	s0 =	sadd.s32 $0x70, s0  }
.Ltmp2:
0x96: {  	s0 =	sand.u32 $0xFF0, s0;
	(pc) =	sbr.rel @p0 .LBB2_2-.Ltmp2, $4  }
0x97: {  	s0 =	sadd.s32 $0x7A120, s0;
	v3 =	vand.u32 $0x1, v2  }
0x98: {  	v4 =	vor.u32 s0, v0;
	v2 =	vshrl.u32 v2, $0x1;
	vm0 =	veq.s32 v3, $0x0  }
0x99: {  	v3 =	vsel vm0, v2, v4;
	v2 =	vsel vm0, v4, v2  }
0x9a: {  	[tilespmem:s29+$0x30] =	vst v3  }
0x9b: {  	[tilespmem:s30+$0x30] =	vst v2;
	s28 =	simm.s32 $0x200;
	s0 =	simm.s32 $0x0  }
.LBB2_4:
0x9c: {  	p0 =	sne.s32 s28, $0xFE00;
	[tilespmem:s0+$0x15430] =	vst v1;
	s1 =	smov.u32 s28;
	s28 =	sadd.s32 $0x200, s28  }
.Ltmp3:
0x9d: {  	[tilespmem:s0+$0x15420] =	vst v1;
	(pc) =	sbr.rel @p0 .LBB2_4-.Ltmp3, $3  }
0x9e: {  	[tilespmem:s0+$0x15400] =	vst v1  }
0x9f: {  	[tilespmem:s0+$0x15410] =	vst v1;
	_ =	sdelay $0x1  }
0xa0: {  	s0 =	sshra.s32 s1, $0x2  }
0xa1: {  	[tilespmem:s0+$0x15430] =	vst v1  }
0xa2: {  	[tilespmem:s0+$0x15420] =	vst v1  }
0xa3: {  	[tilespmem:s0+$0x15400] =	vst v1  }
0xa4: {  	[tilespmem:s0+$0x15410] =	vst v1  }
0xa5: {  	[tilespmem:s14], [sflag:$0x1] =	stream.indirect.gather [hbm4b:s3+s12], $0x80, s13, s12, $0xb8;
	[tilespmem:$0x19400] =	vst v63  }
0xa6: {  	_ = 	snop  }
0xa7: {  	[tilespmem:s16], [sflag:$0x3] =	stream.indirect.gather [hbm4b:s3+s12], $0x80, s15, s12, $0xb8;
	[tilespmem:$0x19400] =	vst v63  }
0xa8: {  	_ = 	snop  }
0xa9: {  	[tilespmem:s18], [sflag:$0x2] =	stream.indirect.gather [hbm4b:s3+s12], $0x80, s17, s12, $0xb8;
	[tilespmem:$0x19400] =	vst v63  }
0xaa: {  	s28 =	simm.s32 $0x0  }
0xab: {  	[tilespmem:s20], [sflag:$0x4] =	stream.indirect.gather [hbm4b:s3+s12], $0x80, s19, s12, $0xb8;
	[tilespmem:$0x19400] =	vst v63  }
.LBB2_6:
0xac: {  	_ =	swait.ge [sflag:s21], $0x4000  }
0xad: {  	[sflag:s21] =	ssyncset.done $0x0  }
0xae: {  	[sflag:s21] =	ssyncadd.s32 $0xFFFFC000  }
0xaf: {  	_ =	swait.ge [sflag:s22], $0x4000  }
0xb0: {  	[sflag:s22] =	ssyncset.done $0x0  }
0xb1: {  	s30 =	simm.s32 $0x0;
	[sflag:s22] =	ssyncadd.s32 $0xFFFFC000  }
0xb2: {  	v2 =	vld [tilespmem:s30+$0x55B0]  }
0xb3: {  	v3 =	vld [tilespmem:s30+$0xD5F0]  }
0xb4: {  	v4 =	vld [tilespmem:s30+$0x5400]  }
0xb5: {  	v5 =	vld [tilespmem:s30+$0xD440]  }
0xb6: {  	v6 =	vld [tilespmem:s30+$0x5410]  }
0xb7: {  	v7 =	vld [tilespmem:s30+$0xD450]  }
0xb8: {  	v8 =	vld [tilespmem:s30+$0x5420]  }
0xb9: {  	v9 =	vld [tilespmem:s30+$0xD470]  }
0xba: {  	v10 =	vld [tilespmem:s30+$0x5480]  }
0xbb: {  	v11 =	vld [tilespmem:s30+$0xD4C0]  }
0xbc: {  	v12 =	vld [tilespmem:s30+$0x5490]  }
0xbd: {  	v13 =	vld [tilespmem:s30+$0xD4D0]  }
0xbe: {  	v14 =	vld [tilespmem:s30+$0x54A0]  }
0xbf: {  	v15 =	vld [tilespmem:s30+$0xD4E0]  }
0xc0: {  	v16 =	vld [tilespmem:s30+$0x54B0]  }
0xc1: {  	v17 =	vld [tilespmem:s30+$0xD4F0]  }
0xc2: {  	v18 =	vld [tilespmem:s30+$0x5500]  }
0xc3: {  	v19 =	vld [tilespmem:s30+$0xD540]  }
0xc4: {  	v20 =	vld [tilespmem:s30+$0x5510]  }
0xc5: {  	v21 =	vld [tilespmem:s30+$0xD550]  }
0xc6: {  	v22 =	vld [tilespmem:s30+$0x5520]  }
0xc7: {  	v51 =	vld [tilespmem:s30+$0xD560]  }
0xc8: {  	v23 =	vld [tilespmem:s30+$0x5530]  }
0xc9: {  	v52 =	vld [tilespmem:s30+$0xD570]  }
0xca: {  	v53 =	vld [tilespmem:s30+$0x5580]  }
0xcb: {  	v55 =	vld [tilespmem:s30+$0xD5D0]  }
0xcc: {  	v57 =	vld [tilespmem:s30+$0x55A0]  }
0xcd: {  	v59 =	vld [tilespmem:s30+$0xD5E0];
	v2 =	vadd.f32 v3, v2  }
0xce: {  	v3 =	vld [tilespmem:s30+$0xD460]  }
0xcf: {  	v4 =	vadd.f32 v5, v4;
	[tilespmem:s30+$0x155B0] =	vst.add.f32.msk $0xffff, v2  }
0xd0: {  	v6 =	vadd.f32 v7, v6;
	v2 =	vld [tilespmem:s30+$0x5430]  }
0xd1: {  	v54 =	vadd.f32 v11, v10;
	[tilespmem:s30+$0x15400] =	vst.add.f32.msk $0xffff, v4  }
0xd2: {  	v56 =	vadd.f32 v13, v12;
	[tilespmem:s30+$0x15410] =	vst.add.f32.msk $0xffff, v6  }
0xd3: {  	v58 =	vadd.f32 v15, v14;
	[tilespmem:s30+$0x15480] =	vst.add.f32.msk $0xffff, v54  }
0xd4: {  	[tilespmem:s30+$0x15490] =	vst.add.f32.msk $0xffff, v56;
	v3 =	vadd.f32 v3, v8  }
0xd5: {  	[tilespmem:s30+$0x154A0] =	vst.add.f32.msk $0xffff, v58  }
0xd6: {  	v2 =	vadd.f32 v9, v2;
	[tilespmem:s30+$0x15420] =	vst.add.f32.msk $0xffff, v3  }
0xd7: {  	v3 =	vld [tilespmem:s30+$0xD5C0]  }
0xd8: {  	v60 =	vadd.f32 v17, v16;
	[tilespmem:s30+$0x15430] =	vst.add.f32.msk $0xffff, v2  }
0xd9: {  	v61 =	vadd.f32 v19, v18;
	v2 =	vld [tilespmem:s30+$0x5590]  }
0xda: {  	v62 =	vadd.f32 v21, v20;
	[tilespmem:s30+$0x154B0] =	vst.add.f32.msk $0xffff, v60  }
0xdb: {  	v5 =	vadd.f32 v51, v22;
	[tilespmem:s30+$0x15500] =	vst.add.f32.msk $0xffff, v61  }
0xdc: {  	v4 =	vadd.f32 v52, v23;
	[tilespmem:s30+$0x15510] =	vst.add.f32.msk $0xffff, v62  }
0xdd: {  	[tilespmem:s30+$0x15520] =	vst.add.f32.msk $0xffff, v5;
	v3 =	vadd.f32 v3, v53  }
0xde: {  	[tilespmem:s30+$0x15530] =	vst.add.f32.msk $0xffff, v4;
	v63 =	vadd.f32 v55, v2  }
0xdf: {  	[tilespmem:s30+$0x15580] =	vst.add.f32.msk $0xffff, v3;
	v2 =	vadd.f32 v59, v57  }
0xe0: {  	s0 =	simm.s32 $0x0;
	s29 =	simm.s32 $0x800;
	[tilespmem:s30+$0x15590] =	vst.add.f32.msk $0xffff, v63  }
.LBB2_7:
0xe1: {  	[tilespmem:s30+$0x155A0] =	vst.add.f32.msk $0xffff, v2;
	s30 =	sshra.s32 s29, $0x2  }
0xe2: {  	s0 =	sadd.s32 $0x4, s0;
	v2 =	vld [tilespmem:s30+$0x55B0]  }
0xe3: {  	p0 =	slt.u32 s0, $0x7C;
	v3 =	vld [tilespmem:s30+$0xD5F0]  }
0xe4: {  	v4 =	vld [tilespmem:s30+$0x5400]  }
0xe5: {  	v5 =	vld [tilespmem:s30+$0xD440]  }
0xe6: {  	v6 =	vld [tilespmem:s30+$0x5410]  }
0xe7: {  	v7 =	vld [tilespmem:s30+$0xD450]  }
0xe8: {  	v8 =	vld [tilespmem:s30+$0x5420];
	v2 =	vadd.f32 v3, v2  }
0xe9: {  	v3 =	vld [tilespmem:s30+$0xD460]  }
0xea: {  	v4 =	vadd.f32 v5, v4;
	[tilespmem:s30+$0x155B0] =	vst.add.f32.msk $0xffff, v2  }
0xeb: {  	v2 =	vld [tilespmem:s30+$0x5430]  }
0xec: {  	v5 =	vadd.f32 v7, v6;
	v6 =	vld [tilespmem:s30+$0xD470]  }
0xed: {  	v7 =	vld [tilespmem:s30+$0x5480]  }
0xee: {  	v3 =	vadd.f32 v3, v8;
	v8 =	vld [tilespmem:s30+$0xD4C0]  }
0xef: {  	v9 =	vld [tilespmem:s30+$0x5490]  }
0xf0: {  	v10 =	vld [tilespmem:s30+$0xD4D0]  }
0xf1: {  	v2 =	vadd.f32 v6, v2;
	v6 =	vld [tilespmem:s30+$0x54A0]  }
0xf2: {  	v11 =	vld [tilespmem:s30+$0xD4E0]  }
0xf3: {  	v7 =	vadd.f32 v8, v7;
	v8 =	vld [tilespmem:s30+$0x54B0]  }
0xf4: {  	v12 =	vld [tilespmem:s30+$0xD4F0]  }
0xf5: {  	v9 =	vadd.f32 v10, v9;
	v10 =	vld [tilespmem:s30+$0x5500]  }
0xf6: {  	v13 =	vld [tilespmem:s30+$0xD540]  }
0xf7: {  	v6 =	vadd.f32 v11, v6;
	v11 =	vld [tilespmem:s30+$0x5510]  }
0xf8: {  	v14 =	vld [tilespmem:s30+$0xD550]  }
0xf9: {  	v8 =	vadd.f32 v12, v8;
	v12 =	vld [tilespmem:s30+$0x5520]  }
0xfa: {  	v15 =	vld [tilespmem:s30+$0xD560]  }
0xfb: {  	v10 =	vadd.f32 v13, v10;
	v13 =	vld [tilespmem:s30+$0x5530]  }
0xfc: {  	v16 =	vld [tilespmem:s30+$0xD570]  }
0xfd: {  	v11 =	vadd.f32 v14, v11;
	v14 =	vld [tilespmem:s30+$0x5580]  }
0xfe: {  	v17 =	vld [tilespmem:s30+$0xD5C0]  }
0xff: {  	v12 =	vadd.f32 v15, v12;
	v15 =	vld [tilespmem:s30+$0x5590]  }
0x100: {  	v18 =	vld [tilespmem:s30+$0xD5D0]  }
0x101: {  	v13 =	vadd.f32 v16, v13;
	v16 =	vld [tilespmem:s30+$0x55A0]  }
0x102: {  	v19 =	vld [tilespmem:s30+$0xD5E0]  }
0x103: {  	[tilespmem:s30+$0x15400] =	vst.add.f32.msk $0xffff, v4;
	v4 =	vadd.f32 v17, v14  }
0x104: {  	[tilespmem:s30+$0x15410] =	vst.add.f32.msk $0xffff, v5  }
0x105: {  	[tilespmem:s30+$0x15420] =	vst.add.f32.msk $0xffff, v3;
	v3 =	vadd.f32 v18, v15  }
0x106: {  	[tilespmem:s30+$0x15430] =	vst.add.f32.msk $0xffff, v2  }
0x107: {  	[tilespmem:s30+$0x15480] =	vst.add.f32.msk $0xffff, v7;
	v2 =	vadd.f32 v19, v16  }
0x108: {  	[tilespmem:s30+$0x15490] =	vst.add.f32.msk $0xffff, v9  }
0x109: {  	[tilespmem:s30+$0x154A0] =	vst.add.f32.msk $0xffff, v6  }
0x10a: {  	[tilespmem:s30+$0x154B0] =	vst.add.f32.msk $0xffff, v8  }
0x10b: {  	[tilespmem:s30+$0x15500] =	vst.add.f32.msk $0xffff, v10  }
.Ltmp4:
0x10c: {  	[tilespmem:s30+$0x15510] =	vst.add.f32.msk $0xffff, v11;
	(pc) =	sbr.rel @p0 .LBB2_7-.Ltmp4, $4  }
0x10d: {  	[tilespmem:s30+$0x15520] =	vst.add.f32.msk $0xffff, v12  }
0x10e: {  	[tilespmem:s30+$0x15530] =	vst.add.f32.msk $0xffff, v13  }
0x10f: {  	[tilespmem:s30+$0x15580] =	vst.add.f32.msk $0xffff, v4  }
0x110: {  	s29 =	sadd.s32 $0x800, s29;
	[tilespmem:s30+$0x15590] =	vst.add.f32.msk $0xffff, v3  }
0x111: {  	s29 =	sshll.u32 s28, $0x8;
	p0 =	seq.s32 s28, $0x18  }
0x112: {  	[tilespmem:s30+$0x155A0] =	vst.add.f32.msk $0xffff, v2;
	s0 =	sadd.s32 @!p0 $0x1D00, s29;
	s1 =	simm.s32 @!p0 $0x80;
	s30 =	simm.s32 @!p0 $0x5400  }
0x113: {  	[tilespmem:s30], [sflag:$0x1] =	stream.indirect.gather @!p0 [hbm4b:s3+s1], $0x80, s0, s1, $0xb8;
	[tilespmem:$0x19400] =	vst v63  }
0x114: {  	s0 =	sadd.s32 @!p0 $0x3900, s29;
	s30 =	simm.s32 @!p0 $0xD400  }
0x115: {  	[tilespmem:s30], [sflag:$0x3] =	stream.indirect.gather @!p0 [hbm4b:s3+s1], $0x80, s0, s1, $0xb8;
	[tilespmem:$0x19400] =	vst v63  }
0x116: {  	_ =	swait.ge [sflag:s23], $0x4000  }
0x117: {  	[sflag:s23] =	ssyncset.done $0x0  }
0x118: {  	[sflag:s23] =	ssyncadd.s32 $0xFFFFC000  }
0x119: {  	_ =	swait.ge [sflag:s24], $0x4000  }
0x11a: {  	[sflag:s24] =	ssyncset.done $0x0  }
0x11b: {  	s30 =	simm.s32 $0x0;
	[sflag:s24] =	ssyncadd.s32 $0xFFFFC000  }
0x11c: {  	v2 =	vld [tilespmem:s30+$0x95B0]  }
0x11d: {  	v3 =	vld [tilespmem:s30+$0x115F0]  }
0x11e: {  	v4 =	vld [tilespmem:s30+$0x9400]  }
0x11f: {  	v5 =	vld [tilespmem:s30+$0x11440]  }
0x120: {  	v6 =	vld [tilespmem:s30+$0x9410]  }
0x121: {  	v7 =	vld [tilespmem:s30+$0x11450]  }
0x122: {  	v8 =	vld [tilespmem:s30+$0x9420]  }
0x123: {  	v9 =	vld [tilespmem:s30+$0x11470]  }
0x124: {  	v10 =	vld [tilespmem:s30+$0x9480]  }
0x125: {  	v11 =	vld [tilespmem:s30+$0x114C0]  }
0x126: {  	v12 =	vld [tilespmem:s30+$0x9490]  }
0x127: {  	v13 =	vld [tilespmem:s30+$0x114D0]  }
0x128: {  	v14 =	vld [tilespmem:s30+$0x94A0]  }
0x129: {  	v15 =	vld [tilespmem:s30+$0x114E0]  }
0x12a: {  	v16 =	vld [tilespmem:s30+$0x94B0]  }
0x12b: {  	v17 =	vld [tilespmem:s30+$0x114F0]  }
0x12c: {  	v18 =	vld [tilespmem:s30+$0x9500]  }
0x12d: {  	v19 =	vld [tilespmem:s30+$0x11540]  }
0x12e: {  	v20 =	vld [tilespmem:s30+$0x9510]  }
0x12f: {  	v21 =	vld [tilespmem:s30+$0x11550]  }
0x130: {  	v22 =	vld [tilespmem:s30+$0x9520]  }
0x131: {  	v51 =	vld [tilespmem:s30+$0x11560]  }
0x132: {  	v23 =	vld [tilespmem:s30+$0x9530]  }
0x133: {  	v52 =	vld [tilespmem:s30+$0x11570]  }
0x134: {  	v53 =	vld [tilespmem:s30+$0x9580]  }
0x135: {  	v55 =	vld [tilespmem:s30+$0x115D0]  }
0x136: {  	v57 =	vld [tilespmem:s30+$0x95A0]  }
0x137: {  	v59 =	vld [tilespmem:s30+$0x115E0];
	v2 =	vadd.f32 v3, v2  }
0x138: {  	v3 =	vld [tilespmem:s30+$0x11460]  }
0x139: {  	v4 =	vadd.f32 v5, v4;
	[tilespmem:s30+$0x155B0] =	vst.add.f32.msk $0xffff, v2  }
0x13a: {  	v6 =	vadd.f32 v7, v6;
	v2 =	vld [tilespmem:s30+$0x9430]  }
0x13b: {  	v54 =	vadd.f32 v11, v10;
	[tilespmem:s30+$0x15400] =	vst.add.f32.msk $0xffff, v4  }
0x13c: {  	v56 =	vadd.f32 v13, v12;
	[tilespmem:s30+$0x15410] =	vst.add.f32.msk $0xffff, v6  }
0x13d: {  	v58 =	vadd.f32 v15, v14;
	[tilespmem:s30+$0x15480] =	vst.add.f32.msk $0xffff, v54  }
0x13e: {  	[tilespmem:s30+$0x15490] =	vst.add.f32.msk $0xffff, v56;
	v3 =	vadd.f32 v3, v8  }
0x13f: {  	[tilespmem:s30+$0x154A0] =	vst.add.f32.msk $0xffff, v58  }
0x140: {  	v2 =	vadd.f32 v9, v2;
	[tilespmem:s30+$0x15420] =	vst.add.f32.msk $0xffff, v3  }
0x141: {  	v3 =	vld [tilespmem:s30+$0x115C0]  }
0x142: {  	v60 =	vadd.f32 v17, v16;
	[tilespmem:s30+$0x15430] =	vst.add.f32.msk $0xffff, v2  }
0x143: {  	v61 =	vadd.f32 v19, v18;
	v2 =	vld [tilespmem:s30+$0x9590]  }
0x144: {  	v62 =	vadd.f32 v21, v20;
	[tilespmem:s30+$0x154B0] =	vst.add.f32.msk $0xffff, v60  }
0x145: {  	v5 =	vadd.f32 v51, v22;
	[tilespmem:s30+$0x15500] =	vst.add.f32.msk $0xffff, v61  }
0x146: {  	v4 =	vadd.f32 v52, v23;
	[tilespmem:s30+$0x15510] =	vst.add.f32.msk $0xffff, v62  }
0x147: {  	[tilespmem:s30+$0x15520] =	vst.add.f32.msk $0xffff, v5;
	v3 =	vadd.f32 v3, v53  }
0x148: {  	[tilespmem:s30+$0x15530] =	vst.add.f32.msk $0xffff, v4;
	v63 =	vadd.f32 v55, v2  }
0x149: {  	[tilespmem:s30+$0x15580] =	vst.add.f32.msk $0xffff, v3;
	v2 =	vadd.f32 v59, v57  }
0x14a: {  	s31 =	simm.s32 $0x800;
	s0 =	simm.s32 $0x0;
	[tilespmem:s30+$0x15590] =	vst.add.f32.msk $0xffff, v63  }
.LBB2_9:
0x14b: {  	[tilespmem:s30+$0x155A0] =	vst.add.f32.msk $0xffff, v2;
	s30 =	sshra.s32 s31, $0x2  }
0x14c: {  	s0 =	sadd.s32 $0x4, s0;
	v2 =	vld [tilespmem:s30+$0x95B0]  }
0x14d: {  	p1 =	slt.u32 s0, $0x7C;
	v3 =	vld [tilespmem:s30+$0x115F0]  }
0x14e: {  	v4 =	vld [tilespmem:s30+$0x9400]  }
0x14f: {  	v5 =	vld [tilespmem:s30+$0x11440]  }
0x150: {  	v6 =	vld [tilespmem:s30+$0x9410]  }
0x151: {  	v7 =	vld [tilespmem:s30+$0x11450]  }
0x152: {  	v8 =	vld [tilespmem:s30+$0x9420];
	v2 =	vadd.f32 v3, v2  }
0x153: {  	v3 =	vld [tilespmem:s30+$0x11460]  }
0x154: {  	v4 =	vadd.f32 v5, v4;
	[tilespmem:s30+$0x155B0] =	vst.add.f32.msk $0xffff, v2  }
0x155: {  	v2 =	vld [tilespmem:s30+$0x9430]  }
0x156: {  	v5 =	vadd.f32 v7, v6;
	v6 =	vld [tilespmem:s30+$0x11470]  }
0x157: {  	v7 =	vld [tilespmem:s30+$0x9480]  }
0x158: {  	v3 =	vadd.f32 v3, v8;
	v8 =	vld [tilespmem:s30+$0x114C0]  }
0x159: {  	v9 =	vld [tilespmem:s30+$0x9490]  }
0x15a: {  	v10 =	vld [tilespmem:s30+$0x114D0]  }
0x15b: {  	v2 =	vadd.f32 v6, v2;
	v6 =	vld [tilespmem:s30+$0x94A0]  }
0x15c: {  	v11 =	vld [tilespmem:s30+$0x114E0]  }
0x15d: {  	v7 =	vadd.f32 v8, v7;
	v8 =	vld [tilespmem:s30+$0x94B0]  }
0x15e: {  	v12 =	vld [tilespmem:s30+$0x114F0]  }
0x15f: {  	v9 =	vadd.f32 v10, v9;
	v10 =	vld [tilespmem:s30+$0x9500]  }
0x160: {  	v13 =	vld [tilespmem:s30+$0x11540]  }
0x161: {  	v6 =	vadd.f32 v11, v6;
	v11 =	vld [tilespmem:s30+$0x9510]  }
0x162: {  	v14 =	vld [tilespmem:s30+$0x11550]  }
0x163: {  	v8 =	vadd.f32 v12, v8;
	v12 =	vld [tilespmem:s30+$0x9520]  }
0x164: {  	v15 =	vld [tilespmem:s30+$0x11560]  }
0x165: {  	v10 =	vadd.f32 v13, v10;
	v13 =	vld [tilespmem:s30+$0x9530]  }
0x166: {  	v16 =	vld [tilespmem:s30+$0x11570]  }
0x167: {  	v11 =	vadd.f32 v14, v11;
	v14 =	vld [tilespmem:s30+$0x9580]  }
0x168: {  	v17 =	vld [tilespmem:s30+$0x115C0]  }
0x169: {  	v12 =	vadd.f32 v15, v12;
	v15 =	vld [tilespmem:s30+$0x9590]  }
0x16a: {  	v18 =	vld [tilespmem:s30+$0x115D0]  }
0x16b: {  	v13 =	vadd.f32 v16, v13;
	v16 =	vld [tilespmem:s30+$0x95A0]  }
0x16c: {  	v19 =	vld [tilespmem:s30+$0x115E0]  }
0x16d: {  	[tilespmem:s30+$0x15400] =	vst.add.f32.msk $0xffff, v4;
	v4 =	vadd.f32 v17, v14  }
0x16e: {  	[tilespmem:s30+$0x15410] =	vst.add.f32.msk $0xffff, v5  }
0x16f: {  	[tilespmem:s30+$0x15420] =	vst.add.f32.msk $0xffff, v3;
	v3 =	vadd.f32 v18, v15  }
0x170: {  	[tilespmem:s30+$0x15430] =	vst.add.f32.msk $0xffff, v2  }
0x171: {  	[tilespmem:s30+$0x15480] =	vst.add.f32.msk $0xffff, v7;
	v2 =	vadd.f32 v19, v16  }
0x172: {  	[tilespmem:s30+$0x15490] =	vst.add.f32.msk $0xffff, v9  }
0x173: {  	[tilespmem:s30+$0x154A0] =	vst.add.f32.msk $0xffff, v6  }
0x174: {  	[tilespmem:s30+$0x154B0] =	vst.add.f32.msk $0xffff, v8  }
0x175: {  	[tilespmem:s30+$0x15500] =	vst.add.f32.msk $0xffff, v10  }
.Ltmp5:
0x176: {  	[tilespmem:s30+$0x15510] =	vst.add.f32.msk $0xffff, v11;
	(pc) =	sbr.rel @p1 .LBB2_9-.Ltmp5, $4  }
0x177: {  	[tilespmem:s30+$0x15520] =	vst.add.f32.msk $0xffff, v12  }
0x178: {  	[tilespmem:s30+$0x15530] =	vst.add.f32.msk $0xffff, v13  }
0x179: {  	[tilespmem:s30+$0x15580] =	vst.add.f32.msk $0xffff, v4  }
0x17a: {  	s31 =	sadd.s32 $0x800, s31;
	[tilespmem:s30+$0x15590] =	vst.add.f32.msk $0xffff, v3  }
.Ltmp6:
0x17b: {  	(pc) =	sbr.rel @p0 .LBB2_12-.Ltmp6, $2  }
0x17c: {  	_ =	sdelay $0x2  }
0x17d: {  	[tilespmem:s30+$0x155A0] =	vst.add.f32.msk $0xffff, v2  }
.Ltmp7:
0x17e: {  	(pc) =	sbr.rel .LBB2_6-.Ltmp7, $4  }
0x17f: {  	s0 =	sadd.s32 $0x1D80, s29  }
0x180: {  	[tilespmem:s18], [sflag:$0x2] =	stream.indirect.gather [hbm4b:s3+s12], $0x80, s0, s12, $0xb8;
	[tilespmem:$0x19400] =	vst v63  }
0x181: {  	s31 =	sadd.s32 $0x3980, s29;
	s28 =	sadd.s32 $0x1, s28  }
0x182: {  	[tilespmem:s20], [sflag:$0x4] =	stream.indirect.gather [hbm4b:s3+s12], $0x80, s31, s12, $0xb8;
	[tilespmem:$0x19400] =	vst v63  }
.LBB2_13:
0x183: {  	_ =	sfence.sel $0x180000  }
0x184: {  	[bflag:$0x0] =	sbarrier.arrive $0xFFFF  }
0x185: {  	_ =	strace $0x9000004A  }
0x186: {  	s0 =	stileid.u32;
	[bflag:$0x2] =	sbarrier.arrive $0xFFFF  }
0x187: {  	p0 =	sne.s32 s0, $0x0;
	s0 =	rddreg [dreg:$0x3]  }
0x188: {  	s0 =	sadd.s32 @!p0 $0x100000, s0  }
0x189: {  	[sflag:s0] =	ssyncadd.tile.s32 @!p0 $0x1;
	_ =	shalt  }
.Lfunc_end2:
_tile_overlayer_lowered:
.L_overlay_start_2:
0x18a: {  	(tag) =	ssettag $0x2  }
0x18b: {  	s0 =	rddreg [dreg:$0x0];
	s2 =	stileid.u32  }
0x18c: {  	s1 =	rddreg [dreg:$0x1];
	p0 =	sne.s32 s2, $0x0  }
0x18d: {  	s3 =	rddreg [dreg:$0x2];
	[bflag:$0x3] =	sbarrier.arrive $0xFFFF;
	s2 =	simm.s32 @!p0 $0x1C05  }
0x18e: {  	[timem:s3], [sflag:s2] =	dma.local @!p0 [hbm:s0], s1  }
0x18f: {  	s0 =	simm.s32 @!p0 $0x5  }
0x190: {  	_ =	swait.ge @!p0 [sflag:s0], s1  }
0x191: {  	s1 =	ssub.s32 @!p0 $0x0, s1;
	[sflag:s0] =	ssyncset.done @!p0 $0x0  }
0x192: {  	[sflag:s0] =	ssyncadd.s32 @!p0 s1  }
0x193: {  	[bflag:$0x3] =	sbarrier.arrive $0xFFFF  }
0x194: {  	_ =	shalt  }

</sc_bundles>
